<compile_context>
chip_gen: v7x
topology: tpu7x:2x2x1
jax: 0.10.2.dev20260603
libtpu: 0.0.44.dev20260713+nightly
codegen_flags: <defaults>
</compile_context>

<pallas_src>
import functools

import jax
import jax.numpy as jnp
from jax import lax
from jax.experimental import pallas as pl
from jax.experimental.pallas import tpu as pltpu
from jax.experimental.pallas import tpu_sc as plsc

_NC = 2
_NS = 16
_CH = 2048


def _dense_body(n, f0, f1, x_ref, p_ref, nrm_ref, wz_ref, uz_ref, bz_ref,
                wr_ref, ur_ref, br_ref, wh_ref, uh_ref, bh_ref, w0_ref,
                lw_ref, hv_ref, w_scr):
    t = pl.program_id(0)

    @pl.when(t == 0)
    def _init():
        w_scr[...] = w0_ref[...]

    x = x_ref[0]
    p = p_ref[...]
    y = lax.dot_general(p, x, (((1,), (1,)), ((), ())),
                        preferred_element_type=jnp.float32)
    y = y / nrm_ref[...]

    iota = lax.broadcasted_iota(jnp.int32, (1, n), 1)
    row_k = lax.broadcasted_iota(jnp.int32, (f1, 1), 0)
    y = jnp.where(iota < n, y, -jnp.inf)

    def step(i, carry):
        y_cur, idxs, ms = carry
        m = jnp.max(y_cur)
        idx = jnp.min(jnp.where(y_cur == m, iota, n))
        sel = row_k == i
        idxs = jnp.where(sel, idx, idxs)
        ms = jnp.where(sel, m, ms)
        y_cur = jnp.where(iota == idx, -jnp.inf, y_cur)
        return y_cur, idxs, ms

    _, idxs, ms = lax.fori_loop(
        0, f1, step,
        (y, jnp.zeros((f1, 1), jnp.int32), jnp.zeros((f1, 1), jnp.float32)))

    col = lax.broadcasted_iota(jnp.int32, (f1, n), 1)
    st = jnp.where(col == idxs, ms, 0.0)
    zs = jnp.dot(st, x, preferred_element_type=jnp.float32, precision=lax.Precision.HIGHEST)

    w = w_scr[...]
    zg = jax.nn.sigmoid(jnp.dot(zs, wz_ref[...], preferred_element_type=jnp.float32)
                        + jnp.dot(w, uz_ref[...], preferred_element_type=jnp.float32)
                        + bz_ref[...])
    rg = jax.nn.sigmoid(jnp.dot(zs, wr_ref[...], preferred_element_type=jnp.float32)
                        + jnp.dot(w, ur_ref[...], preferred_element_type=jnp.float32)
                        + br_ref[...])
    ht = jnp.tanh(jnp.dot(zs, wh_ref[...], preferred_element_type=jnp.float32)
                  + jnp.dot(rg * w, uh_ref[...], preferred_element_type=jnp.float32)
                  + bh_ref[...])
    w_new = (1.0 - zg) * w + zg * ht
    w_scr[...] = w_new

    v = jnp.dot(lw_ref[...], w_new, preferred_element_type=jnp.float32, precision=lax.Precision.HIGHEST)
    hv = lax.dot_general(v, x, (((1,), (1,)), ((), ())),
                         preferred_element_type=jnp.float32, precision=lax.Precision.HIGHEST)
    hv_ref[0] = hv


def _dense_stage(X, W_init, p, W_Z, U_Z, B_Z, W_R, U_R, B_R, W_H, U_H, B_H,
                 lin_w):
    T, n, f0 = X.shape
    f1 = W_init.shape[1]
    full = lambda s: pl.BlockSpec(s, lambda t: (0,) * len(s))
    hv = pl.pallas_call(
        functools.partial(_dense_body, n, f0, f1),
        grid=(T,),
        in_specs=[
            pl.BlockSpec((1, n, f0), lambda t: (t, 0, 0)),
            full((1, f0)), full((1, 1)),
            full((f0, f0)), full((f0, f0)), full((f1, f0)),
            full((f0, f0)), full((f0, f0)), full((f1, f0)),
            full((f0, f0)), full((f0, f0)), full((f1, f0)),
            full((f1, f0)), full((1, f1)),
        ],
        out_specs=pl.BlockSpec((1, 1, n), lambda t: (t, 0, 0)),
        out_shape=jax.ShapeDtypeStruct((T, 1, n), jnp.float32),
        scratch_shapes=[pltpu.VMEM((f1, f0), jnp.float32)],
        compiler_params=pltpu.CompilerParams(
            dimension_semantics=("arbitrary",)),
    )(X, p.reshape(1, f0), jnp.linalg.norm(p, 2).reshape(1, 1),
      W_Z.T, U_Z.T, B_Z.T, W_R.T, U_R.T, B_R.T,
      W_H.T, U_H.T, B_H.T, W_init.T, lin_w)
    return hv.reshape(T, n)


def _sc_body(t_per_core, npad, nrow_total, maxng, hv_hbm, cols_hbm, vals_hbm,
             rows_hbm, linb_hbm, out_hbm, hv_v, cols_v, vals_v, rows_v,
             init_v, bias_v, acc_sh, sem):
    cid = lax.axis_index("c")
    sid = lax.axis_index("s")
    r8 = nrow_total // 8
    off = pl.multiple_of(8 * (sid * r8 // _NS), 8)
    off1 = jnp.where(sid == _NS - 1, nrow_total, 8 * ((sid + 1) * r8 // _NS))
    ng = off1 - off
    wbase = npad // _NS
    woff = sid * wbase

    pltpu.sync_copy(linb_hbm, bias_v)
    b = bias_v[...]

    def fill(j, _):
        init_v[pl.ds(j * 16, 16)] = b
        return 0

    lax.fori_loop(0, wbase // 16, fill, 0)

    def init_slice():
        pltpu.sync_copy(init_v, acc_sh.at[pl.ds(woff, wbase)])

    def write_slice(t):
        pltpu.sync_copy(acc_sh.at[pl.ds(woff, wbase)],
                        out_hbm.at[t, pl.ds(woff, wbase)])

    init_slice()
    KW = 16

    def per_t(ti, _):
        t = cid * t_per_core + ti
        pltpu.sync_copy(hv_hbm.at[t], hv_v)
        eoff = pl.multiple_of(off * 128, 128)
        pltpu.sync_copy(cols_hbm.at[t, pl.ds(eoff, maxng * 128)], cols_v)
        pltpu.sync_copy(vals_hbm.at[t, pl.ds(eoff, maxng * 128)], vals_v)
        pltpu.sync_copy(rows_hbm.at[t, pl.ds(off, maxng)], rows_v)
        plsc.subcore_barrier()

        nb8 = ng // 8

        def blk(b, _):
            rblk = rows_v.at[pl.ds(pl.multiple_of(b * 8, 8), 8)]
            for u in range(8):
                sbase = pl.multiple_of((b * 8 + u) * 128, 128)
                for v in range(8):
                    sl = pl.ds(sbase + v * 16, 16)
                    idx = cols_v[sl]
                    vals_v[sl] = plsc.load_gather(hv_v, [idx]) * vals_v[sl]
                pltpu.async_copy(vals_v.at[pl.ds(sbase, 128)],
                                 acc_sh.at[rblk.at[u]], sem, add=True)

            @pl.when(b >= 2)
            def _():
                pblk = rows_v.at[pl.ds(pl.multiple_of((b - 2) * 8, 8), 8)]
                for u in range(8):
                    sbase = pl.multiple_of(((b - 2) * 8 + u) * 128, 128)
                    pltpu.make_async_copy(vals_v.at[pl.ds(sbase, 128)],
                                          acc_sh.at[pblk.at[u]], sem).wait()
            return 0

        lax.fori_loop(0, nb8, blk, 0)

        def drain(j, _):
            dblk = rows_v.at[pl.ds(pl.multiple_of(j * 8, 8), 8)]
            for u in range(8):
                sbase = pl.multiple_of((j * 8 + u) * 128, 128)
                pltpu.make_async_copy(vals_v.at[pl.ds(sbase, 128)],
                                      acc_sh.at[dblk.at[u]], sem).wait()
            return 0

        lax.fori_loop(nb8 - 2, nb8, drain, 0)
        plsc.subcore_barrier()
        write_slice(t)
        init_slice()
        return 0

    lax.fori_loop(0, t_per_core, per_t, 0)


def _sparse_stage(hv, edge_vals, edge_rows, edge_cols, lin_b):
    T, n = hv.shape
    e = edge_vals.shape[1]
    nrow_total = -(-e // 1024) * 8
    ep = nrow_total * 128
    if ep != e:
        edge_cols = jnp.pad(edge_cols, ((0, 0), (0, ep - e)))
        edge_vals = jnp.pad(edge_vals, ((0, 0), (0, ep - e)))
        edge_rows = jnp.pad(edge_rows, ((0, 0), (0, ep - e)))
    r8 = nrow_total // 8
    offs = [8 * (s * r8 // _NS) for s in range(_NS)] + [nrow_total]
    maxng = max(offs[s + 1] - offs[s] for s in range(_NS))
    assert offs[_NS - 1] + maxng <= nrow_total and maxng % 8 == 0
    rows_r = edge_rows.reshape(T, nrow_total, 128)
    linb16 = jnp.full((16,), lin_b[0], jnp.float32)

    npad = -(-n // (_NS * 128)) * _NS * 128
    mesh = plsc.VectorSubcoreMesh(core_axis_name="c", subcore_axis_name="s")
    out = pl.kernel(
        functools.partial(_sc_body, T // _NC, npad, nrow_total, maxng),
        out_type=jax.ShapeDtypeStruct((T, npad), jnp.float32),
        mesh=mesh,
        compiler_params=pltpu.CompilerParams(needs_layout_passes=False),
        scratch_types=[
            pltpu.VMEM((n,), jnp.float32),
            pltpu.VMEM((maxng * 128,), jnp.int32),
            pltpu.VMEM((maxng * 128,), jnp.float32),
            pltpu.VMEM((maxng, 128), jnp.int32),
            pltpu.VMEM((npad // _NS,), jnp.float32),
            pltpu.VMEM((16,), jnp.float32),
            pltpu.VMEM_SHARED((npad,), jnp.float32),
            pltpu.SemaphoreType.DMA,
        ],
    )(hv, edge_cols, edge_vals, rows_r, linb16)
    return out[:, :n]


def kernel(X, W_init, edge_vals, p, W_Z, U_Z, B_Z, W_R, U_R, B_R, W_H, U_H,
           B_H, lin_w, lin_b, edge_rows, edge_cols):
    hv = _dense_stage(X, W_init, p, W_Z, U_Z, B_Z, W_R, U_R, B_R,
                      W_H, U_H, B_H, lin_w)
    return _sparse_stage(hv, edge_vals, edge_rows, edge_cols, lin_b)

# --- scband reference (transcript-rebuilt; emitter-appended) ---
"""Pipeline reference for scband-evolve-gcn-reg-3719441678531 (READ-ONLY COPY).

The authoritative reference and input builder live on the scoring server;
editing this copy changes nothing except your own understanding.
"""

import jax, jax.numpy as jnp
import numpy as np

T, N, F0, F1 = 12, 10000, 128, 32
E = 320000

def setup_inputs(seed: int = 0) -> dict:
    key = jax.random.key(seed)
    ks = jax.random.split(key, 18)
    X = jax.random.normal(ks[0], (T, N, F0), dtype=jnp.float32)
    edge_rows = jnp.sort(jax.random.randint(ks[1], (T, E), 0, N), axis=-1)
    edge_cols = jax.random.randint(ks[2], (T, E), 0, N)
    edge_vals = jax.random.uniform(ks[3], (T, E), dtype=jnp.float32)
    W_init = jax.random.normal(ks[4], (F0, F1), dtype=jnp.float32)
    p = jax.random.normal(ks[5], (F0,), dtype=jnp.float32)
    W_Z = jax.random.normal(ks[6], (F0, F0), dtype=jnp.float32)
    U_Z = jax.random.normal(ks[7], (F0, F0), dtype=jnp.float32)
    B_Z = jax.random.normal(ks[8], (F0, F1), dtype=jnp.float32)
    W_R = jax.random.normal(ks[9], (F0, F0), dtype=jnp.float32)
    U_R = jax.random.normal(ks[10], (F0, F0), dtype=jnp.float32)
    B_R = jax.random.normal(ks[11], (F0, F1), dtype=jnp.float32)
    W_H = jax.random.normal(ks[12], (F0, F0), dtype=jnp.float32)
    U_H = jax.random.normal(ks[13], (F0, F0), dtype=jnp.float32)
    B_H = jax.random.normal(ks[14], (F0, F1), dtype=jnp.float32)
    lin_w = jax.random.normal(ks[15], (1, F1), dtype=jnp.float32) * (1.0 / np.sqrt(F1))
    lin_b = jax.random.uniform(ks[16], (1,), dtype=jnp.float32) * (1.0 / np.sqrt(F1))
    return dict(X=X, W_init=W_init, edge_vals=edge_vals, p=p,
                W_Z=W_Z, U_Z=U_Z, B_Z=B_Z, W_R=W_R, U_R=U_R, B_R=B_R,
                W_H=W_H, U_H=U_H, B_H=B_H, lin_w=lin_w, lin_b=lin_b,
                edge_rows=edge_rows, edge_cols=edge_cols)

def reference(X, W_init, edge_vals, p, W_Z, U_Z, B_Z, W_R, U_R, B_R, W_H, U_H, B_H, lin_w, lin_b, edge_rows, edge_cols):
    sigmoid = jax.nn.sigmoid
    k = W_init.shape[1]
    W = W_init
    Ys = []
    for t in range(X.shape[0]):
        H = X[t]
        # summarize: score nodes, take top-k, rescale
        y = (H @ p) / jnp.linalg.norm(p, 2)
        _, idx = jax.lax.top_k(y, k)
        Zs = H[idx, :] * y[idx][:, None]          # [k, F0]
        Xg = Zs.T                                  # [F0, k]
        # GRU weight evolution
        Zg = sigmoid(W_Z @ Xg + U_Z @ W + B_Z)
        Rg = sigmoid(W_R @ Xg + U_R @ W + B_R)
        Ht = jnp.tanh(W_H @ Xg + U_H @ (Rg * W) + B_H)
        W = (1.0 - Zg) * W + Zg * Ht
        # GCONV: sparse A @ H via gather + segment-sum, then dense matmul
        msgs = edge_vals[t][:, None] * H[edge_cols[t]]
        AH = jax.ops.segment_sum(msgs, edge_rows[t], num_segments=N)
        Ys.append(AH @ W)
    Y = jnp.stack(Ys)                              # [T, N, F1]
    out = Y @ lin_w.T + lin_b                      # [T, N, 1]
    return out.squeeze(2)                          # [T, N]

if __name__ == "__main__":
    import jax
    _d = setup_inputs()
    print(jax.jit(kernel)(*tuple(_d.values())))

</pallas_src>

<mosaic_0001>
#map = affine_map<(d0, d1) -> (0, 0)>
#map1 = affine_map<(d0, d1) -> (0, 0, 0)>
#map2 = affine_map<(d0, d1) -> (0)>
module attributes {stable_mosaic.version = 14 : i64} {
  func.func @_sc_body(%arg0: i32, %arg1: i32, %arg2: memref<12x10000xf32, #tpu.memory_space<hbm>>, %arg3: memref<12x320512xi32, #tpu.memory_space<hbm>>, %arg4: memref<12x320512xf32, #tpu.memory_space<hbm>>, %arg5: memref<12x2504x128xi32, #tpu.memory_space<hbm>>, %arg6: memref<16xf32, #tpu.memory_space<hbm>>, %arg7: memref<12x10240xf32, #tpu.memory_space<hbm>>, %arg8: memref<10000xf32, #tpu.memory_space<vmem>>, %arg9: memref<20480xi32, #tpu.memory_space<vmem>>, %arg10: memref<20480xf32, #tpu.memory_space<vmem>>, %arg11: memref<160x128xi32, #tpu.memory_space<vmem>>, %arg12: memref<640xf32, #tpu.memory_space<vmem>>, %arg13: memref<16xf32, #tpu.memory_space<vmem>>, %arg14: memref<10240xf32, #tpu.memory_space<vmem_shared>>, %arg15: memref<!tpu.dma_semaphore, #tpu.memory_space<semaphore_mem>>) attributes {dimension_semantics = [#tpu.dimension_semantics<core_parallel>, #tpu.dimension_semantics<subcore_parallel>], iteration_bounds = array<i64: 2, 16>, scalar_prefetch = 0 : i64, scratch_operands = 8 : i64, tpu.core_type = #tpu.core_type<sc_vector_subcore>, window_params = [{transform_indices = #map}, {transform_indices = #map}, {transform_indices = #map}, {transform_indices = #map1}, {transform_indices = #map2}, {transform_indices = #map}]} {
    %mul3A = arith.constant 313 : i32
    %mul3A_0 = arith.muli %arg1, %mul3A : i32
    %jit3A = arith.constant 16 : i32
    %div3A = arith.divsi %mul3A_0, %jit3A : i32
    %sign3A = arith.constant 0 : i32
    %sign3A_1 = arith.cmpi sgt, %mul3A_0, %sign3A : i32
    %sign3A_2 = arith.extui %sign3A_1 : i1 to i32
    %sign3A_3 = arith.constant 0 : i32
    %sign3A_4 = arith.cmpi slt, %mul3A_0, %sign3A_3 : i32
    %sign3A_5 = arith.extui %sign3A_4 : i1 to i32
    %sign3A_6 = arith.subi %sign3A_2, %sign3A_5 : i32
    %sign3A_7 = arith.constant 0 : i32
    %sign3A_8 = arith.cmpi sgt, %jit3A, %sign3A_7 : i32
    %sign3A_9 = arith.extui %sign3A_8 : i1 to i32
    %sign3A_10 = arith.constant 0 : i32
    %sign3A_11 = arith.cmpi slt, %jit3A, %sign3A_10 : i32
    %sign3A_12 = arith.extui %sign3A_11 : i1 to i32
    %sign3A_13 = arith.subi %sign3A_9, %sign3A_12 : i32
    %ne3A = arith.cmpi ne, %sign3A_6, %sign3A_13 : i32
    %rem3A = arith.remsi %mul3A_0, %jit3A : i32
    %ne3A_14 = arith.constant 0 : i32
    %ne3A_15 = arith.cmpi ne, %rem3A, %ne3A_14 : i32
    %and3A = arith.andi %ne3A, %ne3A_15 : i1
    %sub3A = arith.constant 1 : i32
    %sub3A_16 = arith.subi %div3A, %sub3A : i32
    %select_n3A = arith.select %and3A, %sub3A_16, %div3A : i32
    %mul3A_17 = arith.constant 8 : i32
    %mul3A_18 = arith.muli %mul3A_17, %select_n3A : i32
    %multiple_of3A = tpu.assume_multiple %mul3A_18, 8 : i32
    %eq3A = arith.constant 15 : i32
    %eq3A_19 = arith.cmpi eq, %arg1, %eq3A : i32
    %add3A = arith.constant 1 : i32
    %add3A_20 = arith.addi %arg1, %add3A : i32
    %mul3A_21 = arith.constant 313 : i32
    %mul3A_22 = arith.muli %add3A_20, %mul3A_21 : i32
    %jit3A_23 = arith.constant 16 : i32
    %div3A_24 = arith.divsi %mul3A_22, %jit3A_23 : i32
    %sign3A_25 = arith.constant 0 : i32
    %sign3A_26 = arith.cmpi sgt, %mul3A_22, %sign3A_25 : i32
    %sign3A_27 = arith.extui %sign3A_26 : i1 to i32
    %sign3A_28 = arith.constant 0 : i32
    %sign3A_29 = arith.cmpi slt, %mul3A_22, %sign3A_28 : i32
    %sign3A_30 = arith.extui %sign3A_29 : i1 to i32
    %sign3A_31 = arith.subi %sign3A_27, %sign3A_30 : i32
    %sign3A_32 = arith.constant 0 : i32
    %sign3A_33 = arith.cmpi sgt, %jit3A_23, %sign3A_32 : i32
    %sign3A_34 = arith.extui %sign3A_33 : i1 to i32
    %sign3A_35 = arith.constant 0 : i32
    %sign3A_36 = arith.cmpi slt, %jit3A_23, %sign3A_35 : i32
    %sign3A_37 = arith.extui %sign3A_36 : i1 to i32
    %sign3A_38 = arith.subi %sign3A_34, %sign3A_37 : i32
    %ne3A_39 = arith.cmpi ne, %sign3A_31, %sign3A_38 : i32
    %rem3A_40 = arith.remsi %mul3A_22, %jit3A_23 : i32
    %ne3A_41 = arith.constant 0 : i32
    %ne3A_42 = arith.cmpi ne, %rem3A_40, %ne3A_41 : i32
    %and3A_43 = arith.andi %ne3A_39, %ne3A_42 : i1
    %sub3A_44 = arith.constant 1 : i32
    %sub3A_45 = arith.subi %div3A_24, %sub3A_44 : i32
    %select_n3A_46 = arith.select %and3A_43, %sub3A_45, %div3A_24 : i32
    %mul3A_47 = arith.constant 8 : i32
    %mul3A_48 = arith.muli %mul3A_47, %select_n3A_46 : i32
    %jit3A_49 = arith.constant 2504 : i32
    %select_n3A_50 = arith.select %eq3A_19, %jit3A_49, %mul3A_48 : i32
    %sub3A_51 = arith.subi %select_n3A_50, %multiple_of3A : i32
    %mul3A_52 = arith.constant 640 : i32
    %mul3A_53 = arith.muli %arg1, %mul3A_52 : i32
    "tpu.region"() ({
      %run_scoped3A = tpu.sem_alloc : memref<!tpu.dma_semaphore, #tpu.memory_space<semaphore_mem>>
      tpu.enqueue_dma source(%arg6 : memref<16xf32, #tpu.memory_space<hbm>>) target(%arg13 : memref<16xf32, #tpu.memory_space<vmem>>) target_semaphore(%run_scoped3A : memref<!tpu.dma_semaphore, #tpu.memory_space<semaphore_mem>>)
      tpu.wait_dma2 semaphore(%run_scoped3A : memref<!tpu.dma_semaphore, #tpu.memory_space<semaphore_mem>>) src(%arg6 : memref<16xf32, #tpu.memory_space<hbm>>) dst(%arg13 : memref<16xf32, #tpu.memory_space<vmem>>)
      tpu.yield
    }) : () -> ()
    %get3A = arith.constant 0 : index
    %get3A_54 = tpu.vector_load %arg13[%get3A] {strides = array<i32>} : memref<16xf32, #tpu.memory_space<vmem>>, vector<16xf32>,
    %scan3A = arith.constant 0 : i32
    %scan3A_55 = arith.constant 0 : i32
    %scan3A_56 = arith.constant 40 : i32
    %scan3A_57 = arith.addi %scan3A_55, %scan3A_56 : i32
    %scan3A_58 = arith.constant 1 : i32
    %scan3A_59 = scf.for %scan3A_68 = %scan3A_55 to %scan3A_57 step %scan3A_58 iter_args(%scan3A_69 = %scan3A) -> (i32)  : i32 {
      %mul3A_70 = arith.constant 16 : i32
      %mul3A_71 = arith.muli %scan3A_68, %mul3A_70 : i32
      %swap3A = arith.index_cast %mul3A_71 : i32 to index
      %swap3A_72 = tpu.vector_load %arg12[%swap3A] {strides = array<i32>} : memref<640xf32, #tpu.memory_space<vmem>>, vector<16xf32>,
      tpu.vector_store %arg12[%swap3A], %get3A_54 {strides = array<i32>} : memref<640xf32, #tpu.memory_space<vmem>>, vector<16xf32>,
      %scan3A_73 = arith.constant 0 : i32
      scf.yield %scan3A_73 : i32
    }
    %scan3A_60 = arith.constant 40 : i32
    "tpu.region"() ({
      %run_scoped3A = tpu.sem_alloc : memref<!tpu.dma_semaphore, #tpu.memory_space<semaphore_mem>>
      %dma_start3A = tpu.memref_slice %arg14[%mul3A_53] : memref<10240xf32, #tpu.memory_space<vmem_shared>> -> memref<640xf32, #tpu.memory_space<vmem_shared>>
      %dma_start3A_68 = tpu.memref_slice %arg14[%mul3A_53] : memref<10240xf32, #tpu.memory_space<vmem_shared>> -> memref<640xf32, #tpu.memory_space<vmem_shared>>
      tpu.enqueue_dma source(%arg12 : memref<640xf32, #tpu.memory_space<vmem>>) target(%dma_start3A_68 : memref<640xf32, #tpu.memory_space<vmem_shared>>) target_semaphore(%run_scoped3A : memref<!tpu.dma_semaphore, #tpu.memory_space<semaphore_mem>>)
      %dma_wait3A = tpu.memref_slice %arg14[%mul3A_53] : memref<10240xf32, #tpu.memory_space<vmem_shared>> -> memref<640xf32, #tpu.memory_space<vmem_shared>>
      %dma_wait3A_69 = tpu.memref_slice %arg14[%mul3A_53] : memref<10240xf32, #tpu.memory_space<vmem_shared>> -> memref<640xf32, #tpu.memory_space<vmem_shared>>
      tpu.wait_dma2 semaphore(%run_scoped3A : memref<!tpu.dma_semaphore, #tpu.memory_space<semaphore_mem>>) src(%arg12 : memref<640xf32, #tpu.memory_space<vmem>>) dst(%dma_wait3A_69 : memref<640xf32, #tpu.memory_space<vmem_shared>>)
      tpu.yield
    }) : () -> ()
    %scan3A_61 = arith.constant 0 : i32
    %scan3A_62 = arith.constant 0 : i32
    %scan3A_63 = arith.constant 6 : i32
    %scan3A_64 = arith.addi %scan3A_62, %scan3A_63 : i32
    %scan3A_65 = arith.constant 1 : i32
    %scan3A_66 = scf.for %scan3A_68 = %scan3A_62 to %scan3A_64 step %scan3A_65 iter_args(%scan3A_69 = %scan3A_61) -> (i32)  : i32 {
      %mul3A_70 = arith.constant 6 : i32
      %mul3A_71 = arith.muli %arg0, %mul3A_70 : i32
      %add3A_72 = arith.addi %mul3A_71, %scan3A_68 : i32
      "tpu.region"() ({
        %run_scoped3A = tpu.sem_alloc : memref<!tpu.dma_semaphore, #tpu.memory_space<semaphore_mem>>
        %dma_start3A = arith.constant 0 : i32
        %dma_start3A_126 = tpu.memref_slice %arg2[%add3A_72, %dma_start3A] : memref<12x10000xf32, #tpu.memory_space<hbm>> -> memref<1x10000xf32, #tpu.memory_space<hbm>>
        %dma_start3A_127 = tpu.memref_squeeze %dma_start3A_126 : memref<1x10000xf32, #tpu.memory_space<hbm>> -> memref<10000xf32, #tpu.memory_space<hbm>>
        %dma_start3A_128 = arith.constant 0 : i32
        %dma_start3A_129 = tpu.memref_slice %arg2[%add3A_72, %dma_start3A_128] : memref<12x10000xf32, #tpu.memory_space<hbm>> -> memref<1x10000xf32, #tpu.memory_space<hbm>>
        %dma_start3A_130 = tpu.memref_squeeze %dma_start3A_129 : memref<1x10000xf32, #tpu.memory_space<hbm>> -> memref<10000xf32, #tpu.memory_space<hbm>>
        tpu.enqueue_dma source(%dma_start3A_130 : memref<10000xf32, #tpu.memory_space<hbm>>) target(%arg8 : memref<10000xf32, #tpu.memory_space<vmem>>) target_semaphore(%run_scoped3A : memref<!tpu.dma_semaphore, #tpu.memory_space<semaphore_mem>>)
        %dma_wait3A = arith.constant 0 : i32
        %dma_wait3A_131 = tpu.memref_slice %arg2[%add3A_72, %dma_wait3A] : memref<12x10000xf32, #tpu.memory_space<hbm>> -> memref<1x10000xf32, #tpu.memory_space<hbm>>
        %dma_wait3A_132 = tpu.memref_squeeze %dma_wait3A_131 : memref<1x10000xf32, #tpu.memory_space<hbm>> -> memref<10000xf32, #tpu.memory_space<hbm>>
        %dma_wait3A_133 = arith.constant 0 : i32
        %dma_wait3A_134 = tpu.memref_slice %arg2[%add3A_72, %dma_wait3A_133] : memref<12x10000xf32, #tpu.memory_space<hbm>> -> memref<1x10000xf32, #tpu.memory_space<hbm>>
        %dma_wait3A_135 = tpu.memref_squeeze %dma_wait3A_134 : memref<1x10000xf32, #tpu.memory_space<hbm>> -> memref<10000xf32, #tpu.memory_space<hbm>>
        tpu.wait_dma2 semaphore(%run_scoped3A : memref<!tpu.dma_semaphore, #tpu.memory_space<semaphore_mem>>) src(%dma_wait3A_135 : memref<10000xf32, #tpu.memory_space<hbm>>) dst(%arg8 : memref<10000xf32, #tpu.memory_space<vmem>>)
        tpu.yield
      }) : () -> ()
      %mul3A_73 = arith.constant 128 : i32
      %mul3A_74 = arith.muli %multiple_of3A, %mul3A_73 : i32
      %multiple_of3A_75 = tpu.assume_multiple %mul3A_74, 128 : i32
      "tpu.region"() ({
        %run_scoped3A = tpu.sem_alloc : memref<!tpu.dma_semaphore, #tpu.memory_space<semaphore_mem>>
        %dma_start3A = tpu.memref_slice %arg3[%add3A_72, %multiple_of3A_75] : memref<12x320512xi32, #tpu.memory_space<hbm>> -> memref<1x20480xi32, #tpu.memory_space<hbm>>
        %dma_start3A_126 = tpu.memref_squeeze %dma_start3A : memref<1x20480xi32, #tpu.memory_space<hbm>> -> memref<20480xi32, #tpu.memory_space<hbm>>
        %dma_start3A_127 = tpu.memref_slice %arg3[%add3A_72, %multiple_of3A_75] : memref<12x320512xi32, #tpu.memory_space<hbm>> -> memref<1x20480xi32, #tpu.memory_space<hbm>>
        %dma_start3A_128 = tpu.memref_squeeze %dma_start3A_127 : memref<1x20480xi32, #tpu.memory_space<hbm>> -> memref<20480xi32, #tpu.memory_space<hbm>>
        tpu.enqueue_dma source(%dma_start3A_128 : memref<20480xi32, #tpu.memory_space<hbm>>) target(%arg9 : memref<20480xi32, #tpu.memory_space<vmem>>) target_semaphore(%run_scoped3A : memref<!tpu.dma_semaphore, #tpu.memory_space<semaphore_mem>>)
        %dma_wait3A = tpu.memref_slice %arg3[%add3A_72, %multiple_of3A_75] : memref<12x320512xi32, #tpu.memory_space<hbm>> -> memref<1x20480xi32, #tpu.memory_space<hbm>>
        %dma_wait3A_129 = tpu.memref_squeeze %dma_wait3A : memref<1x20480xi32, #tpu.memory_space<hbm>> -> memref<20480xi32, #tpu.memory_space<hbm>>
        %dma_wait3A_130 = tpu.memref_slice %arg3[%add3A_72, %multiple_of3A_75] : memref<12x320512xi32, #tpu.memory_space<hbm>> -> memref<1x20480xi32, #tpu.memory_space<hbm>>
        %dma_wait3A_131 = tpu.memref_squeeze %dma_wait3A_130 : memref<1x20480xi32, #tpu.memory_space<hbm>> -> memref<20480xi32, #tpu.memory_space<hbm>>
        tpu.wait_dma2 semaphore(%run_scoped3A : memref<!tpu.dma_semaphore, #tpu.memory_space<semaphore_mem>>) src(%dma_wait3A_131 : memref<20480xi32, #tpu.memory_space<hbm>>) dst(%arg9 : memref<20480xi32, #tpu.memory_space<vmem>>)
        tpu.yield
      }) : () -> ()
      "tpu.region"() ({
        %run_scoped3A = tpu.sem_alloc : memref<!tpu.dma_semaphore, #tpu.memory_space<semaphore_mem>>
        %dma_start3A = tpu.memref_slice %arg4[%add3A_72, %multiple_of3A_75] : memref<12x320512xf32, #tpu.memory_space<hbm>> -> memref<1x20480xf32, #tpu.memory_space<hbm>>
        %dma_start3A_126 = tpu.memref_squeeze %dma_start3A : memref<1x20480xf32, #tpu.memory_space<hbm>> -> memref<20480xf32, #tpu.memory_space<hbm>>
        %dma_start3A_127 = tpu.memref_slice %arg4[%add3A_72, %multiple_of3A_75] : memref<12x320512xf32, #tpu.memory_space<hbm>> -> memref<1x20480xf32, #tpu.memory_space<hbm>>
        %dma_start3A_128 = tpu.memref_squeeze %dma_start3A_127 : memref<1x20480xf32, #tpu.memory_space<hbm>> -> memref<20480xf32, #tpu.memory_space<hbm>>
        tpu.enqueue_dma source(%dma_start3A_128 : memref<20480xf32, #tpu.memory_space<hbm>>) target(%arg10 : memref<20480xf32, #tpu.memory_space<vmem>>) target_semaphore(%run_scoped3A : memref<!tpu.dma_semaphore, #tpu.memory_space<semaphore_mem>>)
        %dma_wait3A = tpu.memref_slice %arg4[%add3A_72, %multiple_of3A_75] : memref<12x320512xf32, #tpu.memory_space<hbm>> -> memref<1x20480xf32, #tpu.memory_space<hbm>>
        %dma_wait3A_129 = tpu.memref_squeeze %dma_wait3A : memref<1x20480xf32, #tpu.memory_space<hbm>> -> memref<20480xf32, #tpu.memory_space<hbm>>
        %dma_wait3A_130 = tpu.memref_slice %arg4[%add3A_72, %multiple_of3A_75] : memref<12x320512xf32, #tpu.memory_space<hbm>> -> memref<1x20480xf32, #tpu.memory_space<hbm>>
        %dma_wait3A_131 = tpu.memref_squeeze %dma_wait3A_130 : memref<1x20480xf32, #tpu.memory_space<hbm>> -> memref<20480xf32, #tpu.memory_space<hbm>>
        tpu.wait_dma2 semaphore(%run_scoped3A : memref<!tpu.dma_semaphore, #tpu.memory_space<semaphore_mem>>) src(%dma_wait3A_131 : memref<20480xf32, #tpu.memory_space<hbm>>) dst(%arg10 : memref<20480xf32, #tpu.memory_space<vmem>>)
        tpu.yield
      }) : () -> ()
      "tpu.region"() ({
        %run_scoped3A = tpu.sem_alloc : memref<!tpu.dma_semaphore, #tpu.memory_space<semaphore_mem>>
        %dma_start3A = arith.constant 0 : i32
        %dma_start3A_126 = tpu.memref_slice %arg5[%add3A_72, %multiple_of3A, %dma_start3A] : memref<12x2504x128xi32, #tpu.memory_space<hbm>> -> memref<1x160x128xi32, #tpu.memory_space<hbm>>
        %dma_start3A_127 = tpu.memref_squeeze %dma_start3A_126 : memref<1x160x128xi32, #tpu.memory_space<hbm>> -> memref<160x128xi32, #tpu.memory_space<hbm>>
        %dma_start3A_128 = arith.constant 0 : i32
        %dma_start3A_129 = tpu.memref_slice %arg5[%add3A_72, %multiple_of3A, %dma_start3A_128] : memref<12x2504x128xi32, #tpu.memory_space<hbm>> -> memref<1x160x128xi32, #tpu.memory_space<hbm>>
        %dma_start3A_130 = tpu.memref_squeeze %dma_start3A_129 : memref<1x160x128xi32, #tpu.memory_space<hbm>> -> memref<160x128xi32, #tpu.memory_space<hbm>>
        tpu.enqueue_dma source(%dma_start3A_130 : memref<160x128xi32, #tpu.memory_space<hbm>>) target(%arg11 : memref<160x128xi32, #tpu.memory_space<vmem>>) target_semaphore(%run_scoped3A : memref<!tpu.dma_semaphore, #tpu.memory_space<semaphore_mem>>)
        %dma_wait3A = arith.constant 0 : i32
        %dma_wait3A_131 = tpu.memref_slice %arg5[%add3A_72, %multiple_of3A, %dma_wait3A] : memref<12x2504x128xi32, #tpu.memory_space<hbm>> -> memref<1x160x128xi32, #tpu.memory_space<hbm>>
        %dma_wait3A_132 = tpu.memref_squeeze %dma_wait3A_131 : memref<1x160x128xi32, #tpu.memory_space<hbm>> -> memref<160x128xi32, #tpu.memory_space<hbm>>
        %dma_wait3A_133 = arith.constant 0 : i32
        %dma_wait3A_134 = tpu.memref_slice %arg5[%add3A_72, %multiple_of3A, %dma_wait3A_133] : memref<12x2504x128xi32, #tpu.memory_space<hbm>> -> memref<1x160x128xi32, #tpu.memory_space<hbm>>
        %dma_wait3A_135 = tpu.memref_squeeze %dma_wait3A_134 : memref<1x160x128xi32, #tpu.memory_space<hbm>> -> memref<160x128xi32, #tpu.memory_space<hbm>>
        tpu.wait_dma2 semaphore(%run_scoped3A : memref<!tpu.dma_semaphore, #tpu.memory_space<semaphore_mem>>) src(%dma_wait3A_135 : memref<160x128xi32, #tpu.memory_space<hbm>>) dst(%arg11 : memref<160x128xi32, #tpu.memory_space<vmem>>)
        tpu.yield
      }) : () -> ()
      %barrier3A = arith.constant 0 : index
      tpu.barrier barrier_id(%barrier3A)
      %jit3A_76 = arith.constant 8 : i32
      %div3A_77 = arith.divsi %sub3A_51, %jit3A_76 : i32
      %sign3A_78 = arith.constant 0 : i32
      %sign3A_79 = arith.cmpi sgt, %sub3A_51, %sign3A_78 : i32
      %sign3A_80 = arith.extui %sign3A_79 : i1 to i32
      %sign3A_81 = arith.constant 0 : i32
      %sign3A_82 = arith.cmpi slt, %sub3A_51, %sign3A_81 : i32
      %sign3A_83 = arith.extui %sign3A_82 : i1 to i32
      %sign3A_84 = arith.subi %sign3A_80, %sign3A_83 : i32
      %sign3A_85 = arith.constant 0 : i32
      %sign3A_86 = arith.cmpi sgt, %jit3A_76, %sign3A_85 : i32
      %sign3A_87 = arith.extui %sign3A_86 : i1 to i32
      %sign3A_88 = arith.constant 0 : i32
      %sign3A_89 = arith.cmpi slt, %jit3A_76, %sign3A_88 : i32
      %sign3A_90 = arith.extui %sign3A_89 : i1 to i32
      %sign3A_91 = arith.subi %sign3A_87, %sign3A_90 : i32
      %ne3A_92 = arith.cmpi ne, %sign3A_84, %sign3A_91 : i32
      %rem3A_93 = arith.remsi %sub3A_51, %jit3A_76 : i32
      %ne3A_94 = arith.constant 0 : i32
      %ne3A_95 = arith.cmpi ne, %rem3A_93, %ne3A_94 : i32
      %and3A_96 = arith.andi %ne3A_92, %ne3A_95 : i1
      %sub3A_97 = arith.constant 1 : i32
      %sub3A_98 = arith.subi %div3A_77, %sub3A_97 : i32
      %select_n3A_99 = arith.select %and3A_96, %sub3A_98, %div3A_77 : i32
      %while3A = arith.constant 0 : i32
      %while3A_100 = arith.constant 0 : i32
      %while3A_101 = arith.subi %select_n3A_99, %while3A : i32
      %while3A_102 = arith.addi %while3A, %while3A_101 : i32
      %while3A_103 = arith.constant 1 : i32
      %while3A_104 = arith.divsi %while3A_101, %while3A_103 : i32
      %while3A_105 = arith.muli %while3A_104, %while3A_103 : i32
      %while3A_106 = arith.addi %while3A, %while3A_105 : i32
      %while3A_107 = arith.constant 1 : i32
      %while3A_108 = scf.for %while3A_126 = %while3A to %while3A_106 step %while3A_107 iter_args(%while3A_127 = %while3A_100) -> (i32)  : i32 {
        %mul3A_128 = arith.constant 8 : i32
        %mul3A_129 = arith.muli %while3A_126, %mul3A_128 : i32
        %multiple_of3A_130 = tpu.assume_multiple %mul3A_129, 8 : i32
        %mul3A_131 = arith.constant 8 : i32
        %mul3A_132 = arith.muli %while3A_126, %mul3A_131 : i32
        %add3A_133 = arith.constant 0 : i32
        %add3A_134 = arith.addi %mul3A_132, %add3A_133 : i32
        %mul3A_135 = arith.constant 128 : i32
        %mul3A_136 = arith.muli %add3A_134, %mul3A_135 : i32
        %multiple_of3A_137 = tpu.assume_multiple %mul3A_136, 128 : i32
        %add3A_138 = arith.constant 0 : i32
        %add3A_139 = arith.addi %multiple_of3A_137, %add3A_138 : i32
        %get3A_140 = arith.index_cast %add3A_139 : i32 to index
        %get3A_141 = tpu.vector_load %arg9[%get3A_140] {strides = array<i32>} : memref<20480xi32, #tpu.memory_space<vmem>>, vector<16xi32>,
        %gather3A = tpu.vector_load_idx %arg8[%get3A_141] : memref<10000xf32, #tpu.memory_space<vmem>>[vector<16xi32>], vector<16xf32>,
        %get3A_142 = arith.index_cast %add3A_139 : i32 to index
        %get3A_143 = tpu.vector_load %arg10[%get3A_142] {strides = array<i32>} : memref<20480xf32, #tpu.memory_space<vmem>>, vector<16xf32>,
        %mul3A_144 = arith.mulf %gather3A, %get3A_143 : vector<16xf32>
        %swap3A = arith.index_cast %add3A_139 : i32 to index
        %swap3A_145 = tpu.vector_load %arg10[%swap3A] {strides = array<i32>} : memref<20480xf32, #tpu.memory_space<vmem>>, vector<16xf32>,
        tpu.vector_store %arg10[%swap3A], %mul3A_144 {strides = array<i32>} : memref<20480xf32, #tpu.memory_space<vmem>>, vector<16xf32>,
        %add3A_146 = arith.constant 16 : i32
        %add3A_147 = arith.addi %multiple_of3A_137, %add3A_146 : i32
        %get3A_148 = arith.index_cast %add3A_147 : i32 to index
        %get3A_149 = tpu.vector_load %arg9[%get3A_148] {strides = array<i32>} : memref<20480xi32, #tpu.memory_space<vmem>>, vector<16xi32>,
        %gather3A_150 = tpu.vector_load_idx %arg8[%get3A_149] : memref<10000xf32, #tpu.memory_space<vmem>>[vector<16xi32>], vector<16xf32>,
        %get3A_151 = arith.index_cast %add3A_147 : i32 to index
        %get3A_152 = tpu.vector_load %arg10[%get3A_151] {strides = array<i32>} : memref<20480xf32, #tpu.memory_space<vmem>>, vector<16xf32>,
        %mul3A_153 = arith.mulf %gather3A_150, %get3A_152 : vector<16xf32>
        %swap3A_154 = arith.index_cast %add3A_147 : i32 to index
        %swap3A_155 = tpu.vector_load %arg10[%swap3A_154] {strides = array<i32>} : memref<20480xf32, #tpu.memory_space<vmem>>, vector<16xf32>,
        tpu.vector_store %arg10[%swap3A_154], %mul3A_153 {strides = array<i32>} : memref<20480xf32, #tpu.memory_space<vmem>>, vector<16xf32>,
        %add3A_156 = arith.constant 32 : i32
        %add3A_157 = arith.addi %multiple_of3A_137, %add3A_156 : i32
        %get3A_158 = arith.index_cast %add3A_157 : i32 to index
        %get3A_159 = tpu.vector_load %arg9[%get3A_158] {strides = array<i32>} : memref<20480xi32, #tpu.memory_space<vmem>>, vector<16xi32>,
        %gather3A_160 = tpu.vector_load_idx %arg8[%get3A_159] : memref<10000xf32, #tpu.memory_space<vmem>>[vector<16xi32>], vector<16xf32>,
        %get3A_161 = arith.index_cast %add3A_157 : i32 to index
        %get3A_162 = tpu.vector_load %arg10[%get3A_161] {strides = array<i32>} : memref<20480xf32, #tpu.memory_space<vmem>>, vector<16xf32>,
        %mul3A_163 = arith.mulf %gather3A_160, %get3A_162 : vector<16xf32>
        %swap3A_164 = arith.index_cast %add3A_157 : i32 to index
        %swap3A_165 = tpu.vector_load %arg10[%swap3A_164] {strides = array<i32>} : memref<20480xf32, #tpu.memory_space<vmem>>, vector<16xf32>,
        tpu.vector_store %arg10[%swap3A_164], %mul3A_163 {strides = array<i32>} : memref<20480xf32, #tpu.memory_space<vmem>>, vector<16xf32>,
        %add3A_166 = arith.constant 48 : i32
        %add3A_167 = arith.addi %multiple_of3A_137, %add3A_166 : i32
        %get3A_168 = arith.index_cast %add3A_167 : i32 to index
        %get3A_169 = tpu.vector_load %arg9[%get3A_168] {strides = array<i32>} : memref<20480xi32, #tpu.memory_space<vmem>>, vector<16xi32>,
        %gather3A_170 = tpu.vector_load_idx %arg8[%get3A_169] : memref<10000xf32, #tpu.memory_space<vmem>>[vector<16xi32>], vector<16xf32>,
        %get3A_171 = arith.index_cast %add3A_167 : i32 to index
        %get3A_172 = tpu.vector_load %arg10[%get3A_171] {strides = array<i32>} : memref<20480xf32, #tpu.memory_space<vmem>>, vector<16xf32>,
        %mul3A_173 = arith.mulf %gather3A_170, %get3A_172 : vector<16xf32>
        %swap3A_174 = arith.index_cast %add3A_167 : i32 to index
        %swap3A_175 = tpu.vector_load %arg10[%swap3A_174] {strides = array<i32>} : memref<20480xf32, #tpu.memory_space<vmem>>, vector<16xf32>,
        tpu.vector_store %arg10[%swap3A_174], %mul3A_173 {strides = array<i32>} : memref<20480xf32, #tpu.memory_space<vmem>>, vector<16xf32>,
        %add3A_176 = arith.constant 64 : i32
        %add3A_177 = arith.addi %multiple_of3A_137, %add3A_176 : i32
        %get3A_178 = arith.index_cast %add3A_177 : i32 to index
        %get3A_179 = tpu.vector_load %arg9[%get3A_178] {strides = array<i32>} : memref<20480xi32, #tpu.memory_space<vmem>>, vector<16xi32>,
        %gather3A_180 = tpu.vector_load_idx %arg8[%get3A_179] : memref<10000xf32, #tpu.memory_space<vmem>>[vector<16xi32>], vector<16xf32>,
        %get3A_181 = arith.index_cast %add3A_177 : i32 to index
        %get3A_182 = tpu.vector_load %arg10[%get3A_181] {strides = array<i32>} : memref<20480xf32, #tpu.memory_space<vmem>>, vector<16xf32>,
        %mul3A_183 = arith.mulf %gather3A_180, %get3A_182 : vector<16xf32>
        %swap3A_184 = arith.index_cast %add3A_177 : i32 to index
        %swap3A_185 = tpu.vector_load %arg10[%swap3A_184] {strides = array<i32>} : memref<20480xf32, #tpu.memory_space<vmem>>, vector<16xf32>,
        tpu.vector_store %arg10[%swap3A_184], %mul3A_183 {strides = array<i32>} : memref<20480xf32, #tpu.memory_space<vmem>>, vector<16xf32>,
        %add3A_186 = arith.constant 80 : i32
        %add3A_187 = arith.addi %multiple_of3A_137, %add3A_186 : i32
        %get3A_188 = arith.index_cast %add3A_187 : i32 to index
        %get3A_189 = tpu.vector_load %arg9[%get3A_188] {strides = array<i32>} : memref<20480xi32, #tpu.memory_space<vmem>>, vector<16xi32>,
        %gather3A_190 = tpu.vector_load_idx %arg8[%get3A_189] : memref<10000xf32, #tpu.memory_space<vmem>>[vector<16xi32>], vector<16xf32>,
        %get3A_191 = arith.index_cast %add3A_187 : i32 to index
        %get3A_192 = tpu.vector_load %arg10[%get3A_191] {strides = array<i32>} : memref<20480xf32, #tpu.memory_space<vmem>>, vector<16xf32>,
        %mul3A_193 = arith.mulf %gather3A_190, %get3A_192 : vector<16xf32>
        %swap3A_194 = arith.index_cast %add3A_187 : i32 to index
        %swap3A_195 = tpu.vector_load %arg10[%swap3A_194] {strides = array<i32>} : memref<20480xf32, #tpu.memory_space<vmem>>, vector<16xf32>,
        tpu.vector_store %arg10[%swap3A_194], %mul3A_193 {strides = array<i32>} : memref<20480xf32, #tpu.memory_space<vmem>>, vector<16xf32>,
        %add3A_196 = arith.constant 96 : i32
        %add3A_197 = arith.addi %multiple_of3A_137, %add3A_196 : i32
        %get3A_198 = arith.index_cast %add3A_197 : i32 to index
        %get3A_199 = tpu.vector_load %arg9[%get3A_198] {strides = array<i32>} : memref<20480xi32, #tpu.memory_space<vmem>>, vector<16xi32>,
        %gather3A_200 = tpu.vector_load_idx %arg8[%get3A_199] : memref<10000xf32, #tpu.memory_space<vmem>>[vector<16xi32>], vector<16xf32>,
        %get3A_201 = arith.index_cast %add3A_197 : i32 to index
        %get3A_202 = tpu.vector_load %arg10[%get3A_201] {strides = array<i32>} : memref<20480xf32, #tpu.memory_space<vmem>>, vector<16xf32>,
        %mul3A_203 = arith.mulf %gather3A_200, %get3A_202 : vector<16xf32>
        %swap3A_204 = arith.index_cast %add3A_197 : i32 to index
        %swap3A_205 = tpu.vector_load %arg10[%swap3A_204] {strides = array<i32>} : memref<20480xf32, #tpu.memory_space<vmem>>, vector<16xf32>,
        tpu.vector_store %arg10[%swap3A_204], %mul3A_203 {strides = array<i32>} : memref<20480xf32, #tpu.memory_space<vmem>>, vector<16xf32>,
        %add3A_206 = arith.constant 112 : i32
        %add3A_207 = arith.addi %multiple_of3A_137, %add3A_206 : i32
        %get3A_208 = arith.index_cast %add3A_207 : i32 to index
        %get3A_209 = tpu.vector_load %arg9[%get3A_208] {strides = array<i32>} : memref<20480xi32, #tpu.memory_space<vmem>>, vector<16xi32>,
        %gather3A_210 = tpu.vector_load_idx %arg8[%get3A_209] : memref<10000xf32, #tpu.memory_space<vmem>>[vector<16xi32>], vector<16xf32>,
        %get3A_211 = arith.index_cast %add3A_207 : i32 to index
        %get3A_212 = tpu.vector_load %arg10[%get3A_211] {strides = array<i32>} : memref<20480xf32, #tpu.memory_space<vmem>>, vector<16xf32>,
        %mul3A_213 = arith.mulf %gather3A_210, %get3A_212 : vector<16xf32>
        %swap3A_214 = arith.index_cast %add3A_207 : i32 to index
        %swap3A_215 = tpu.vector_load %arg10[%swap3A_214] {strides = array<i32>} : memref<20480xf32, #tpu.memory_space<vmem>>, vector<16xf32>,
        tpu.vector_store %arg10[%swap3A_214], %mul3A_213 {strides = array<i32>} : memref<20480xf32, #tpu.memory_space<vmem>>, vector<16xf32>,
        %dma_start3A = arith.constant 0 : i32
        %dma_start3A_216 = tpu.memref_slice %arg10[%multiple_of3A_137] : memref<20480xf32, #tpu.memory_space<vmem>> -> memref<128xf32, #tpu.memory_space<vmem>>
        %dma_start3A_217 = arith.constant 0 : i32
        %dma_start3A_218 = tpu.memref_slice %arg11[%multiple_of3A_130, %dma_start3A_217] : memref<160x128xi32, #tpu.memory_space<vmem>> -> memref<8x128xi32, #tpu.memory_space<vmem>>
        %dma_start3A_219 = arith.constant 0 : i32
        %dma_start3A_220 = tpu.memref_slice %dma_start3A_218[%dma_start3A, %dma_start3A_219] : memref<8x128xi32, #tpu.memory_space<vmem>> -> memref<1x128xi32, #tpu.memory_space<vmem>>
        %dma_start3A_221 = tpu.memref_squeeze %dma_start3A_220 : memref<1x128xi32, #tpu.memory_space<vmem>> -> memref<128xi32, #tpu.memory_space<vmem>>
        %dma_start3A_222 = arith.constant 0 : i32
        %dma_start3A_223 = tpu.memref_slice %arg14[%dma_start3A_222] : memref<10240xf32, #tpu.memory_space<vmem_shared>> -> memref<10240xf32, #tpu.memory_space<vmem_shared>>
        tpu.enqueue_indirect_dma source(%dma_start3A_216 : memref<128xf32, #tpu.memory_space<vmem>>) target(%dma_start3A_223 : memref<10240xf32, #tpu.memory_space<vmem_shared>>) offsets(%dma_start3A_221 : memref<128xi32, #tpu.memory_space<vmem>>) semaphore(%arg15 : memref<!tpu.dma_semaphore, #tpu.memory_space<semaphore_mem>>) {add = true}
        %mul3A_224 = arith.constant 8 : i32
        %mul3A_225 = arith.muli %while3A_126, %mul3A_224 : i32
        %add3A_226 = arith.constant 1 : i32
        %add3A_227 = arith.addi %mul3A_225, %add3A_226 : i32
        %mul3A_228 = arith.constant 128 : i32
        %mul3A_229 = arith.muli %add3A_227, %mul3A_228 : i32
        %multiple_of3A_230 = tpu.assume_multiple %mul3A_229, 128 : i32
        %add3A_231 = arith.constant 0 : i32
        %add3A_232 = arith.addi %multiple_of3A_230, %add3A_231 : i32
        %get3A_233 = arith.index_cast %add3A_232 : i32 to index
        %get3A_234 = tpu.vector_load %arg9[%get3A_233] {strides = array<i32>} : memref<20480xi32, #tpu.memory_space<vmem>>, vector<16xi32>,
        %gather3A_235 = tpu.vector_load_idx %arg8[%get3A_234] : memref<10000xf32, #tpu.memory_space<vmem>>[vector<16xi32>], vector<16xf32>,
        %get3A_236 = arith.index_cast %add3A_232 : i32 to index
        %get3A_237 = tpu.vector_load %arg10[%get3A_236] {strides = array<i32>} : memref<20480xf32, #tpu.memory_space<vmem>>, vector<16xf32>,
        %mul3A_238 = arith.mulf %gather3A_235, %get3A_237 : vector<16xf32>
        %swap3A_239 = arith.index_cast %add3A_232 : i32 to index
        %swap3A_240 = tpu.vector_load %arg10[%swap3A_239] {strides = array<i32>} : memref<20480xf32, #tpu.memory_space<vmem>>, vector<16xf32>,
        tpu.vector_store %arg10[%swap3A_239], %mul3A_238 {strides = array<i32>} : memref<20480xf32, #tpu.memory_space<vmem>>, vector<16xf32>,
        %add3A_241 = arith.constant 16 : i32
        %add3A_242 = arith.addi %multiple_of3A_230, %add3A_241 : i32
        %get3A_243 = arith.index_cast %add3A_242 : i32 to index
        %get3A_244 = tpu.vector_load %arg9[%get3A_243] {strides = array<i32>} : memref<20480xi32, #tpu.memory_space<vmem>>, vector<16xi32>,
        %gather3A_245 = tpu.vector_load_idx %arg8[%get3A_244] : memref<10000xf32, #tpu.memory_space<vmem>>[vector<16xi32>], vector<16xf32>,
        %get3A_246 = arith.index_cast %add3A_242 : i32 to index
        %get3A_247 = tpu.vector_load %arg10[%get3A_246] {strides = array<i32>} : memref<20480xf32, #tpu.memory_space<vmem>>, vector<16xf32>,
        %mul3A_248 = arith.mulf %gather3A_245, %get3A_247 : vector<16xf32>
        %swap3A_249 = arith.index_cast %add3A_242 : i32 to index
        %swap3A_250 = tpu.vector_load %arg10[%swap3A_249] {strides = array<i32>} : memref<20480xf32, #tpu.memory_space<vmem>>, vector<16xf32>,
        tpu.vector_store %arg10[%swap3A_249], %mul3A_248 {strides = array<i32>} : memref<20480xf32, #tpu.memory_space<vmem>>, vector<16xf32>,
        %add3A_251 = arith.constant 32 : i32
        %add3A_252 = arith.addi %multiple_of3A_230, %add3A_251 : i32
        %get3A_253 = arith.index_cast %add3A_252 : i32 to index
        %get3A_254 = tpu.vector_load %arg9[%get3A_253] {strides = array<i32>} : memref<20480xi32, #tpu.memory_space<vmem>>, vector<16xi32>,
        %gather3A_255 = tpu.vector_load_idx %arg8[%get3A_254] : memref<10000xf32, #tpu.memory_space<vmem>>[vector<16xi32>], vector<16xf32>,
        %get3A_256 = arith.index_cast %add3A_252 : i32 to index
        %get3A_257 = tpu.vector_load %arg10[%get3A_256] {strides = array<i32>} : memref<20480xf32, #tpu.memory_space<vmem>>, vector<16xf32>,
        %mul3A_258 = arith.mulf %gather3A_255, %get3A_257 : vector<16xf32>
        %swap3A_259 = arith.index_cast %add3A_252 : i32 to index
        %swap3A_260 = tpu.vector_load %arg10[%swap3A_259] {strides = array<i32>} : memref<20480xf32, #tpu.memory_space<vmem>>, vector<16xf32>,
        tpu.vector_store %arg10[%swap3A_259], %mul3A_258 {strides = array<i32>} : memref<20480xf32, #tpu.memory_space<vmem>>, vector<16xf32>,
        %add3A_261 = arith.constant 48 : i32
        %add3A_262 = arith.addi %multiple_of3A_230, %add3A_261 : i32
        %get3A_263 = arith.index_cast %add3A_262 : i32 to index
        %get3A_264 = tpu.vector_load %arg9[%get3A_263] {strides = array<i32>} : memref<20480xi32, #tpu.memory_space<vmem>>, vector<16xi32>,
        %gather3A_265 = tpu.vector_load_idx %arg8[%get3A_264] : memref<10000xf32, #tpu.memory_space<vmem>>[vector<16xi32>], vector<16xf32>,
        %get3A_266 = arith.index_cast %add3A_262 : i32 to index
        %get3A_267 = tpu.vector_load %arg10[%get3A_266] {strides = array<i32>} : memref<20480xf32, #tpu.memory_space<vmem>>, vector<16xf32>,
        %mul3A_268 = arith.mulf %gather3A_265, %get3A_267 : vector<16xf32>
        %swap3A_269 = arith.index_cast %add3A_262 : i32 to index
        %swap3A_270 = tpu.vector_load %arg10[%swap3A_269] {strides = array<i32>} : memref<20480xf32, #tpu.memory_space<vmem>>, vector<16xf32>,
        tpu.vector_store %arg10[%swap3A_269], %mul3A_268 {strides = array<i32>} : memref<20480xf32, #tpu.memory_space<vmem>>, vector<16xf32>,
        %add3A_271 = arith.constant 64 : i32
        %add3A_272 = arith.addi %multiple_of3A_230, %add3A_271 : i32
        %get3A_273 = arith.index_cast %add3A_272 : i32 to index
        %get3A_274 = tpu.vector_load %arg9[%get3A_273] {strides = array<i32>} : memref<20480xi32, #tpu.memory_space<vmem>>, vector<16xi32>,
        %gather3A_275 = tpu.vector_load_idx %arg8[%get3A_274] : memref<10000xf32, #tpu.memory_space<vmem>>[vector<16xi32>], vector<16xf32>,
        %get3A_276 = arith.index_cast %add3A_272 : i32 to index
        %get3A_277 = tpu.vector_load %arg10[%get3A_276] {strides = array<i32>} : memref<20480xf32, #tpu.memory_space<vmem>>, vector<16xf32>,
        %mul3A_278 = arith.mulf %gather3A_275, %get3A_277 : vector<16xf32>
        %swap3A_279 = arith.index_cast %add3A_272 : i32 to index
        %swap3A_280 = tpu.vector_load %arg10[%swap3A_279] {strides = array<i32>} : memref<20480xf32, #tpu.memory_space<vmem>>, vector<16xf32>,
        tpu.vector_store %arg10[%swap3A_279], %mul3A_278 {strides = array<i32>} : memref<20480xf32, #tpu.memory_space<vmem>>, vector<16xf32>,
        %add3A_281 = arith.constant 80 : i32
        %add3A_282 = arith.addi %multiple_of3A_230, %add3A_281 : i32
        %get3A_283 = arith.index_cast %add3A_282 : i32 to index
        %get3A_284 = tpu.vector_load %arg9[%get3A_283] {strides = array<i32>} : memref<20480xi32, #tpu.memory_space<vmem>>, vector<16xi32>,
        %gather3A_285 = tpu.vector_load_idx %arg8[%get3A_284] : memref<10000xf32, #tpu.memory_space<vmem>>[vector<16xi32>], vector<16xf32>,
        %get3A_286 = arith.index_cast %add3A_282 : i32 to index
        %get3A_287 = tpu.vector_load %arg10[%get3A_286] {strides = array<i32>} : memref<20480xf32, #tpu.memory_space<vmem>>, vector<16xf32>,
        %mul3A_288 = arith.mulf %gather3A_285, %get3A_287 : vector<16xf32>
        %swap3A_289 = arith.index_cast %add3A_282 : i32 to index
        %swap3A_290 = tpu.vector_load %arg10[%swap3A_289] {strides = array<i32>} : memref<20480xf32, #tpu.memory_space<vmem>>, vector<16xf32>,
        tpu.vector_store %arg10[%swap3A_289], %mul3A_288 {strides = array<i32>} : memref<20480xf32, #tpu.memory_space<vmem>>, vector<16xf32>,
        %add3A_291 = arith.constant 96 : i32
        %add3A_292 = arith.addi %multiple_of3A_230, %add3A_291 : i32
        %get3A_293 = arith.index_cast %add3A_292 : i32 to index
        %get3A_294 = tpu.vector_load %arg9[%get3A_293] {strides = array<i32>} : memref<20480xi32, #tpu.memory_space<vmem>>, vector<16xi32>,
        %gather3A_295 = tpu.vector_load_idx %arg8[%get3A_294] : memref<10000xf32, #tpu.memory_space<vmem>>[vector<16xi32>], vector<16xf32>,
        %get3A_296 = arith.index_cast %add3A_292 : i32 to index
        %get3A_297 = tpu.vector_load %arg10[%get3A_296] {strides = array<i32>} : memref<20480xf32, #tpu.memory_space<vmem>>, vector<16xf32>,
        %mul3A_298 = arith.mulf %gather3A_295, %get3A_297 : vector<16xf32>
        %swap3A_299 = arith.index_cast %add3A_292 : i32 to index
        %swap3A_300 = tpu.vector_load %arg10[%swap3A_299] {strides = array<i32>} : memref<20480xf32, #tpu.memory_space<vmem>>, vector<16xf32>,
        tpu.vector_store %arg10[%swap3A_299], %mul3A_298 {strides = array<i32>} : memref<20480xf32, #tpu.memory_space<vmem>>, vector<16xf32>,
        %add3A_301 = arith.constant 112 : i32
        %add3A_302 = arith.addi %multiple_of3A_230, %add3A_301 : i32
        %get3A_303 = arith.index_cast %add3A_302 : i32 to index
        %get3A_304 = tpu.vector_load %arg9[%get3A_303] {strides = array<i32>} : memref<20480xi32, #tpu.memory_space<vmem>>, vector<16xi32>,
        %gather3A_305 = tpu.vector_load_idx %arg8[%get3A_304] : memref<10000xf32, #tpu.memory_space<vmem>>[vector<16xi32>], vector<16xf32>,
        %get3A_306 = arith.index_cast %add3A_302 : i32 to index
        %get3A_307 = tpu.vector_load %arg10[%get3A_306] {strides = array<i32>} : memref<20480xf32, #tpu.memory_space<vmem>>, vector<16xf32>,
        %mul3A_308 = arith.mulf %gather3A_305, %get3A_307 : vector<16xf32>
        %swap3A_309 = arith.index_cast %add3A_302 : i32 to index
        %swap3A_310 = tpu.vector_load %arg10[%swap3A_309] {strides = array<i32>} : memref<20480xf32, #tpu.memory_space<vmem>>, vector<16xf32>,
        tpu.vector_store %arg10[%swap3A_309], %mul3A_308 {strides = array<i32>} : memref<20480xf32, #tpu.memory_space<vmem>>, vector<16xf32>,
        %dma_start3A_311 = arith.constant 1 : i32
        %dma_start3A_312 = tpu.memref_slice %arg10[%multiple_of3A_230] : memref<20480xf32, #tpu.memory_space<vmem>> -> memref<128xf32, #tpu.memory_space<vmem>>
        %dma_start3A_313 = arith.constant 0 : i32
        %dma_start3A_314 = tpu.memref_slice %arg11[%multiple_of3A_130, %dma_start3A_313] : memref<160x128xi32, #tpu.memory_space<vmem>> -> memref<8x128xi32, #tpu.memory_space<vmem>>
        %dma_start3A_315 = arith.constant 0 : i32
        %dma_start3A_316 = tpu.memref_slice %dma_start3A_314[%dma_start3A_311, %dma_start3A_315] : memref<8x128xi32, #tpu.memory_space<vmem>> -> memref<1x128xi32, #tpu.memory_space<vmem>>
        %dma_start3A_317 = tpu.memref_squeeze %dma_start3A_316 : memref<1x128xi32, #tpu.memory_space<vmem>> -> memref<128xi32, #tpu.memory_space<vmem>>
        %dma_start3A_318 = arith.constant 0 : i32
        %dma_start3A_319 = tpu.memref_slice %arg14[%dma_start3A_318] : memref<10240xf32, #tpu.memory_space<vmem_shared>> -> memref<10240xf32, #tpu.memory_space<vmem_shared>>
        tpu.enqueue_indirect_dma source(%dma_start3A_312 : memref<128xf32, #tpu.memory_space<vmem>>) target(%dma_start3A_319 : memref<10240xf32, #tpu.memory_space<vmem_shared>>) offsets(%dma_start3A_317 : memref<128xi32, #tpu.memory_space<vmem>>) semaphore(%arg15 : memref<!tpu.dma_semaphore, #tpu.memory_space<semaphore_mem>>) {add = true}
        %mul3A_320 = arith.constant 8 : i32
        %mul3A_321 = arith.muli %while3A_126, %mul3A_320 : i32
        %add3A_322 = arith.constant 2 : i32
        %add3A_323 = arith.addi %mul3A_321, %add3A_322 : i32
        %mul3A_324 = arith.constant 128 : i32
        %mul3A_325 = arith.muli %add3A_323, %mul3A_324 : i32
        %multiple_of3A_326 = tpu.assume_multiple %mul3A_325, 128 : i32
        %add3A_327 = arith.constant 0 : i32
        %add3A_328 = arith.addi %multiple_of3A_326, %add3A_327 : i32
        %get3A_329 = arith.index_cast %add3A_328 : i32 to index
        %get3A_330 = tpu.vector_load %arg9[%get3A_329] {strides = array<i32>} : memref<20480xi32, #tpu.memory_space<vmem>>, vector<16xi32>,
        %gather3A_331 = tpu.vector_load_idx %arg8[%get3A_330] : memref<10000xf32, #tpu.memory_space<vmem>>[vector<16xi32>], vector<16xf32>,
        %get3A_332 = arith.index_cast %add3A_328 : i32 to index
        %get3A_333 = tpu.vector_load %arg10[%get3A_332] {strides = array<i32>} : memref<20480xf32, #tpu.memory_space<vmem>>, vector<16xf32>,
        %mul3A_334 = arith.mulf %gather3A_331, %get3A_333 : vector<16xf32>
        %swap3A_335 = arith.index_cast %add3A_328 : i32 to index
        %swap3A_336 = tpu.vector_load %arg10[%swap3A_335] {strides = array<i32>} : memref<20480xf32, #tpu.memory_space<vmem>>, vector<16xf32>,
        tpu.vector_store %arg10[%swap3A_335], %mul3A_334 {strides = array<i32>} : memref<20480xf32, #tpu.memory_space<vmem>>, vector<16xf32>,
        %add3A_337 = arith.constant 16 : i32
        %add3A_338 = arith.addi %multiple_of3A_326, %add3A_337 : i32
        %get3A_339 = arith.index_cast %add3A_338 : i32 to index
        %get3A_340 = tpu.vector_load %arg9[%get3A_339] {strides = array<i32>} : memref<20480xi32, #tpu.memory_space<vmem>>, vector<16xi32>,
        %gather3A_341 = tpu.vector_load_idx %arg8[%get3A_340] : memref<10000xf32, #tpu.memory_space<vmem>>[vector<16xi32>], vector<16xf32>,
        %get3A_342 = arith.index_cast %add3A_338 : i32 to index
        %get3A_343 = tpu.vector_load %arg10[%get3A_342] {strides = array<i32>} : memref<20480xf32, #tpu.memory_space<vmem>>, vector<16xf32>,
        %mul3A_344 = arith.mulf %gather3A_341, %get3A_343 : vector<16xf32>
        %swap3A_345 = arith.index_cast %add3A_338 : i32 to index
        %swap3A_346 = tpu.vector_load %arg10[%swap3A_345] {strides = array<i32>} : memref<20480xf32, #tpu.memory_space<vmem>>, vector<16xf32>,
        tpu.vector_store %arg10[%swap3A_345], %mul3A_344 {strides = array<i32>} : memref<20480xf32, #tpu.memory_space<vmem>>, vector<16xf32>,
        %add3A_347 = arith.constant 32 : i32
        %add3A_348 = arith.addi %multiple_of3A_326, %add3A_347 : i32
        %get3A_349 = arith.index_cast %add3A_348 : i32 to index
        %get3A_350 = tpu.vector_load %arg9[%get3A_349] {strides = array<i32>} : memref<20480xi32, #tpu.memory_space<vmem>>, vector<16xi32>,
        %gather3A_351 = tpu.vector_load_idx %arg8[%get3A_350] : memref<10000xf32, #tpu.memory_space<vmem>>[vector<16xi32>], vector<16xf32>,
        %get3A_352 = arith.index_cast %add3A_348 : i32 to index
        %get3A_353 = tpu.vector_load %arg10[%get3A_352] {strides = array<i32>} : memref<20480xf32, #tpu.memory_space<vmem>>, vector<16xf32>,
        %mul3A_354 = arith.mulf %gather3A_351, %get3A_353 : vector<16xf32>
        %swap3A_355 = arith.index_cast %add3A_348 : i32 to index
        %swap3A_356 = tpu.vector_load %arg10[%swap3A_355] {strides = array<i32>} : memref<20480xf32, #tpu.memory_space<vmem>>, vector<16xf32>,
        tpu.vector_store %arg10[%swap3A_355], %mul3A_354 {strides = array<i32>} : memref<20480xf32, #tpu.memory_space<vmem>>, vector<16xf32>,
        %add3A_357 = arith.constant 48 : i32
        %add3A_358 = arith.addi %multiple_of3A_326, %add3A_357 : i32
        %get3A_359 = arith.index_cast %add3A_358 : i32 to index
        %get3A_360 = tpu.vector_load %arg9[%get3A_359] {strides = array<i32>} : memref<20480xi32, #tpu.memory_space<vmem>>, vector<16xi32>,
        %gather3A_361 = tpu.vector_load_idx %arg8[%get3A_360] : memref<10000xf32, #tpu.memory_space<vmem>>[vector<16xi32>], vector<16xf32>,
        %get3A_362 = arith.index_cast %add3A_358 : i32 to index
        %get3A_363 = tpu.vector_load %arg10[%get3A_362] {strides = array<i32>} : memref<20480xf32, #tpu.memory_space<vmem>>, vector<16xf32>,
        %mul3A_364 = arith.mulf %gather3A_361, %get3A_363 : vector<16xf32>
        %swap3A_365 = arith.index_cast %add3A_358 : i32 to index
        %swap3A_366 = tpu.vector_load %arg10[%swap3A_365] {strides = array<i32>} : memref<20480xf32, #tpu.memory_space<vmem>>, vector<16xf32>,
        tpu.vector_store %arg10[%swap3A_365], %mul3A_364 {strides = array<i32>} : memref<20480xf32, #tpu.memory_space<vmem>>, vector<16xf32>,
        %add3A_367 = arith.constant 64 : i32
        %add3A_368 = arith.addi %multiple_of3A_326, %add3A_367 : i32
        %get3A_369 = arith.index_cast %add3A_368 : i32 to index
        %get3A_370 = tpu.vector_load %arg9[%get3A_369] {strides = array<i32>} : memref<20480xi32, #tpu.memory_space<vmem>>, vector<16xi32>,
        %gather3A_371 = tpu.vector_load_idx %arg8[%get3A_370] : memref<10000xf32, #tpu.memory_space<vmem>>[vector<16xi32>], vector<16xf32>,
        %get3A_372 = arith.index_cast %add3A_368 : i32 to index
        %get3A_373 = tpu.vector_load %arg10[%get3A_372] {strides = array<i32>} : memref<20480xf32, #tpu.memory_space<vmem>>, vector<16xf32>,
        %mul3A_374 = arith.mulf %gather3A_371, %get3A_373 : vector<16xf32>
        %swap3A_375 = arith.index_cast %add3A_368 : i32 to index
        %swap3A_376 = tpu.vector_load %arg10[%swap3A_375] {strides = array<i32>} : memref<20480xf32, #tpu.memory_space<vmem>>, vector<16xf32>,
        tpu.vector_store %arg10[%swap3A_375], %mul3A_374 {strides = array<i32>} : memref<20480xf32, #tpu.memory_space<vmem>>, vector<16xf32>,
        %add3A_377 = arith.constant 80 : i32
        %add3A_378 = arith.addi %multiple_of3A_326, %add3A_377 : i32
        %get3A_379 = arith.index_cast %add3A_378 : i32 to index
        %get3A_380 = tpu.vector_load %arg9[%get3A_379] {strides = array<i32>} : memref<20480xi32, #tpu.memory_space<vmem>>, vector<16xi32>,
        %gather3A_381 = tpu.vector_load_idx %arg8[%get3A_380] : memref<10000xf32, #tpu.memory_space<vmem>>[vector<16xi32>], vector<16xf32>,
        %get3A_382 = arith.index_cast %add3A_378 : i32 to index
        %get3A_383 = tpu.vector_load %arg10[%get3A_382] {strides = array<i32>} : memref<20480xf32, #tpu.memory_space<vmem>>, vector<16xf32>,
        %mul3A_384 = arith.mulf %gather3A_381, %get3A_383 : vector<16xf32>
        %swap3A_385 = arith.index_cast %add3A_378 : i32 to index
        %swap3A_386 = tpu.vector_load %arg10[%swap3A_385] {strides = array<i32>} : memref<20480xf32, #tpu.memory_space<vmem>>, vector<16xf32>,
        tpu.vector_store %arg10[%swap3A_385], %mul3A_384 {strides = array<i32>} : memref<20480xf32, #tpu.memory_space<vmem>>, vector<16xf32>,
        %add3A_387 = arith.constant 96 : i32
        %add3A_388 = arith.addi %multiple_of3A_326, %add3A_387 : i32
        %get3A_389 = arith.index_cast %add3A_388 : i32 to index
        %get3A_390 = tpu.vector_load %arg9[%get3A_389] {strides = array<i32>} : memref<20480xi32, #tpu.memory_space<vmem>>, vector<16xi32>,
        %gather3A_391 = tpu.vector_load_idx %arg8[%get3A_390] : memref<10000xf32, #tpu.memory_space<vmem>>[vector<16xi32>], vector<16xf32>,
        %get3A_392 = arith.index_cast %add3A_388 : i32 to index
        %get3A_393 = tpu.vector_load %arg10[%get3A_392] {strides = array<i32>} : memref<20480xf32, #tpu.memory_space<vmem>>, vector<16xf32>,
        %mul3A_394 = arith.mulf %gather3A_391, %get3A_393 : vector<16xf32>
        %swap3A_395 = arith.index_cast %add3A_388 : i32 to index
        %swap3A_396 = tpu.vector_load %arg10[%swap3A_395] {strides = array<i32>} : memref<20480xf32, #tpu.memory_space<vmem>>, vector<16xf32>,
        tpu.vector_store %arg10[%swap3A_395], %mul3A_394 {strides = array<i32>} : memref<20480xf32, #tpu.memory_space<vmem>>, vector<16xf32>,
        %add3A_397 = arith.constant 112 : i32
        %add3A_398 = arith.addi %multiple_of3A_326, %add3A_397 : i32
        %get3A_399 = arith.index_cast %add3A_398 : i32 to index
        %get3A_400 = tpu.vector_load %arg9[%get3A_399] {strides = array<i32>} : memref<20480xi32, #tpu.memory_space<vmem>>, vector<16xi32>,
        %gather3A_401 = tpu.vector_load_idx %arg8[%get3A_400] : memref<10000xf32, #tpu.memory_space<vmem>>[vector<16xi32>], vector<16xf32>,
        %get3A_402 = arith.index_cast %add3A_398 : i32 to index
        %get3A_403 = tpu.vector_load %arg10[%get3A_402] {strides = array<i32>} : memref<20480xf32, #tpu.memory_space<vmem>>, vector<16xf32>,
        %mul3A_404 = arith.mulf %gather3A_401, %get3A_403 : vector<16xf32>
        %swap3A_405 = arith.index_cast %add3A_398 : i32 to index
        %swap3A_406 = tpu.vector_load %arg10[%swap3A_405] {strides = array<i32>} : memref<20480xf32, #tpu.memory_space<vmem>>, vector<16xf32>,
        tpu.vector_store %arg10[%swap3A_405], %mul3A_404 {strides = array<i32>} : memref<20480xf32, #tpu.memory_space<vmem>>, vector<16xf32>,
        %dma_start3A_407 = arith.constant 2 : i32
        %dma_start3A_408 = tpu.memref_slice %arg10[%multiple_of3A_326] : memref<20480xf32, #tpu.memory_space<vmem>> -> memref<128xf32, #tpu.memory_space<vmem>>
        %dma_start3A_409 = arith.constant 0 : i32
        %dma_start3A_410 = tpu.memref_slice %arg11[%multiple_of3A_130, %dma_start3A_409] : memref<160x128xi32, #tpu.memory_space<vmem>> -> memref<8x128xi32, #tpu.memory_space<vmem>>
        %dma_start3A_411 = arith.constant 0 : i32
        %dma_start3A_412 = tpu.memref_slice %dma_start3A_410[%dma_start3A_407, %dma_start3A_411] : memref<8x128xi32, #tpu.memory_space<vmem>> -> memref<1x128xi32, #tpu.memory_space<vmem>>
        %dma_start3A_413 = tpu.memref_squeeze %dma_start3A_412 : memref<1x128xi32, #tpu.memory_space<vmem>> -> memref<128xi32, #tpu.memory_space<vmem>>
        %dma_start3A_414 = arith.constant 0 : i32
        %dma_start3A_415 = tpu.memref_slice %arg14[%dma_start3A_414] : memref<10240xf32, #tpu.memory_space<vmem_shared>> -> memref<10240xf32, #tpu.memory_space<vmem_shared>>
        tpu.enqueue_indirect_dma source(%dma_start3A_408 : memref<128xf32, #tpu.memory_space<vmem>>) target(%dma_start3A_415 : memref<10240xf32, #tpu.memory_space<vmem_shared>>) offsets(%dma_start3A_413 : memref<128xi32, #tpu.memory_space<vmem>>) semaphore(%arg15 : memref<!tpu.dma_semaphore, #tpu.memory_space<semaphore_mem>>) {add = true}
        %mul3A_416 = arith.constant 8 : i32
        %mul3A_417 = arith.muli %while3A_126, %mul3A_416 : i32
        %add3A_418 = arith.constant 3 : i32
        %add3A_419 = arith.addi %mul3A_417, %add3A_418 : i32
        %mul3A_420 = arith.constant 128 : i32
        %mul3A_421 = arith.muli %add3A_419, %mul3A_420 : i32
        %multiple_of3A_422 = tpu.assume_multiple %mul3A_421, 128 : i32
        %add3A_423 = arith.constant 0 : i32
        %add3A_424 = arith.addi %multiple_of3A_422, %add3A_423 : i32
        %get3A_425 = arith.index_cast %add3A_424 : i32 to index
        %get3A_426 = tpu.vector_load %arg9[%get3A_425] {strides = array<i32>} : memref<20480xi32, #tpu.memory_space<vmem>>, vector<16xi32>,
        %gather3A_427 = tpu.vector_load_idx %arg8[%get3A_426] : memref<10000xf32, #tpu.memory_space<vmem>>[vector<16xi32>], vector<16xf32>,
        %get3A_428 = arith.index_cast %add3A_424 : i32 to index
        %get3A_429 = tpu.vector_load %arg10[%get3A_428] {strides = array<i32>} : memref<20480xf32, #tpu.memory_space<vmem>>, vector<16xf32>,
        %mul3A_430 = arith.mulf %gather3A_427, %get3A_429 : vector<16xf32>
        %swap3A_431 = arith.index_cast %add3A_424 : i32 to index
        %swap3A_432 = tpu.vector_load %arg10[%swap3A_431] {strides = array<i32>} : memref<20480xf32, #tpu.memory_space<vmem>>, vector<16xf32>,
        tpu.vector_store %arg10[%swap3A_431], %mul3A_430 {strides = array<i32>} : memref<20480xf32, #tpu.memory_space<vmem>>, vector<16xf32>,
        %add3A_433 = arith.constant 16 : i32
        %add3A_434 = arith.addi %multiple_of3A_422, %add3A_433 : i32
        %get3A_435 = arith.index_cast %add3A_434 : i32 to index
        %get3A_436 = tpu.vector_load %arg9[%get3A_435] {strides = array<i32>} : memref<20480xi32, #tpu.memory_space<vmem>>, vector<16xi32>,
        %gather3A_437 = tpu.vector_load_idx %arg8[%get3A_436] : memref<10000xf32, #tpu.memory_space<vmem>>[vector<16xi32>], vector<16xf32>,
        %get3A_438 = arith.index_cast %add3A_434 : i32 to index
        %get3A_439 = tpu.vector_load %arg10[%get3A_438] {strides = array<i32>} : memref<20480xf32, #tpu.memory_space<vmem>>, vector<16xf32>,
        %mul3A_440 = arith.mulf %gather3A_437, %get3A_439 : vector<16xf32>
        %swap3A_441 = arith.index_cast %add3A_434 : i32 to index
        %swap3A_442 = tpu.vector_load %arg10[%swap3A_441] {strides = array<i32>} : memref<20480xf32, #tpu.memory_space<vmem>>, vector<16xf32>,
        tpu.vector_store %arg10[%swap3A_441], %mul3A_440 {strides = array<i32>} : memref<20480xf32, #tpu.memory_space<vmem>>, vector<16xf32>,
        %add3A_443 = arith.constant 32 : i32
        %add3A_444 = arith.addi %multiple_of3A_422, %add3A_443 : i32
        %get3A_445 = arith.index_cast %add3A_444 : i32 to index
        %get3A_446 = tpu.vector_load %arg9[%get3A_445] {strides = array<i32>} : memref<20480xi32, #tpu.memory_space<vmem>>, vector<16xi32>,
        %gather3A_447 = tpu.vector_load_idx %arg8[%get3A_446] : memref<10000xf32, #tpu.memory_space<vmem>>[vector<16xi32>], vector<16xf32>,
        %get3A_448 = arith.index_cast %add3A_444 : i32 to index
        %get3A_449 = tpu.vector_load %arg10[%get3A_448] {strides = array<i32>} : memref<20480xf32, #tpu.memory_space<vmem>>, vector<16xf32>,
        %mul3A_450 = arith.mulf %gather3A_447, %get3A_449 : vector<16xf32>
        %swap3A_451 = arith.index_cast %add3A_444 : i32 to index
        %swap3A_452 = tpu.vector_load %arg10[%swap3A_451] {strides = array<i32>} : memref<20480xf32, #tpu.memory_space<vmem>>, vector<16xf32>,
        tpu.vector_store %arg10[%swap3A_451], %mul3A_450 {strides = array<i32>} : memref<20480xf32, #tpu.memory_space<vmem>>, vector<16xf32>,
        %add3A_453 = arith.constant 48 : i32
        %add3A_454 = arith.addi %multiple_of3A_422, %add3A_453 : i32
        %get3A_455 = arith.index_cast %add3A_454 : i32 to index
        %get3A_456 = tpu.vector_load %arg9[%get3A_455] {strides = array<i32>} : memref<20480xi32, #tpu.memory_space<vmem>>, vector<16xi32>,
        %gather3A_457 = tpu.vector_load_idx %arg8[%get3A_456] : memref<10000xf32, #tpu.memory_space<vmem>>[vector<16xi32>], vector<16xf32>,
        %get3A_458 = arith.index_cast %add3A_454 : i32 to index
        %get3A_459 = tpu.vector_load %arg10[%get3A_458] {strides = array<i32>} : memref<20480xf32, #tpu.memory_space<vmem>>, vector<16xf32>,
        %mul3A_460 = arith.mulf %gather3A_457, %get3A_459 : vector<16xf32>
        %swap3A_461 = arith.index_cast %add3A_454 : i32 to index
        %swap3A_462 = tpu.vector_load %arg10[%swap3A_461] {strides = array<i32>} : memref<20480xf32, #tpu.memory_space<vmem>>, vector<16xf32>,
        tpu.vector_store %arg10[%swap3A_461], %mul3A_460 {strides = array<i32>} : memref<20480xf32, #tpu.memory_space<vmem>>, vector<16xf32>,
        %add3A_463 = arith.constant 64 : i32
        %add3A_464 = arith.addi %multiple_of3A_422, %add3A_463 : i32
        %get3A_465 = arith.index_cast %add3A_464 : i32 to index
        %get3A_466 = tpu.vector_load %arg9[%get3A_465] {strides = array<i32>} : memref<20480xi32, #tpu.memory_space<vmem>>, vector<16xi32>,
        %gather3A_467 = tpu.vector_load_idx %arg8[%get3A_466] : memref<10000xf32, #tpu.memory_space<vmem>>[vector<16xi32>], vector<16xf32>,
        %get3A_468 = arith.index_cast %add3A_464 : i32 to index
        %get3A_469 = tpu.vector_load %arg10[%get3A_468] {strides = array<i32>} : memref<20480xf32, #tpu.memory_space<vmem>>, vector<16xf32>,
        %mul3A_470 = arith.mulf %gather3A_467, %get3A_469 : vector<16xf32>
        %swap3A_471 = arith.index_cast %add3A_464 : i32 to index
        %swap3A_472 = tpu.vector_load %arg10[%swap3A_471] {strides = array<i32>} : memref<20480xf32, #tpu.memory_space<vmem>>, vector<16xf32>,
        tpu.vector_store %arg10[%swap3A_471], %mul3A_470 {strides = array<i32>} : memref<20480xf32, #tpu.memory_space<vmem>>, vector<16xf32>,
        %add3A_473 = arith.constant 80 : i32
        %add3A_474 = arith.addi %multiple_of3A_422, %add3A_473 : i32
        %get3A_475 = arith.index_cast %add3A_474 : i32 to index
        %get3A_476 = tpu.vector_load %arg9[%get3A_475] {strides = array<i32>} : memref<20480xi32, #tpu.memory_space<vmem>>, vector<16xi32>,
        %gather3A_477 = tpu.vector_load_idx %arg8[%get3A_476] : memref<10000xf32, #tpu.memory_space<vmem>>[vector<16xi32>], vector<16xf32>,
        %get3A_478 = arith.index_cast %add3A_474 : i32 to index
        %get3A_479 = tpu.vector_load %arg10[%get3A_478] {strides = array<i32>} : memref<20480xf32, #tpu.memory_space<vmem>>, vector<16xf32>,
        %mul3A_480 = arith.mulf %gather3A_477, %get3A_479 : vector<16xf32>
        %swap3A_481 = arith.index_cast %add3A_474 : i32 to index
        %swap3A_482 = tpu.vector_load %arg10[%swap3A_481] {strides = array<i32>} : memref<20480xf32, #tpu.memory_space<vmem>>, vector<16xf32>,
        tpu.vector_store %arg10[%swap3A_481], %mul3A_480 {strides = array<i32>} : memref<20480xf32, #tpu.memory_space<vmem>>, vector<16xf32>,
        %add3A_483 = arith.constant 96 : i32
        %add3A_484 = arith.addi %multiple_of3A_422, %add3A_483 : i32
        %get3A_485 = arith.index_cast %add3A_484 : i32 to index
        %get3A_486 = tpu.vector_load %arg9[%get3A_485] {strides = array<i32>} : memref<20480xi32, #tpu.memory_space<vmem>>, vector<16xi32>,
        %gather3A_487 = tpu.vector_load_idx %arg8[%get3A_486] : memref<10000xf32, #tpu.memory_space<vmem>>[vector<16xi32>], vector<16xf32>,
        %get3A_488 = arith.index_cast %add3A_484 : i32 to index
        %get3A_489 = tpu.vector_load %arg10[%get3A_488] {strides = array<i32>} : memref<20480xf32, #tpu.memory_space<vmem>>, vector<16xf32>,
        %mul3A_490 = arith.mulf %gather3A_487, %get3A_489 : vector<16xf32>
        %swap3A_491 = arith.index_cast %add3A_484 : i32 to index
        %swap3A_492 = tpu.vector_load %arg10[%swap3A_491] {strides = array<i32>} : memref<20480xf32, #tpu.memory_space<vmem>>, vector<16xf32>,
        tpu.vector_store %arg10[%swap3A_491], %mul3A_490 {strides = array<i32>} : memref<20480xf32, #tpu.memory_space<vmem>>, vector<16xf32>,
        %add3A_493 = arith.constant 112 : i32
        %add3A_494 = arith.addi %multiple_of3A_422, %add3A_493 : i32
        %get3A_495 = arith.index_cast %add3A_494 : i32 to index
        %get3A_496 = tpu.vector_load %arg9[%get3A_495] {strides = array<i32>} : memref<20480xi32, #tpu.memory_space<vmem>>, vector<16xi32>,
        %gather3A_497 = tpu.vector_load_idx %arg8[%get3A_496] : memref<10000xf32, #tpu.memory_space<vmem>>[vector<16xi32>], vector<16xf32>,
        %get3A_498 = arith.index_cast %add3A_494 : i32 to index
        %get3A_499 = tpu.vector_load %arg10[%get3A_498] {strides = array<i32>} : memref<20480xf32, #tpu.memory_space<vmem>>, vector<16xf32>,
        %mul3A_500 = arith.mulf %gather3A_497, %get3A_499 : vector<16xf32>
        %swap3A_501 = arith.index_cast %add3A_494 : i32 to index
        %swap3A_502 = tpu.vector_load %arg10[%swap3A_501] {strides = array<i32>} : memref<20480xf32, #tpu.memory_space<vmem>>, vector<16xf32>,
        tpu.vector_store %arg10[%swap3A_501], %mul3A_500 {strides = array<i32>} : memref<20480xf32, #tpu.memory_space<vmem>>, vector<16xf32>,
        %dma_start3A_503 = arith.constant 3 : i32
        %dma_start3A_504 = tpu.memref_slice %arg10[%multiple_of3A_422] : memref<20480xf32, #tpu.memory_space<vmem>> -> memref<128xf32, #tpu.memory_space<vmem>>
        %dma_start3A_505 = arith.constant 0 : i32
        %dma_start3A_506 = tpu.memref_slice %arg11[%multiple_of3A_130, %dma_start3A_505] : memref<160x128xi32, #tpu.memory_space<vmem>> -> memref<8x128xi32, #tpu.memory_space<vmem>>
        %dma_start3A_507 = arith.constant 0 : i32
        %dma_start3A_508 = tpu.memref_slice %dma_start3A_506[%dma_start3A_503, %dma_start3A_507] : memref<8x128xi32, #tpu.memory_space<vmem>> -> memref<1x128xi32, #tpu.memory_space<vmem>>
        %dma_start3A_509 = tpu.memref_squeeze %dma_start3A_508 : memref<1x128xi32, #tpu.memory_space<vmem>> -> memref<128xi32, #tpu.memory_space<vmem>>
        %dma_start3A_510 = arith.constant 0 : i32
        %dma_start3A_511 = tpu.memref_slice %arg14[%dma_start3A_510] : memref<10240xf32, #tpu.memory_space<vmem_shared>> -> memref<10240xf32, #tpu.memory_space<vmem_shared>>
        tpu.enqueue_indirect_dma source(%dma_start3A_504 : memref<128xf32, #tpu.memory_space<vmem>>) target(%dma_start3A_511 : memref<10240xf32, #tpu.memory_space<vmem_shared>>) offsets(%dma_start3A_509 : memref<128xi32, #tpu.memory_space<vmem>>) semaphore(%arg15 : memref<!tpu.dma_semaphore, #tpu.memory_space<semaphore_mem>>) {add = true}
        %mul3A_512 = arith.constant 8 : i32
        %mul3A_513 = arith.muli %while3A_126, %mul3A_512 : i32
        %add3A_514 = arith.constant 4 : i32
        %add3A_515 = arith.addi %mul3A_513, %add3A_514 : i32
        %mul3A_516 = arith.constant 128 : i32
        %mul3A_517 = arith.muli %add3A_515, %mul3A_516 : i32
        %multiple_of3A_518 = tpu.assume_multiple %mul3A_517, 128 : i32
        %add3A_519 = arith.constant 0 : i32
        %add3A_520 = arith.addi %multiple_of3A_518, %add3A_519 : i32
        %get3A_521 = arith.index_cast %add3A_520 : i32 to index
        %get3A_522 = tpu.vector_load %arg9[%get3A_521] {strides = array<i32>} : memref<20480xi32, #tpu.memory_space<vmem>>, vector<16xi32>,
        %gather3A_523 = tpu.vector_load_idx %arg8[%get3A_522] : memref<10000xf32, #tpu.memory_space<vmem>>[vector<16xi32>], vector<16xf32>,
        %get3A_524 = arith.index_cast %add3A_520 : i32 to index
        %get3A_525 = tpu.vector_load %arg10[%get3A_524] {strides = array<i32>} : memref<20480xf32, #tpu.memory_space<vmem>>, vector<16xf32>,
        %mul3A_526 = arith.mulf %gather3A_523, %get3A_525 : vector<16xf32>
        %swap3A_527 = arith.index_cast %add3A_520 : i32 to index
        %swap3A_528 = tpu.vector_load %arg10[%swap3A_527] {strides = array<i32>} : memref<20480xf32, #tpu.memory_space<vmem>>, vector<16xf32>,
        tpu.vector_store %arg10[%swap3A_527], %mul3A_526 {strides = array<i32>} : memref<20480xf32, #tpu.memory_space<vmem>>, vector<16xf32>,
        %add3A_529 = arith.constant 16 : i32
        %add3A_530 = arith.addi %multiple_of3A_518, %add3A_529 : i32
        %get3A_531 = arith.index_cast %add3A_530 : i32 to index
        %get3A_532 = tpu.vector_load %arg9[%get3A_531] {strides = array<i32>} : memref<20480xi32, #tpu.memory_space<vmem>>, vector<16xi32>,
        %gather3A_533 = tpu.vector_load_idx %arg8[%get3A_532] : memref<10000xf32, #tpu.memory_space<vmem>>[vector<16xi32>], vector<16xf32>,
        %get3A_534 = arith.index_cast %add3A_530 : i32 to index
        %get3A_535 = tpu.vector_load %arg10[%get3A_534] {strides = array<i32>} : memref<20480xf32, #tpu.memory_space<vmem>>, vector<16xf32>,
        %mul3A_536 = arith.mulf %gather3A_533, %get3A_535 : vector<16xf32>
        %swap3A_537 = arith.index_cast %add3A_530 : i32 to index
        %swap3A_538 = tpu.vector_load %arg10[%swap3A_537] {strides = array<i32>} : memref<20480xf32, #tpu.memory_space<vmem>>, vector<16xf32>,
        tpu.vector_store %arg10[%swap3A_537], %mul3A_536 {strides = array<i32>} : memref<20480xf32, #tpu.memory_space<vmem>>, vector<16xf32>,
        %add3A_539 = arith.constant 32 : i32
        %add3A_540 = arith.addi %multiple_of3A_518, %add3A_539 : i32
        %get3A_541 = arith.index_cast %add3A_540 : i32 to index
        %get3A_542 = tpu.vector_load %arg9[%get3A_541] {strides = array<i32>} : memref<20480xi32, #tpu.memory_space<vmem>>, vector<16xi32>,
        %gather3A_543 = tpu.vector_load_idx %arg8[%get3A_542] : memref<10000xf32, #tpu.memory_space<vmem>>[vector<16xi32>], vector<16xf32>,
        %get3A_544 = arith.index_cast %add3A_540 : i32 to index
        %get3A_545 = tpu.vector_load %arg10[%get3A_544] {strides = array<i32>} : memref<20480xf32, #tpu.memory_space<vmem>>, vector<16xf32>,
        %mul3A_546 = arith.mulf %gather3A_543, %get3A_545 : vector<16xf32>
        %swap3A_547 = arith.index_cast %add3A_540 : i32 to index
        %swap3A_548 = tpu.vector_load %arg10[%swap3A_547] {strides = array<i32>} : memref<20480xf32, #tpu.memory_space<vmem>>, vector<16xf32>,
        tpu.vector_store %arg10[%swap3A_547], %mul3A_546 {strides = array<i32>} : memref<20480xf32, #tpu.memory_space<vmem>>, vector<16xf32>,
        %add3A_549 = arith.constant 48 : i32
        %add3A_550 = arith.addi %multiple_of3A_518, %add3A_549 : i32
        %get3A_551 = arith.index_cast %add3A_550 : i32 to index
        %get3A_552 = tpu.vector_load %arg9[%get3A_551] {strides = array<i32>} : memref<20480xi32, #tpu.memory_space<vmem>>, vector<16xi32>,
        %gather3A_553 = tpu.vector_load_idx %arg8[%get3A_552] : memref<10000xf32, #tpu.memory_space<vmem>>[vector<16xi32>], vector<16xf32>,
        %get3A_554 = arith.index_cast %add3A_550 : i32 to index
        %get3A_555 = tpu.vector_load %arg10[%get3A_554] {strides = array<i32>} : memref<20480xf32, #tpu.memory_space<vmem>>, vector<16xf32>,
        %mul3A_556 = arith.mulf %gather3A_553, %get3A_555 : vector<16xf32>
        %swap3A_557 = arith.index_cast %add3A_550 : i32 to index
        %swap3A_558 = tpu.vector_load %arg10[%swap3A_557] {strides = array<i32>} : memref<20480xf32, #tpu.memory_space<vmem>>, vector<16xf32>,
        tpu.vector_store %arg10[%swap3A_557], %mul3A_556 {strides = array<i32>} : memref<20480xf32, #tpu.memory_space<vmem>>, vector<16xf32>,
        %add3A_559 = arith.constant 64 : i32
        %add3A_560 = arith.addi %multiple_of3A_518, %add3A_559 : i32
        %get3A_561 = arith.index_cast %add3A_560 : i32 to index
        %get3A_562 = tpu.vector_load %arg9[%get3A_561] {strides = array<i32>} : memref<20480xi32, #tpu.memory_space<vmem>>, vector<16xi32>,
        %gather3A_563 = tpu.vector_load_idx %arg8[%get3A_562] : memref<10000xf32, #tpu.memory_space<vmem>>[vector<16xi32>], vector<16xf32>,
        %get3A_564 = arith.index_cast %add3A_560 : i32 to index
        %get3A_565 = tpu.vector_load %arg10[%get3A_564] {strides = array<i32>} : memref<20480xf32, #tpu.memory_space<vmem>>, vector<16xf32>,
        %mul3A_566 = arith.mulf %gather3A_563, %get3A_565 : vector<16xf32>
        %swap3A_567 = arith.index_cast %add3A_560 : i32 to index
        %swap3A_568 = tpu.vector_load %arg10[%swap3A_567] {strides = array<i32>} : memref<20480xf32, #tpu.memory_space<vmem>>, vector<16xf32>,
        tpu.vector_store %arg10[%swap3A_567], %mul3A_566 {strides = array<i32>} : memref<20480xf32, #tpu.memory_space<vmem>>, vector<16xf32>,
        %add3A_569 = arith.constant 80 : i32
        %add3A_570 = arith.addi %multiple_of3A_518, %add3A_569 : i32
        %get3A_571 = arith.index_cast %add3A_570 : i32 to index
        %get3A_572 = tpu.vector_load %arg9[%get3A_571] {strides = array<i32>} : memref<20480xi32, #tpu.memory_space<vmem>>, vector<16xi32>,
        %gather3A_573 = tpu.vector_load_idx %arg8[%get3A_572] : memref<10000xf32, #tpu.memory_space<vmem>>[vector<16xi32>], vector<16xf32>,
        %get3A_574 = arith.index_cast %add3A_570 : i32 to index
        %get3A_575 = tpu.vector_load %arg10[%get3A_574] {strides = array<i32>} : memref<20480xf32, #tpu.memory_space<vmem>>, vector<16xf32>,
        %mul3A_576 = arith.mulf %gather3A_573, %get3A_575 : vector<16xf32>
        %swap3A_577 = arith.index_cast %add3A_570 : i32 to index
        %swap3A_578 = tpu.vector_load %arg10[%swap3A_577] {strides = array<i32>} : memref<20480xf32, #tpu.memory_space<vmem>>, vector<16xf32>,
        tpu.vector_store %arg10[%swap3A_577], %mul3A_576 {strides = array<i32>} : memref<20480xf32, #tpu.memory_space<vmem>>, vector<16xf32>,
        %add3A_579 = arith.constant 96 : i32
        %add3A_580 = arith.addi %multiple_of3A_518, %add3A_579 : i32
        %get3A_581 = arith.index_cast %add3A_580 : i32 to index
        %get3A_582 = tpu.vector_load %arg9[%get3A_581] {strides = array<i32>} : memref<20480xi32, #tpu.memory_space<vmem>>, vector<16xi32>,
        %gather3A_583 = tpu.vector_load_idx %arg8[%get3A_582] : memref<10000xf32, #tpu.memory_space<vmem>>[vector<16xi32>], vector<16xf32>,
        %get3A_584 = arith.index_cast %add3A_580 : i32 to index
        %get3A_585 = tpu.vector_load %arg10[%get3A_584] {strides = array<i32>} : memref<20480xf32, #tpu.memory_space<vmem>>, vector<16xf32>,
        %mul3A_586 = arith.mulf %gather3A_583, %get3A_585 : vector<16xf32>
        %swap3A_587 = arith.index_cast %add3A_580 : i32 to index
        %swap3A_588 = tpu.vector_load %arg10[%swap3A_587] {strides = array<i32>} : memref<20480xf32, #tpu.memory_space<vmem>>, vector<16xf32>,
        tpu.vector_store %arg10[%swap3A_587], %mul3A_586 {strides = array<i32>} : memref<20480xf32, #tpu.memory_space<vmem>>, vector<16xf32>,
        %add3A_589 = arith.constant 112 : i32
        %add3A_590 = arith.addi %multiple_of3A_518, %add3A_589 : i32
        %get3A_591 = arith.index_cast %add3A_590 : i32 to index
        %get3A_592 = tpu.vector_load %arg9[%get3A_591] {strides = array<i32>} : memref<20480xi32, #tpu.memory_space<vmem>>, vector<16xi32>,
        %gather3A_593 = tpu.vector_load_idx %arg8[%get3A_592] : memref<10000xf32, #tpu.memory_space<vmem>>[vector<16xi32>], vector<16xf32>,
        %get3A_594 = arith.index_cast %add3A_590 : i32 to index
        %get3A_595 = tpu.vector_load %arg10[%get3A_594] {strides = array<i32>} : memref<20480xf32, #tpu.memory_space<vmem>>, vector<16xf32>,
        %mul3A_596 = arith.mulf %gather3A_593, %get3A_595 : vector<16xf32>
        %swap3A_597 = arith.index_cast %add3A_590 : i32 to index
        %swap3A_598 = tpu.vector_load %arg10[%swap3A_597] {strides = array<i32>} : memref<20480xf32, #tpu.memory_space<vmem>>, vector<16xf32>,
        tpu.vector_store %arg10[%swap3A_597], %mul3A_596 {strides = array<i32>} : memref<20480xf32, #tpu.memory_space<vmem>>, vector<16xf32>,
        %dma_start3A_599 = arith.constant 4 : i32
        %dma_start3A_600 = tpu.memref_slice %arg10[%multiple_of3A_518] : memref<20480xf32, #tpu.memory_space<vmem>> -> memref<128xf32, #tpu.memory_space<vmem>>
        %dma_start3A_601 = arith.constant 0 : i32
        %dma_start3A_602 = tpu.memref_slice %arg11[%multiple_of3A_130, %dma_start3A_601] : memref<160x128xi32, #tpu.memory_space<vmem>> -> memref<8x128xi32, #tpu.memory_space<vmem>>
        %dma_start3A_603 = arith.constant 0 : i32
        %dma_start3A_604 = tpu.memref_slice %dma_start3A_602[%dma_start3A_599, %dma_start3A_603] : memref<8x128xi32, #tpu.memory_space<vmem>> -> memref<1x128xi32, #tpu.memory_space<vmem>>
        %dma_start3A_605 = tpu.memref_squeeze %dma_start3A_604 : memref<1x128xi32, #tpu.memory_space<vmem>> -> memref<128xi32, #tpu.memory_space<vmem>>
        %dma_start3A_606 = arith.constant 0 : i32
        %dma_start3A_607 = tpu.memref_slice %arg14[%dma_start3A_606] : memref<10240xf32, #tpu.memory_space<vmem_shared>> -> memref<10240xf32, #tpu.memory_space<vmem_shared>>
        tpu.enqueue_indirect_dma source(%dma_start3A_600 : memref<128xf32, #tpu.memory_space<vmem>>) target(%dma_start3A_607 : memref<10240xf32, #tpu.memory_space<vmem_shared>>) offsets(%dma_start3A_605 : memref<128xi32, #tpu.memory_space<vmem>>) semaphore(%arg15 : memref<!tpu.dma_semaphore, #tpu.memory_space<semaphore_mem>>) {add = true}
        %mul3A_608 = arith.constant 8 : i32
        %mul3A_609 = arith.muli %while3A_126, %mul3A_608 : i32
        %add3A_610 = arith.constant 5 : i32
        %add3A_611 = arith.addi %mul3A_609, %add3A_610 : i32
        %mul3A_612 = arith.constant 128 : i32
        %mul3A_613 = arith.muli %add3A_611, %mul3A_612 : i32
        %multiple_of3A_614 = tpu.assume_multiple %mul3A_613, 128 : i32
        %add3A_615 = arith.constant 0 : i32
        %add3A_616 = arith.addi %multiple_of3A_614, %add3A_615 : i32
        %get3A_617 = arith.index_cast %add3A_616 : i32 to index
        %get3A_618 = tpu.vector_load %arg9[%get3A_617] {strides = array<i32>} : memref<20480xi32, #tpu.memory_space<vmem>>, vector<16xi32>,
        %gather3A_619 = tpu.vector_load_idx %arg8[%get3A_618] : memref<10000xf32, #tpu.memory_space<vmem>>[vector<16xi32>], vector<16xf32>,
        %get3A_620 = arith.index_cast %add3A_616 : i32 to index
        %get3A_621 = tpu.vector_load %arg10[%get3A_620] {strides = array<i32>} : memref<20480xf32, #tpu.memory_space<vmem>>, vector<16xf32>,
        %mul3A_622 = arith.mulf %gather3A_619, %get3A_621 : vector<16xf32>
        %swap3A_623 = arith.index_cast %add3A_616 : i32 to index
        %swap3A_624 = tpu.vector_load %arg10[%swap3A_623] {strides = array<i32>} : memref<20480xf32, #tpu.memory_space<vmem>>, vector<16xf32>,
        tpu.vector_store %arg10[%swap3A_623], %mul3A_622 {strides = array<i32>} : memref<20480xf32, #tpu.memory_space<vmem>>, vector<16xf32>,
        %add3A_625 = arith.constant 16 : i32
        %add3A_626 = arith.addi %multiple_of3A_614, %add3A_625 : i32
        %get3A_627 = arith.index_cast %add3A_626 : i32 to index
        %get3A_628 = tpu.vector_load %arg9[%get3A_627] {strides = array<i32>} : memref<20480xi32, #tpu.memory_space<vmem>>, vector<16xi32>,
        %gather3A_629 = tpu.vector_load_idx %arg8[%get3A_628] : memref<10000xf32, #tpu.memory_space<vmem>>[vector<16xi32>], vector<16xf32>,
        %get3A_630 = arith.index_cast %add3A_626 : i32 to index
        %get3A_631 = tpu.vector_load %arg10[%get3A_630] {strides = array<i32>} : memref<20480xf32, #tpu.memory_space<vmem>>, vector<16xf32>,
        %mul3A_632 = arith.mulf %gather3A_629, %get3A_631 : vector<16xf32>
        %swap3A_633 = arith.index_cast %add3A_626 : i32 to index
        %swap3A_634 = tpu.vector_load %arg10[%swap3A_633] {strides = array<i32>} : memref<20480xf32, #tpu.memory_space<vmem>>, vector<16xf32>,
        tpu.vector_store %arg10[%swap3A_633], %mul3A_632 {strides = array<i32>} : memref<20480xf32, #tpu.memory_space<vmem>>, vector<16xf32>,
        %add3A_635 = arith.constant 32 : i32
        %add3A_636 = arith.addi %multiple_of3A_614, %add3A_635 : i32
        %get3A_637 = arith.index_cast %add3A_636 : i32 to index
        %get3A_638 = tpu.vector_load %arg9[%get3A_637] {strides = array<i32>} : memref<20480xi32, #tpu.memory_space<vmem>>, vector<16xi32>,
        %gather3A_639 = tpu.vector_load_idx %arg8[%get3A_638] : memref<10000xf32, #tpu.memory_space<vmem>>[vector<16xi32>], vector<16xf32>,
        %get3A_640 = arith.index_cast %add3A_636 : i32 to index
        %get3A_641 = tpu.vector_load %arg10[%get3A_640] {strides = array<i32>} : memref<20480xf32, #tpu.memory_space<vmem>>, vector<16xf32>,
        %mul3A_642 = arith.mulf %gather3A_639, %get3A_641 : vector<16xf32>
        %swap3A_643 = arith.index_cast %add3A_636 : i32 to index
        %swap3A_644 = tpu.vector_load %arg10[%swap3A_643] {strides = array<i32>} : memref<20480xf32, #tpu.memory_space<vmem>>, vector<16xf32>,
        tpu.vector_store %arg10[%swap3A_643], %mul3A_642 {strides = array<i32>} : memref<20480xf32, #tpu.memory_space<vmem>>, vector<16xf32>,
        %add3A_645 = arith.constant 48 : i32
        %add3A_646 = arith.addi %multiple_of3A_614, %add3A_645 : i32
        %get3A_647 = arith.index_cast %add3A_646 : i32 to index
        %get3A_648 = tpu.vector_load %arg9[%get3A_647] {strides = array<i32>} : memref<20480xi32, #tpu.memory_space<vmem>>, vector<16xi32>,
        %gather3A_649 = tpu.vector_load_idx %arg8[%get3A_648] : memref<10000xf32, #tpu.memory_space<vmem>>[vector<16xi32>], vector<16xf32>,
        %get3A_650 = arith.index_cast %add3A_646 : i32 to index
        %get3A_651 = tpu.vector_load %arg10[%get3A_650] {strides = array<i32>} : memref<20480xf32, #tpu.memory_space<vmem>>, vector<16xf32>,
        %mul3A_652 = arith.mulf %gather3A_649, %get3A_651 : vector<16xf32>
        %swap3A_653 = arith.index_cast %add3A_646 : i32 to index
        %swap3A_654 = tpu.vector_load %arg10[%swap3A_653] {strides = array<i32>} : memref<20480xf32, #tpu.memory_space<vmem>>, vector<16xf32>,
        tpu.vector_store %arg10[%swap3A_653], %mul3A_652 {strides = array<i32>} : memref<20480xf32, #tpu.memory_space<vmem>>, vector<16xf32>,
        %add3A_655 = arith.constant 64 : i32
        %add3A_656 = arith.addi %multiple_of3A_614, %add3A_655 : i32
        %get3A_657 = arith.index_cast %add3A_656 : i32 to index
        %get3A_658 = tpu.vector_load %arg9[%get3A_657] {strides = array<i32>} : memref<20480xi32, #tpu.memory_space<vmem>>, vector<16xi32>,
        %gather3A_659 = tpu.vector_load_idx %arg8[%get3A_658] : memref<10000xf32, #tpu.memory_space<vmem>>[vector<16xi32>], vector<16xf32>,
        %get3A_660 = arith.index_cast %add3A_656 : i32 to index
        %get3A_661 = tpu.vector_load %arg10[%get3A_660] {strides = array<i32>} : memref<20480xf32, #tpu.memory_space<vmem>>, vector<16xf32>,
        %mul3A_662 = arith.mulf %gather3A_659, %get3A_661 : vector<16xf32>
        %swap3A_663 = arith.index_cast %add3A_656 : i32 to index
        %swap3A_664 = tpu.vector_load %arg10[%swap3A_663] {strides = array<i32>} : memref<20480xf32, #tpu.memory_space<vmem>>, vector<16xf32>,
        tpu.vector_store %arg10[%swap3A_663], %mul3A_662 {strides = array<i32>} : memref<20480xf32, #tpu.memory_space<vmem>>, vector<16xf32>,
        %add3A_665 = arith.constant 80 : i32
        %add3A_666 = arith.addi %multiple_of3A_614, %add3A_665 : i32
        %get3A_667 = arith.index_cast %add3A_666 : i32 to index
        %get3A_668 = tpu.vector_load %arg9[%get3A_667] {strides = array<i32>} : memref<20480xi32, #tpu.memory_space<vmem>>, vector<16xi32>,
        %gather3A_669 = tpu.vector_load_idx %arg8[%get3A_668] : memref<10000xf32, #tpu.memory_space<vmem>>[vector<16xi32>], vector<16xf32>,
        %get3A_670 = arith.index_cast %add3A_666 : i32 to index
        %get3A_671 = tpu.vector_load %arg10[%get3A_670] {strides = array<i32>} : memref<20480xf32, #tpu.memory_space<vmem>>, vector<16xf32>,
        %mul3A_672 = arith.mulf %gather3A_669, %get3A_671 : vector<16xf32>
        %swap3A_673 = arith.index_cast %add3A_666 : i32 to index
        %swap3A_674 = tpu.vector_load %arg10[%swap3A_673] {strides = array<i32>} : memref<20480xf32, #tpu.memory_space<vmem>>, vector<16xf32>,
        tpu.vector_store %arg10[%swap3A_673], %mul3A_672 {strides = array<i32>} : memref<20480xf32, #tpu.memory_space<vmem>>, vector<16xf32>,
        %add3A_675 = arith.constant 96 : i32
        %add3A_676 = arith.addi %multiple_of3A_614, %add3A_675 : i32
        %get3A_677 = arith.index_cast %add3A_676 : i32 to index
        %get3A_678 = tpu.vector_load %arg9[%get3A_677] {strides = array<i32>} : memref<20480xi32, #tpu.memory_space<vmem>>, vector<16xi32>,
        %gather3A_679 = tpu.vector_load_idx %arg8[%get3A_678] : memref<10000xf32, #tpu.memory_space<vmem>>[vector<16xi32>], vector<16xf32>,
        %get3A_680 = arith.index_cast %add3A_676 : i32 to index
        %get3A_681 = tpu.vector_load %arg10[%get3A_680] {strides = array<i32>} : memref<20480xf32, #tpu.memory_space<vmem>>, vector<16xf32>,
        %mul3A_682 = arith.mulf %gather3A_679, %get3A_681 : vector<16xf32>
        %swap3A_683 = arith.index_cast %add3A_676 : i32 to index
        %swap3A_684 = tpu.vector_load %arg10[%swap3A_683] {strides = array<i32>} : memref<20480xf32, #tpu.memory_space<vmem>>, vector<16xf32>,
        tpu.vector_store %arg10[%swap3A_683], %mul3A_682 {strides = array<i32>} : memref<20480xf32, #tpu.memory_space<vmem>>, vector<16xf32>,
        %add3A_685 = arith.constant 112 : i32
        %add3A_686 = arith.addi %multiple_of3A_614, %add3A_685 : i32
        %get3A_687 = arith.index_cast %add3A_686 : i32 to index
        %get3A_688 = tpu.vector_load %arg9[%get3A_687] {strides = array<i32>} : memref<20480xi32, #tpu.memory_space<vmem>>, vector<16xi32>,
        %gather3A_689 = tpu.vector_load_idx %arg8[%get3A_688] : memref<10000xf32, #tpu.memory_space<vmem>>[vector<16xi32>], vector<16xf32>,
        %get3A_690 = arith.index_cast %add3A_686 : i32 to index
        %get3A_691 = tpu.vector_load %arg10[%get3A_690] {strides = array<i32>} : memref<20480xf32, #tpu.memory_space<vmem>>, vector<16xf32>,
        %mul3A_692 = arith.mulf %gather3A_689, %get3A_691 : vector<16xf32>
        %swap3A_693 = arith.index_cast %add3A_686 : i32 to index
        %swap3A_694 = tpu.vector_load %arg10[%swap3A_693] {strides = array<i32>} : memref<20480xf32, #tpu.memory_space<vmem>>, vector<16xf32>,
        tpu.vector_store %arg10[%swap3A_693], %mul3A_692 {strides = array<i32>} : memref<20480xf32, #tpu.memory_space<vmem>>, vector<16xf32>,
        %dma_start3A_695 = arith.constant 5 : i32
        %dma_start3A_696 = tpu.memref_slice %arg10[%multiple_of3A_614] : memref<20480xf32, #tpu.memory_space<vmem>> -> memref<128xf32, #tpu.memory_space<vmem>>
        %dma_start3A_697 = arith.constant 0 : i32
        %dma_start3A_698 = tpu.memref_slice %arg11[%multiple_of3A_130, %dma_start3A_697] : memref<160x128xi32, #tpu.memory_space<vmem>> -> memref<8x128xi32, #tpu.memory_space<vmem>>
        %dma_start3A_699 = arith.constant 0 : i32
        %dma_start3A_700 = tpu.memref_slice %dma_start3A_698[%dma_start3A_695, %dma_start3A_699] : memref<8x128xi32, #tpu.memory_space<vmem>> -> memref<1x128xi32, #tpu.memory_space<vmem>>
        %dma_start3A_701 = tpu.memref_squeeze %dma_start3A_700 : memref<1x128xi32, #tpu.memory_space<vmem>> -> memref<128xi32, #tpu.memory_space<vmem>>
        %dma_start3A_702 = arith.constant 0 : i32
        %dma_start3A_703 = tpu.memref_slice %arg14[%dma_start3A_702] : memref<10240xf32, #tpu.memory_space<vmem_shared>> -> memref<10240xf32, #tpu.memory_space<vmem_shared>>
        tpu.enqueue_indirect_dma source(%dma_start3A_696 : memref<128xf32, #tpu.memory_space<vmem>>) target(%dma_start3A_703 : memref<10240xf32, #tpu.memory_space<vmem_shared>>) offsets(%dma_start3A_701 : memref<128xi32, #tpu.memory_space<vmem>>) semaphore(%arg15 : memref<!tpu.dma_semaphore, #tpu.memory_space<semaphore_mem>>) {add = true}
        %mul3A_704 = arith.constant 8 : i32
        %mul3A_705 = arith.muli %while3A_126, %mul3A_704 : i32
        %add3A_706 = arith.constant 6 : i32
        %add3A_707 = arith.addi %mul3A_705, %add3A_706 : i32
        %mul3A_708 = arith.constant 128 : i32
        %mul3A_709 = arith.muli %add3A_707, %mul3A_708 : i32
        %multiple_of3A_710 = tpu.assume_multiple %mul3A_709, 128 : i32
        %add3A_711 = arith.constant 0 : i32
        %add3A_712 = arith.addi %multiple_of3A_710, %add3A_711 : i32
        %get3A_713 = arith.index_cast %add3A_712 : i32 to index
        %get3A_714 = tpu.vector_load %arg9[%get3A_713] {strides = array<i32>} : memref<20480xi32, #tpu.memory_space<vmem>>, vector<16xi32>,
        %gather3A_715 = tpu.vector_load_idx %arg8[%get3A_714] : memref<10000xf32, #tpu.memory_space<vmem>>[vector<16xi32>], vector<16xf32>,
        %get3A_716 = arith.index_cast %add3A_712 : i32 to index
        %get3A_717 = tpu.vector_load %arg10[%get3A_716] {strides = array<i32>} : memref<20480xf32, #tpu.memory_space<vmem>>, vector<16xf32>,
        %mul3A_718 = arith.mulf %gather3A_715, %get3A_717 : vector<16xf32>
        %swap3A_719 = arith.index_cast %add3A_712 : i32 to index
        %swap3A_720 = tpu.vector_load %arg10[%swap3A_719] {strides = array<i32>} : memref<20480xf32, #tpu.memory_space<vmem>>, vector<16xf32>,
        tpu.vector_store %arg10[%swap3A_719], %mul3A_718 {strides = array<i32>} : memref<20480xf32, #tpu.memory_space<vmem>>, vector<16xf32>,
        %add3A_721 = arith.constant 16 : i32
        %add3A_722 = arith.addi %multiple_of3A_710, %add3A_721 : i32
        %get3A_723 = arith.index_cast %add3A_722 : i32 to index
        %get3A_724 = tpu.vector_load %arg9[%get3A_723] {strides = array<i32>} : memref<20480xi32, #tpu.memory_space<vmem>>, vector<16xi32>,
        %gather3A_725 = tpu.vector_load_idx %arg8[%get3A_724] : memref<10000xf32, #tpu.memory_space<vmem>>[vector<16xi32>], vector<16xf32>,
        %get3A_726 = arith.index_cast %add3A_722 : i32 to index
        %get3A_727 = tpu.vector_load %arg10[%get3A_726] {strides = array<i32>} : memref<20480xf32, #tpu.memory_space<vmem>>, vector<16xf32>,
        %mul3A_728 = arith.mulf %gather3A_725, %get3A_727 : vector<16xf32>
        %swap3A_729 = arith.index_cast %add3A_722 : i32 to index
        %swap3A_730 = tpu.vector_load %arg10[%swap3A_729] {strides = array<i32>} : memref<20480xf32, #tpu.memory_space<vmem>>, vector<16xf32>,
        tpu.vector_store %arg10[%swap3A_729], %mul3A_728 {strides = array<i32>} : memref<20480xf32, #tpu.memory_space<vmem>>, vector<16xf32>,
        %add3A_731 = arith.constant 32 : i32
        %add3A_732 = arith.addi %multiple_of3A_710, %add3A_731 : i32
        %get3A_733 = arith.index_cast %add3A_732 : i32 to index
        %get3A_734 = tpu.vector_load %arg9[%get3A_733] {strides = array<i32>} : memref<20480xi32, #tpu.memory_space<vmem>>, vector<16xi32>,
        %gather3A_735 = tpu.vector_load_idx %arg8[%get3A_734] : memref<10000xf32, #tpu.memory_space<vmem>>[vector<16xi32>], vector<16xf32>,
        %get3A_736 = arith.index_cast %add3A_732 : i32 to index
        %get3A_737 = tpu.vector_load %arg10[%get3A_736] {strides = array<i32>} : memref<20480xf32, #tpu.memory_space<vmem>>, vector<16xf32>,
        %mul3A_738 = arith.mulf %gather3A_735, %get3A_737 : vector<16xf32>
        %swap3A_739 = arith.index_cast %add3A_732 : i32 to index
        %swap3A_740 = tpu.vector_load %arg10[%swap3A_739] {strides = array<i32>} : memref<20480xf32, #tpu.memory_space<vmem>>, vector<16xf32>,
        tpu.vector_store %arg10[%swap3A_739], %mul3A_738 {strides = array<i32>} : memref<20480xf32, #tpu.memory_space<vmem>>, vector<16xf32>,
        %add3A_741 = arith.constant 48 : i32
        %add3A_742 = arith.addi %multiple_of3A_710, %add3A_741 : i32
        %get3A_743 = arith.index_cast %add3A_742 : i32 to index
        %get3A_744 = tpu.vector_load %arg9[%get3A_743] {strides = array<i32>} : memref<20480xi32, #tpu.memory_space<vmem>>, vector<16xi32>,
        %gather3A_745 = tpu.vector_load_idx %arg8[%get3A_744] : memref<10000xf32, #tpu.memory_space<vmem>>[vector<16xi32>], vector<16xf32>,
        %get3A_746 = arith.index_cast %add3A_742 : i32 to index
        %get3A_747 = tpu.vector_load %arg10[%get3A_746] {strides = array<i32>} : memref<20480xf32, #tpu.memory_space<vmem>>, vector<16xf32>,
        %mul3A_748 = arith.mulf %gather3A_745, %get3A_747 : vector<16xf32>
        %swap3A_749 = arith.index_cast %add3A_742 : i32 to index
        %swap3A_750 = tpu.vector_load %arg10[%swap3A_749] {strides = array<i32>} : memref<20480xf32, #tpu.memory_space<vmem>>, vector<16xf32>,
        tpu.vector_store %arg10[%swap3A_749], %mul3A_748 {strides = array<i32>} : memref<20480xf32, #tpu.memory_space<vmem>>, vector<16xf32>,
        %add3A_751 = arith.constant 64 : i32
        %add3A_752 = arith.addi %multiple_of3A_710, %add3A_751 : i32
        %get3A_753 = arith.index_cast %add3A_752 : i32 to index
        %get3A_754 = tpu.vector_load %arg9[%get3A_753] {strides = array<i32>} : memref<20480xi32, #tpu.memory_space<vmem>>, vector<16xi32>,
        %gather3A_755 = tpu.vector_load_idx %arg8[%get3A_754] : memref<10000xf32, #tpu.memory_space<vmem>>[vector<16xi32>], vector<16xf32>,
        %get3A_756 = arith.index_cast %add3A_752 : i32 to index
        %get3A_757 = tpu.vector_load %arg10[%get3A_756] {strides = array<i32>} : memref<20480xf32, #tpu.memory_space<vmem>>, vector<16xf32>,
        %mul3A_758 = arith.mulf %gather3A_755, %get3A_757 : vector<16xf32>
        %swap3A_759 = arith.index_cast %add3A_752 : i32 to index
        %swap3A_760 = tpu.vector_load %arg10[%swap3A_759] {strides = array<i32>} : memref<20480xf32, #tpu.memory_space<vmem>>, vector<16xf32>,
        tpu.vector_store %arg10[%swap3A_759], %mul3A_758 {strides = array<i32>} : memref<20480xf32, #tpu.memory_space<vmem>>, vector<16xf32>,
        %add3A_761 = arith.constant 80 : i32
        %add3A_762 = arith.addi %multiple_of3A_710, %add3A_761 : i32
        %get3A_763 = arith.index_cast %add3A_762 : i32 to index
        %get3A_764 = tpu.vector_load %arg9[%get3A_763] {strides = array<i32>} : memref<20480xi32, #tpu.memory_space<vmem>>, vector<16xi32>,
        %gather3A_765 = tpu.vector_load_idx %arg8[%get3A_764] : memref<10000xf32, #tpu.memory_space<vmem>>[vector<16xi32>], vector<16xf32>,
        %get3A_766 = arith.index_cast %add3A_762 : i32 to index
        %get3A_767 = tpu.vector_load %arg10[%get3A_766] {strides = array<i32>} : memref<20480xf32, #tpu.memory_space<vmem>>, vector<16xf32>,
        %mul3A_768 = arith.mulf %gather3A_765, %get3A_767 : vector<16xf32>
        %swap3A_769 = arith.index_cast %add3A_762 : i32 to index
        %swap3A_770 = tpu.vector_load %arg10[%swap3A_769] {strides = array<i32>} : memref<20480xf32, #tpu.memory_space<vmem>>, vector<16xf32>,
        tpu.vector_store %arg10[%swap3A_769], %mul3A_768 {strides = array<i32>} : memref<20480xf32, #tpu.memory_space<vmem>>, vector<16xf32>,
        %add3A_771 = arith.constant 96 : i32
        %add3A_772 = arith.addi %multiple_of3A_710, %add3A_771 : i32
        %get3A_773 = arith.index_cast %add3A_772 : i32 to index
        %get3A_774 = tpu.vector_load %arg9[%get3A_773] {strides = array<i32>} : memref<20480xi32, #tpu.memory_space<vmem>>, vector<16xi32>,
        %gather3A_775 = tpu.vector_load_idx %arg8[%get3A_774] : memref<10000xf32, #tpu.memory_space<vmem>>[vector<16xi32>], vector<16xf32>,
        %get3A_776 = arith.index_cast %add3A_772 : i32 to index
        %get3A_777 = tpu.vector_load %arg10[%get3A_776] {strides = array<i32>} : memref<20480xf32, #tpu.memory_space<vmem>>, vector<16xf32>,
        %mul3A_778 = arith.mulf %gather3A_775, %get3A_777 : vector<16xf32>
        %swap3A_779 = arith.index_cast %add3A_772 : i32 to index
        %swap3A_780 = tpu.vector_load %arg10[%swap3A_779] {strides = array<i32>} : memref<20480xf32, #tpu.memory_space<vmem>>, vector<16xf32>,
        tpu.vector_store %arg10[%swap3A_779], %mul3A_778 {strides = array<i32>} : memref<20480xf32, #tpu.memory_space<vmem>>, vector<16xf32>,
        %add3A_781 = arith.constant 112 : i32
        %add3A_782 = arith.addi %multiple_of3A_710, %add3A_781 : i32
        %get3A_783 = arith.index_cast %add3A_782 : i32 to index
        %get3A_784 = tpu.vector_load %arg9[%get3A_783] {strides = array<i32>} : memref<20480xi32, #tpu.memory_space<vmem>>, vector<16xi32>,
        %gather3A_785 = tpu.vector_load_idx %arg8[%get3A_784] : memref<10000xf32, #tpu.memory_space<vmem>>[vector<16xi32>], vector<16xf32>,
        %get3A_786 = arith.index_cast %add3A_782 : i32 to index
        %get3A_787 = tpu.vector_load %arg10[%get3A_786] {strides = array<i32>} : memref<20480xf32, #tpu.memory_space<vmem>>, vector<16xf32>,
        %mul3A_788 = arith.mulf %gather3A_785, %get3A_787 : vector<16xf32>
        %swap3A_789 = arith.index_cast %add3A_782 : i32 to index
        %swap3A_790 = tpu.vector_load %arg10[%swap3A_789] {strides = array<i32>} : memref<20480xf32, #tpu.memory_space<vmem>>, vector<16xf32>,
        tpu.vector_store %arg10[%swap3A_789], %mul3A_788 {strides = array<i32>} : memref<20480xf32, #tpu.memory_space<vmem>>, vector<16xf32>,
        %dma_start3A_791 = arith.constant 6 : i32
        %dma_start3A_792 = tpu.memref_slice %arg10[%multiple_of3A_710] : memref<20480xf32, #tpu.memory_space<vmem>> -> memref<128xf32, #tpu.memory_space<vmem>>
        %dma_start3A_793 = arith.constant 0 : i32
        %dma_start3A_794 = tpu.memref_slice %arg11[%multiple_of3A_130, %dma_start3A_793] : memref<160x128xi32, #tpu.memory_space<vmem>> -> memref<8x128xi32, #tpu.memory_space<vmem>>
        %dma_start3A_795 = arith.constant 0 : i32
        %dma_start3A_796 = tpu.memref_slice %dma_start3A_794[%dma_start3A_791, %dma_start3A_795] : memref<8x128xi32, #tpu.memory_space<vmem>> -> memref<1x128xi32, #tpu.memory_space<vmem>>
        %dma_start3A_797 = tpu.memref_squeeze %dma_start3A_796 : memref<1x128xi32, #tpu.memory_space<vmem>> -> memref<128xi32, #tpu.memory_space<vmem>>
        %dma_start3A_798 = arith.constant 0 : i32
        %dma_start3A_799 = tpu.memref_slice %arg14[%dma_start3A_798] : memref<10240xf32, #tpu.memory_space<vmem_shared>> -> memref<10240xf32, #tpu.memory_space<vmem_shared>>
        tpu.enqueue_indirect_dma source(%dma_start3A_792 : memref<128xf32, #tpu.memory_space<vmem>>) target(%dma_start3A_799 : memref<10240xf32, #tpu.memory_space<vmem_shared>>) offsets(%dma_start3A_797 : memref<128xi32, #tpu.memory_space<vmem>>) semaphore(%arg15 : memref<!tpu.dma_semaphore, #tpu.memory_space<semaphore_mem>>) {add = true}
        %mul3A_800 = arith.constant 8 : i32
        %mul3A_801 = arith.muli %while3A_126, %mul3A_800 : i32
        %add3A_802 = arith.constant 7 : i32
        %add3A_803 = arith.addi %mul3A_801, %add3A_802 : i32
        %mul3A_804 = arith.constant 128 : i32
        %mul3A_805 = arith.muli %add3A_803, %mul3A_804 : i32
        %multiple_of3A_806 = tpu.assume_multiple %mul3A_805, 128 : i32
        %add3A_807 = arith.constant 0 : i32
        %add3A_808 = arith.addi %multiple_of3A_806, %add3A_807 : i32
        %get3A_809 = arith.index_cast %add3A_808 : i32 to index
        %get3A_810 = tpu.vector_load %arg9[%get3A_809] {strides = array<i32>} : memref<20480xi32, #tpu.memory_space<vmem>>, vector<16xi32>,
        %gather3A_811 = tpu.vector_load_idx %arg8[%get3A_810] : memref<10000xf32, #tpu.memory_space<vmem>>[vector<16xi32>], vector<16xf32>,
        %get3A_812 = arith.index_cast %add3A_808 : i32 to index
        %get3A_813 = tpu.vector_load %arg10[%get3A_812] {strides = array<i32>} : memref<20480xf32, #tpu.memory_space<vmem>>, vector<16xf32>,
        %mul3A_814 = arith.mulf %gather3A_811, %get3A_813 : vector<16xf32>
        %swap3A_815 = arith.index_cast %add3A_808 : i32 to index
        %swap3A_816 = tpu.vector_load %arg10[%swap3A_815] {strides = array<i32>} : memref<20480xf32, #tpu.memory_space<vmem>>, vector<16xf32>,
        tpu.vector_store %arg10[%swap3A_815], %mul3A_814 {strides = array<i32>} : memref<20480xf32, #tpu.memory_space<vmem>>, vector<16xf32>,
        %add3A_817 = arith.constant 16 : i32
        %add3A_818 = arith.addi %multiple_of3A_806, %add3A_817 : i32
        %get3A_819 = arith.index_cast %add3A_818 : i32 to index
        %get3A_820 = tpu.vector_load %arg9[%get3A_819] {strides = array<i32>} : memref<20480xi32, #tpu.memory_space<vmem>>, vector<16xi32>,
        %gather3A_821 = tpu.vector_load_idx %arg8[%get3A_820] : memref<10000xf32, #tpu.memory_space<vmem>>[vector<16xi32>], vector<16xf32>,
        %get3A_822 = arith.index_cast %add3A_818 : i32 to index
        %get3A_823 = tpu.vector_load %arg10[%get3A_822] {strides = array<i32>} : memref<20480xf32, #tpu.memory_space<vmem>>, vector<16xf32>,
        %mul3A_824 = arith.mulf %gather3A_821, %get3A_823 : vector<16xf32>
        %swap3A_825 = arith.index_cast %add3A_818 : i32 to index
        %swap3A_826 = tpu.vector_load %arg10[%swap3A_825] {strides = array<i32>} : memref<20480xf32, #tpu.memory_space<vmem>>, vector<16xf32>,
        tpu.vector_store %arg10[%swap3A_825], %mul3A_824 {strides = array<i32>} : memref<20480xf32, #tpu.memory_space<vmem>>, vector<16xf32>,
        %add3A_827 = arith.constant 32 : i32
        %add3A_828 = arith.addi %multiple_of3A_806, %add3A_827 : i32
        %get3A_829 = arith.index_cast %add3A_828 : i32 to index
        %get3A_830 = tpu.vector_load %arg9[%get3A_829] {strides = array<i32>} : memref<20480xi32, #tpu.memory_space<vmem>>, vector<16xi32>,
        %gather3A_831 = tpu.vector_load_idx %arg8[%get3A_830] : memref<10000xf32, #tpu.memory_space<vmem>>[vector<16xi32>], vector<16xf32>,
        %get3A_832 = arith.index_cast %add3A_828 : i32 to index
        %get3A_833 = tpu.vector_load %arg10[%get3A_832] {strides = array<i32>} : memref<20480xf32, #tpu.memory_space<vmem>>, vector<16xf32>,
        %mul3A_834 = arith.mulf %gather3A_831, %get3A_833 : vector<16xf32>
        %swap3A_835 = arith.index_cast %add3A_828 : i32 to index
        %swap3A_836 = tpu.vector_load %arg10[%swap3A_835] {strides = array<i32>} : memref<20480xf32, #tpu.memory_space<vmem>>, vector<16xf32>,
        tpu.vector_store %arg10[%swap3A_835], %mul3A_834 {strides = array<i32>} : memref<20480xf32, #tpu.memory_space<vmem>>, vector<16xf32>,
        %add3A_837 = arith.constant 48 : i32
        %add3A_838 = arith.addi %multiple_of3A_806, %add3A_837 : i32
        %get3A_839 = arith.index_cast %add3A_838 : i32 to index
        %get3A_840 = tpu.vector_load %arg9[%get3A_839] {strides = array<i32>} : memref<20480xi32, #tpu.memory_space<vmem>>, vector<16xi32>,
        %gather3A_841 = tpu.vector_load_idx %arg8[%get3A_840] : memref<10000xf32, #tpu.memory_space<vmem>>[vector<16xi32>], vector<16xf32>,
        %get3A_842 = arith.index_cast %add3A_838 : i32 to index
        %get3A_843 = tpu.vector_load %arg10[%get3A_842] {strides = array<i32>} : memref<20480xf32, #tpu.memory_space<vmem>>, vector<16xf32>,
        %mul3A_844 = arith.mulf %gather3A_841, %get3A_843 : vector<16xf32>
        %swap3A_845 = arith.index_cast %add3A_838 : i32 to index
        %swap3A_846 = tpu.vector_load %arg10[%swap3A_845] {strides = array<i32>} : memref<20480xf32, #tpu.memory_space<vmem>>, vector<16xf32>,
        tpu.vector_store %arg10[%swap3A_845], %mul3A_844 {strides = array<i32>} : memref<20480xf32, #tpu.memory_space<vmem>>, vector<16xf32>,
        %add3A_847 = arith.constant 64 : i32
        %add3A_848 = arith.addi %multiple_of3A_806, %add3A_847 : i32
        %get3A_849 = arith.index_cast %add3A_848 : i32 to index
        %get3A_850 = tpu.vector_load %arg9[%get3A_849] {strides = array<i32>} : memref<20480xi32, #tpu.memory_space<vmem>>, vector<16xi32>,
        %gather3A_851 = tpu.vector_load_idx %arg8[%get3A_850] : memref<10000xf32, #tpu.memory_space<vmem>>[vector<16xi32>], vector<16xf32>,
        %get3A_852 = arith.index_cast %add3A_848 : i32 to index
        %get3A_853 = tpu.vector_load %arg10[%get3A_852] {strides = array<i32>} : memref<20480xf32, #tpu.memory_space<vmem>>, vector<16xf32>,
        %mul3A_854 = arith.mulf %gather3A_851, %get3A_853 : vector<16xf32>
        %swap3A_855 = arith.index_cast %add3A_848 : i32 to index
        %swap3A_856 = tpu.vector_load %arg10[%swap3A_855] {strides = array<i32>} : memref<20480xf32, #tpu.memory_space<vmem>>, vector<16xf32>,
        tpu.vector_store %arg10[%swap3A_855], %mul3A_854 {strides = array<i32>} : memref<20480xf32, #tpu.memory_space<vmem>>, vector<16xf32>,
        %add3A_857 = arith.constant 80 : i32
        %add3A_858 = arith.addi %multiple_of3A_806, %add3A_857 : i32
        %get3A_859 = arith.index_cast %add3A_858 : i32 to index
        %get3A_860 = tpu.vector_load %arg9[%get3A_859] {strides = array<i32>} : memref<20480xi32, #tpu.memory_space<vmem>>, vector<16xi32>,
        %gather3A_861 = tpu.vector_load_idx %arg8[%get3A_860] : memref<10000xf32, #tpu.memory_space<vmem>>[vector<16xi32>], vector<16xf32>,
        %get3A_862 = arith.index_cast %add3A_858 : i32 to index
        %get3A_863 = tpu.vector_load %arg10[%get3A_862] {strides = array<i32>} : memref<20480xf32, #tpu.memory_space<vmem>>, vector<16xf32>,
        %mul3A_864 = arith.mulf %gather3A_861, %get3A_863 : vector<16xf32>
        %swap3A_865 = arith.index_cast %add3A_858 : i32 to index
        %swap3A_866 = tpu.vector_load %arg10[%swap3A_865] {strides = array<i32>} : memref<20480xf32, #tpu.memory_space<vmem>>, vector<16xf32>,
        tpu.vector_store %arg10[%swap3A_865], %mul3A_864 {strides = array<i32>} : memref<20480xf32, #tpu.memory_space<vmem>>, vector<16xf32>,
        %add3A_867 = arith.constant 96 : i32
        %add3A_868 = arith.addi %multiple_of3A_806, %add3A_867 : i32
        %get3A_869 = arith.index_cast %add3A_868 : i32 to index
        %get3A_870 = tpu.vector_load %arg9[%get3A_869] {strides = array<i32>} : memref<20480xi32, #tpu.memory_space<vmem>>, vector<16xi32>,
        %gather3A_871 = tpu.vector_load_idx %arg8[%get3A_870] : memref<10000xf32, #tpu.memory_space<vmem>>[vector<16xi32>], vector<16xf32>,
        %get3A_872 = arith.index_cast %add3A_868 : i32 to index
        %get3A_873 = tpu.vector_load %arg10[%get3A_872] {strides = array<i32>} : memref<20480xf32, #tpu.memory_space<vmem>>, vector<16xf32>,
        %mul3A_874 = arith.mulf %gather3A_871, %get3A_873 : vector<16xf32>
        %swap3A_875 = arith.index_cast %add3A_868 : i32 to index
        %swap3A_876 = tpu.vector_load %arg10[%swap3A_875] {strides = array<i32>} : memref<20480xf32, #tpu.memory_space<vmem>>, vector<16xf32>,
        tpu.vector_store %arg10[%swap3A_875], %mul3A_874 {strides = array<i32>} : memref<20480xf32, #tpu.memory_space<vmem>>, vector<16xf32>,
        %add3A_877 = arith.constant 112 : i32
        %add3A_878 = arith.addi %multiple_of3A_806, %add3A_877 : i32
        %get3A_879 = arith.index_cast %add3A_878 : i32 to index
        %get3A_880 = tpu.vector_load %arg9[%get3A_879] {strides = array<i32>} : memref<20480xi32, #tpu.memory_space<vmem>>, vector<16xi32>,
        %gather3A_881 = tpu.vector_load_idx %arg8[%get3A_880] : memref<10000xf32, #tpu.memory_space<vmem>>[vector<16xi32>], vector<16xf32>,
        %get3A_882 = arith.index_cast %add3A_878 : i32 to index
        %get3A_883 = tpu.vector_load %arg10[%get3A_882] {strides = array<i32>} : memref<20480xf32, #tpu.memory_space<vmem>>, vector<16xf32>,
        %mul3A_884 = arith.mulf %gather3A_881, %get3A_883 : vector<16xf32>
        %swap3A_885 = arith.index_cast %add3A_878 : i32 to index
        %swap3A_886 = tpu.vector_load %arg10[%swap3A_885] {strides = array<i32>} : memref<20480xf32, #tpu.memory_space<vmem>>, vector<16xf32>,
        tpu.vector_store %arg10[%swap3A_885], %mul3A_884 {strides = array<i32>} : memref<20480xf32, #tpu.memory_space<vmem>>, vector<16xf32>,
        %dma_start3A_887 = arith.constant 7 : i32
        %dma_start3A_888 = tpu.memref_slice %arg10[%multiple_of3A_806] : memref<20480xf32, #tpu.memory_space<vmem>> -> memref<128xf32, #tpu.memory_space<vmem>>
        %dma_start3A_889 = arith.constant 0 : i32
        %dma_start3A_890 = tpu.memref_slice %arg11[%multiple_of3A_130, %dma_start3A_889] : memref<160x128xi32, #tpu.memory_space<vmem>> -> memref<8x128xi32, #tpu.memory_space<vmem>>
        %dma_start3A_891 = arith.constant 0 : i32
        %dma_start3A_892 = tpu.memref_slice %dma_start3A_890[%dma_start3A_887, %dma_start3A_891] : memref<8x128xi32, #tpu.memory_space<vmem>> -> memref<1x128xi32, #tpu.memory_space<vmem>>
        %dma_start3A_893 = tpu.memref_squeeze %dma_start3A_892 : memref<1x128xi32, #tpu.memory_space<vmem>> -> memref<128xi32, #tpu.memory_space<vmem>>
        %dma_start3A_894 = arith.constant 0 : i32
        %dma_start3A_895 = tpu.memref_slice %arg14[%dma_start3A_894] : memref<10240xf32, #tpu.memory_space<vmem_shared>> -> memref<10240xf32, #tpu.memory_space<vmem_shared>>
        tpu.enqueue_indirect_dma source(%dma_start3A_888 : memref<128xf32, #tpu.memory_space<vmem>>) target(%dma_start3A_895 : memref<10240xf32, #tpu.memory_space<vmem_shared>>) offsets(%dma_start3A_893 : memref<128xi32, #tpu.memory_space<vmem>>) semaphore(%arg15 : memref<!tpu.dma_semaphore, #tpu.memory_space<semaphore_mem>>) {add = true}
        %ge3A = arith.constant 2 : i32
        %ge3A_896 = arith.cmpi sge, %while3A_126, %ge3A : i32
        %convert_element_type3A = arith.extui %ge3A_896 : i1 to i32
        %cond3A = arith.constant 0 : i32
        %cond3A_897 = arith.cmpi ne, %convert_element_type3A, %cond3A : i32
        scf.if %cond3A_897 {
          %sub3A_899 = arith.constant 2 : i32
          %sub3A_900 = arith.subi %while3A_126, %sub3A_899 : i32
          %mul3A_901 = arith.constant 8 : i32
          %mul3A_902 = arith.muli %sub3A_900, %mul3A_901 : i32
          %multiple_of3A_903 = tpu.assume_multiple %mul3A_902, 8 : i32
          %sub3A_904 = arith.constant 2 : i32
          %sub3A_905 = arith.subi %while3A_126, %sub3A_904 : i32
          %mul3A_906 = arith.constant 8 : i32
          %mul3A_907 = arith.muli %sub3A_905, %mul3A_906 : i32
          %add3A_908 = arith.constant 0 : i32
          %add3A_909 = arith.addi %mul3A_907, %add3A_908 : i32
          %mul3A_910 = arith.constant 128 : i32
          %mul3A_911 = arith.muli %add3A_909, %mul3A_910 : i32
          %multiple_of3A_912 = tpu.assume_multiple %mul3A_911, 128 : i32
          %dma_wait3A = arith.constant 0 : i32
          %dma_wait3A_913 = tpu.memref_slice %arg10[%multiple_of3A_912] : memref<20480xf32, #tpu.memory_space<vmem>> -> memref<128xf32, #tpu.memory_space<vmem>>
          %dma_wait3A_914 = arith.constant 0 : i32
          %dma_wait3A_915 = tpu.memref_slice %arg11[%multiple_of3A_903, %dma_wait3A_914] : memref<160x128xi32, #tpu.memory_space<vmem>> -> memref<8x128xi32, #tpu.memory_space<vmem>>
          %dma_wait3A_916 = arith.constant 0 : i32
          %dma_wait3A_917 = tpu.memref_slice %dma_wait3A_915[%dma_wait3A, %dma_wait3A_916] : memref<8x128xi32, #tpu.memory_space<vmem>> -> memref<1x128xi32, #tpu.memory_space<vmem>>
          %dma_wait3A_918 = tpu.memref_squeeze %dma_wait3A_917 : memref<1x128xi32, #tpu.memory_space<vmem>> -> memref<128xi32, #tpu.memory_space<vmem>>
          %dma_wait3A_919 = arith.constant 0 : i32
          %dma_wait3A_920 = tpu.memref_slice %arg14[%dma_wait3A_919] : memref<10240xf32, #tpu.memory_space<vmem_shared>> -> memref<10240xf32, #tpu.memory_space<vmem_shared>>
          tpu.wait_indirect_dma semaphore(%arg15 : memref<!tpu.dma_semaphore, #tpu.memory_space<semaphore_mem>>) src(%dma_wait3A_913 : memref<128xf32, #tpu.memory_space<vmem>>) dst(%dma_wait3A_920 : memref<10240xf32, #tpu.memory_space<vmem_shared>>)
          %sub3A_921 = arith.constant 2 : i32
          %sub3A_922 = arith.subi %while3A_126, %sub3A_921 : i32
          %mul3A_923 = arith.constant 8 : i32
          %mul3A_924 = arith.muli %sub3A_922, %mul3A_923 : i32
          %add3A_925 = arith.constant 1 : i32
          %add3A_926 = arith.addi %mul3A_924, %add3A_925 : i32
          %mul3A_927 = arith.constant 128 : i32
          %mul3A_928 = arith.muli %add3A_926, %mul3A_927 : i32
          %multiple_of3A_929 = tpu.assume_multiple %mul3A_928, 128 : i32
          %dma_wait3A_930 = arith.constant 1 : i32
          %dma_wait3A_931 = tpu.memref_slice %arg10[%multiple_of3A_929] : memref<20480xf32, #tpu.memory_space<vmem>> -> memref<128xf32, #tpu.memory_space<vmem>>
          %dma_wait3A_932 = arith.constant 0 : i32
          %dma_wait3A_933 = tpu.memref_slice %arg11[%multiple_of3A_903, %dma_wait3A_932] : memref<160x128xi32, #tpu.memory_space<vmem>> -> memref<8x128xi32, #tpu.memory_space<vmem>>
          %dma_wait3A_934 = arith.constant 0 : i32
          %dma_wait3A_935 = tpu.memref_slice %dma_wait3A_933[%dma_wait3A_930, %dma_wait3A_934] : memref<8x128xi32, #tpu.memory_space<vmem>> -> memref<1x128xi32, #tpu.memory_space<vmem>>
          %dma_wait3A_936 = tpu.memref_squeeze %dma_wait3A_935 : memref<1x128xi32, #tpu.memory_space<vmem>> -> memref<128xi32, #tpu.memory_space<vmem>>
          %dma_wait3A_937 = arith.constant 0 : i32
          %dma_wait3A_938 = tpu.memref_slice %arg14[%dma_wait3A_937] : memref<10240xf32, #tpu.memory_space<vmem_shared>> -> memref<10240xf32, #tpu.memory_space<vmem_shared>>
          tpu.wait_indirect_dma semaphore(%arg15 : memref<!tpu.dma_semaphore, #tpu.memory_space<semaphore_mem>>) src(%dma_wait3A_931 : memref<128xf32, #tpu.memory_space<vmem>>) dst(%dma_wait3A_938 : memref<10240xf32, #tpu.memory_space<vmem_shared>>)
          %sub3A_939 = arith.constant 2 : i32
          %sub3A_940 = arith.subi %while3A_126, %sub3A_939 : i32
          %mul3A_941 = arith.constant 8 : i32
          %mul3A_942 = arith.muli %sub3A_940, %mul3A_941 : i32
          %add3A_943 = arith.constant 2 : i32
          %add3A_944 = arith.addi %mul3A_942, %add3A_943 : i32
          %mul3A_945 = arith.constant 128 : i32
          %mul3A_946 = arith.muli %add3A_944, %mul3A_945 : i32
          %multiple_of3A_947 = tpu.assume_multiple %mul3A_946, 128 : i32
          %dma_wait3A_948 = arith.constant 2 : i32
          %dma_wait3A_949 = tpu.memref_slice %arg10[%multiple_of3A_947] : memref<20480xf32, #tpu.memory_space<vmem>> -> memref<128xf32, #tpu.memory_space<vmem>>
          %dma_wait3A_950 = arith.constant 0 : i32
          %dma_wait3A_951 = tpu.memref_slice %arg11[%multiple_of3A_903, %dma_wait3A_950] : memref<160x128xi32, #tpu.memory_space<vmem>> -> memref<8x128xi32, #tpu.memory_space<vmem>>
          %dma_wait3A_952 = arith.constant 0 : i32
          %dma_wait3A_953 = tpu.memref_slice %dma_wait3A_951[%dma_wait3A_948, %dma_wait3A_952] : memref<8x128xi32, #tpu.memory_space<vmem>> -> memref<1x128xi32, #tpu.memory_space<vmem>>
          %dma_wait3A_954 = tpu.memref_squeeze %dma_wait3A_953 : memref<1x128xi32, #tpu.memory_space<vmem>> -> memref<128xi32, #tpu.memory_space<vmem>>
          %dma_wait3A_955 = arith.constant 0 : i32
          %dma_wait3A_956 = tpu.memref_slice %arg14[%dma_wait3A_955] : memref<10240xf32, #tpu.memory_space<vmem_shared>> -> memref<10240xf32, #tpu.memory_space<vmem_shared>>
          tpu.wait_indirect_dma semaphore(%arg15 : memref<!tpu.dma_semaphore, #tpu.memory_space<semaphore_mem>>) src(%dma_wait3A_949 : memref<128xf32, #tpu.memory_space<vmem>>) dst(%dma_wait3A_956 : memref<10240xf32, #tpu.memory_space<vmem_shared>>)
          %sub3A_957 = arith.constant 2 : i32
          %sub3A_958 = arith.subi %while3A_126, %sub3A_957 : i32
          %mul3A_959 = arith.constant 8 : i32
          %mul3A_960 = arith.muli %sub3A_958, %mul3A_959 : i32
          %add3A_961 = arith.constant 3 : i32
          %add3A_962 = arith.addi %mul3A_960, %add3A_961 : i32
          %mul3A_963 = arith.constant 128 : i32
          %mul3A_964 = arith.muli %add3A_962, %mul3A_963 : i32
          %multiple_of3A_965 = tpu.assume_multiple %mul3A_964, 128 : i32
          %dma_wait3A_966 = arith.constant 3 : i32
          %dma_wait3A_967 = tpu.memref_slice %arg10[%multiple_of3A_965] : memref<20480xf32, #tpu.memory_space<vmem>> -> memref<128xf32, #tpu.memory_space<vmem>>
          %dma_wait3A_968 = arith.constant 0 : i32
          %dma_wait3A_969 = tpu.memref_slice %arg11[%multiple_of3A_903, %dma_wait3A_968] : memref<160x128xi32, #tpu.memory_space<vmem>> -> memref<8x128xi32, #tpu.memory_space<vmem>>
          %dma_wait3A_970 = arith.constant 0 : i32
          %dma_wait3A_971 = tpu.memref_slice %dma_wait3A_969[%dma_wait3A_966, %dma_wait3A_970] : memref<8x128xi32, #tpu.memory_space<vmem>> -> memref<1x128xi32, #tpu.memory_space<vmem>>
          %dma_wait3A_972 = tpu.memref_squeeze %dma_wait3A_971 : memref<1x128xi32, #tpu.memory_space<vmem>> -> memref<128xi32, #tpu.memory_space<vmem>>
          %dma_wait3A_973 = arith.constant 0 : i32
          %dma_wait3A_974 = tpu.memref_slice %arg14[%dma_wait3A_973] : memref<10240xf32, #tpu.memory_space<vmem_shared>> -> memref<10240xf32, #tpu.memory_space<vmem_shared>>
          tpu.wait_indirect_dma semaphore(%arg15 : memref<!tpu.dma_semaphore, #tpu.memory_space<semaphore_mem>>) src(%dma_wait3A_967 : memref<128xf32, #tpu.memory_space<vmem>>) dst(%dma_wait3A_974 : memref<10240xf32, #tpu.memory_space<vmem_shared>>)
          %sub3A_975 = arith.constant 2 : i32
          %sub3A_976 = arith.subi %while3A_126, %sub3A_975 : i32
          %mul3A_977 = arith.constant 8 : i32
          %mul3A_978 = arith.muli %sub3A_976, %mul3A_977 : i32
          %add3A_979 = arith.constant 4 : i32
          %add3A_980 = arith.addi %mul3A_978, %add3A_979 : i32
          %mul3A_981 = arith.constant 128 : i32
          %mul3A_982 = arith.muli %add3A_980, %mul3A_981 : i32
          %multiple_of3A_983 = tpu.assume_multiple %mul3A_982, 128 : i32
          %dma_wait3A_984 = arith.constant 4 : i32
          %dma_wait3A_985 = tpu.memref_slice %arg10[%multiple_of3A_983] : memref<20480xf32, #tpu.memory_space<vmem>> -> memref<128xf32, #tpu.memory_space<vmem>>
          %dma_wait3A_986 = arith.constant 0 : i32
          %dma_wait3A_987 = tpu.memref_slice %arg11[%multiple_of3A_903, %dma_wait3A_986] : memref<160x128xi32, #tpu.memory_space<vmem>> -> memref<8x128xi32, #tpu.memory_space<vmem>>
          %dma_wait3A_988 = arith.constant 0 : i32
          %dma_wait3A_989 = tpu.memref_slice %dma_wait3A_987[%dma_wait3A_984, %dma_wait3A_988] : memref<8x128xi32, #tpu.memory_space<vmem>> -> memref<1x128xi32, #tpu.memory_space<vmem>>
          %dma_wait3A_990 = tpu.memref_squeeze %dma_wait3A_989 : memref<1x128xi32, #tpu.memory_space<vmem>> -> memref<128xi32, #tpu.memory_space<vmem>>
          %dma_wait3A_991 = arith.constant 0 : i32
          %dma_wait3A_992 = tpu.memref_slice %arg14[%dma_wait3A_991] : memref<10240xf32, #tpu.memory_space<vmem_shared>> -> memref<10240xf32, #tpu.memory_space<vmem_shared>>
          tpu.wait_indirect_dma semaphore(%arg15 : memref<!tpu.dma_semaphore, #tpu.memory_space<semaphore_mem>>) src(%dma_wait3A_985 : memref<128xf32, #tpu.memory_space<vmem>>) dst(%dma_wait3A_992 : memref<10240xf32, #tpu.memory_space<vmem_shared>>)
          %sub3A_993 = arith.constant 2 : i32
          %sub3A_994 = arith.subi %while3A_126, %sub3A_993 : i32
          %mul3A_995 = arith.constant 8 : i32
          %mul3A_996 = arith.muli %sub3A_994, %mul3A_995 : i32
          %add3A_997 = arith.constant 5 : i32
          %add3A_998 = arith.addi %mul3A_996, %add3A_997 : i32
          %mul3A_999 = arith.constant 128 : i32
          %mul3A_1000 = arith.muli %add3A_998, %mul3A_999 : i32
          %multiple_of3A_1001 = tpu.assume_multiple %mul3A_1000, 128 : i32
          %dma_wait3A_1002 = arith.constant 5 : i32
          %dma_wait3A_1003 = tpu.memref_slice %arg10[%multiple_of3A_1001] : memref<20480xf32, #tpu.memory_space<vmem>> -> memref<128xf32, #tpu.memory_space<vmem>>
          %dma_wait3A_1004 = arith.constant 0 : i32
          %dma_wait3A_1005 = tpu.memref_slice %arg11[%multiple_of3A_903, %dma_wait3A_1004] : memref<160x128xi32, #tpu.memory_space<vmem>> -> memref<8x128xi32, #tpu.memory_space<vmem>>
          %dma_wait3A_1006 = arith.constant 0 : i32
          %dma_wait3A_1007 = tpu.memref_slice %dma_wait3A_1005[%dma_wait3A_1002, %dma_wait3A_1006] : memref<8x128xi32, #tpu.memory_space<vmem>> -> memref<1x128xi32, #tpu.memory_space<vmem>>
          %dma_wait3A_1008 = tpu.memref_squeeze %dma_wait3A_1007 : memref<1x128xi32, #tpu.memory_space<vmem>> -> memref<128xi32, #tpu.memory_space<vmem>>
          %dma_wait3A_1009 = arith.constant 0 : i32
          %dma_wait3A_1010 = tpu.memref_slice %arg14[%dma_wait3A_1009] : memref<10240xf32, #tpu.memory_space<vmem_shared>> -> memref<10240xf32, #tpu.memory_space<vmem_shared>>
          tpu.wait_indirect_dma semaphore(%arg15 : memref<!tpu.dma_semaphore, #tpu.memory_space<semaphore_mem>>) src(%dma_wait3A_1003 : memref<128xf32, #tpu.memory_space<vmem>>) dst(%dma_wait3A_1010 : memref<10240xf32, #tpu.memory_space<vmem_shared>>)
          %sub3A_1011 = arith.constant 2 : i32
          %sub3A_1012 = arith.subi %while3A_126, %sub3A_1011 : i32
          %mul3A_1013 = arith.constant 8 : i32
          %mul3A_1014 = arith.muli %sub3A_1012, %mul3A_1013 : i32
          %add3A_1015 = arith.constant 6 : i32
          %add3A_1016 = arith.addi %mul3A_1014, %add3A_1015 : i32
          %mul3A_1017 = arith.constant 128 : i32
          %mul3A_1018 = arith.muli %add3A_1016, %mul3A_1017 : i32
          %multiple_of3A_1019 = tpu.assume_multiple %mul3A_1018, 128 : i32
          %dma_wait3A_1020 = arith.constant 6 : i32
          %dma_wait3A_1021 = tpu.memref_slice %arg10[%multiple_of3A_1019] : memref<20480xf32, #tpu.memory_space<vmem>> -> memref<128xf32, #tpu.memory_space<vmem>>
          %dma_wait3A_1022 = arith.constant 0 : i32
          %dma_wait3A_1023 = tpu.memref_slice %arg11[%multiple_of3A_903, %dma_wait3A_1022] : memref<160x128xi32, #tpu.memory_space<vmem>> -> memref<8x128xi32, #tpu.memory_space<vmem>>
          %dma_wait3A_1024 = arith.constant 0 : i32
          %dma_wait3A_1025 = tpu.memref_slice %dma_wait3A_1023[%dma_wait3A_1020, %dma_wait3A_1024] : memref<8x128xi32, #tpu.memory_space<vmem>> -> memref<1x128xi32, #tpu.memory_space<vmem>>
          %dma_wait3A_1026 = tpu.memref_squeeze %dma_wait3A_1025 : memref<1x128xi32, #tpu.memory_space<vmem>> -> memref<128xi32, #tpu.memory_space<vmem>>
          %dma_wait3A_1027 = arith.constant 0 : i32
          %dma_wait3A_1028 = tpu.memref_slice %arg14[%dma_wait3A_1027] : memref<10240xf32, #tpu.memory_space<vmem_shared>> -> memref<10240xf32, #tpu.memory_space<vmem_shared>>
          tpu.wait_indirect_dma semaphore(%arg15 : memref<!tpu.dma_semaphore, #tpu.memory_space<semaphore_mem>>) src(%dma_wait3A_1021 : memref<128xf32, #tpu.memory_space<vmem>>) dst(%dma_wait3A_1028 : memref<10240xf32, #tpu.memory_space<vmem_shared>>)
          %sub3A_1029 = arith.constant 2 : i32
          %sub3A_1030 = arith.subi %while3A_126, %sub3A_1029 : i32
          %mul3A_1031 = arith.constant 8 : i32
          %mul3A_1032 = arith.muli %sub3A_1030, %mul3A_1031 : i32
          %add3A_1033 = arith.constant 7 : i32
          %add3A_1034 = arith.addi %mul3A_1032, %add3A_1033 : i32
          %mul3A_1035 = arith.constant 128 : i32
          %mul3A_1036 = arith.muli %add3A_1034, %mul3A_1035 : i32
          %multiple_of3A_1037 = tpu.assume_multiple %mul3A_1036, 128 : i32
          %dma_wait3A_1038 = arith.constant 7 : i32
          %dma_wait3A_1039 = tpu.memref_slice %arg10[%multiple_of3A_1037] : memref<20480xf32, #tpu.memory_space<vmem>> -> memref<128xf32, #tpu.memory_space<vmem>>
          %dma_wait3A_1040 = arith.constant 0 : i32
          %dma_wait3A_1041 = tpu.memref_slice %arg11[%multiple_of3A_903, %dma_wait3A_1040] : memref<160x128xi32, #tpu.memory_space<vmem>> -> memref<8x128xi32, #tpu.memory_space<vmem>>
          %dma_wait3A_1042 = arith.constant 0 : i32
          %dma_wait3A_1043 = tpu.memref_slice %dma_wait3A_1041[%dma_wait3A_1038, %dma_wait3A_1042] : memref<8x128xi32, #tpu.memory_space<vmem>> -> memref<1x128xi32, #tpu.memory_space<vmem>>
          %dma_wait3A_1044 = tpu.memref_squeeze %dma_wait3A_1043 : memref<1x128xi32, #tpu.memory_space<vmem>> -> memref<128xi32, #tpu.memory_space<vmem>>
          %dma_wait3A_1045 = arith.constant 0 : i32
          %dma_wait3A_1046 = tpu.memref_slice %arg14[%dma_wait3A_1045] : memref<10240xf32, #tpu.memory_space<vmem_shared>> -> memref<10240xf32, #tpu.memory_space<vmem_shared>>
          tpu.wait_indirect_dma semaphore(%arg15 : memref<!tpu.dma_semaphore, #tpu.memory_space<semaphore_mem>>) src(%dma_wait3A_1039 : memref<128xf32, #tpu.memory_space<vmem>>) dst(%dma_wait3A_1046 : memref<10240xf32, #tpu.memory_space<vmem_shared>>)
        } else {
        }
        %while3A_898 = arith.constant 0 : i32
        scf.yield %while3A_898 : i32
      }
      %while3A_109 = arith.constant 1 : i32
      %while3A_110 = scf.for %while3A_126 = %while3A_106 to %while3A_102 step %while3A_109 iter_args(%while3A_127 = %while3A_108) -> (i32)  : i32 {
        %mul3A_128 = arith.constant 8 : i32
        %mul3A_129 = arith.muli %while3A_126, %mul3A_128 : i32
        %multiple_of3A_130 = tpu.assume_multiple %mul3A_129, 8 : i32
        %mul3A_131 = arith.constant 8 : i32
        %mul3A_132 = arith.muli %while3A_126, %mul3A_131 : i32
        %add3A_133 = arith.constant 0 : i32
        %add3A_134 = arith.addi %mul3A_132, %add3A_133 : i32
        %mul3A_135 = arith.constant 128 : i32
        %mul3A_136 = arith.muli %add3A_134, %mul3A_135 : i32
        %multiple_of3A_137 = tpu.assume_multiple %mul3A_136, 128 : i32
        %add3A_138 = arith.constant 0 : i32
        %add3A_139 = arith.addi %multiple_of3A_137, %add3A_138 : i32
        %get3A_140 = arith.index_cast %add3A_139 : i32 to index
        %get3A_141 = tpu.vector_load %arg9[%get3A_140] {strides = array<i32>} : memref<20480xi32, #tpu.memory_space<vmem>>, vector<16xi32>,
        %gather3A = tpu.vector_load_idx %arg8[%get3A_141] : memref<10000xf32, #tpu.memory_space<vmem>>[vector<16xi32>], vector<16xf32>,
        %get3A_142 = arith.index_cast %add3A_139 : i32 to index
        %get3A_143 = tpu.vector_load %arg10[%get3A_142] {strides = array<i32>} : memref<20480xf32, #tpu.memory_space<vmem>>, vector<16xf32>,
        %mul3A_144 = arith.mulf %gather3A, %get3A_143 : vector<16xf32>
        %swap3A = arith.index_cast %add3A_139 : i32 to index
        %swap3A_145 = tpu.vector_load %arg10[%swap3A] {strides = array<i32>} : memref<20480xf32, #tpu.memory_space<vmem>>, vector<16xf32>,
        tpu.vector_store %arg10[%swap3A], %mul3A_144 {strides = array<i32>} : memref<20480xf32, #tpu.memory_space<vmem>>, vector<16xf32>,
        %add3A_146 = arith.constant 16 : i32
        %add3A_147 = arith.addi %multiple_of3A_137, %add3A_146 : i32
        %get3A_148 = arith.index_cast %add3A_147 : i32 to index
        %get3A_149 = tpu.vector_load %arg9[%get3A_148] {strides = array<i32>} : memref<20480xi32, #tpu.memory_space<vmem>>, vector<16xi32>,
        %gather3A_150 = tpu.vector_load_idx %arg8[%get3A_149] : memref<10000xf32, #tpu.memory_space<vmem>>[vector<16xi32>], vector<16xf32>,
        %get3A_151 = arith.index_cast %add3A_147 : i32 to index
        %get3A_152 = tpu.vector_load %arg10[%get3A_151] {strides = array<i32>} : memref<20480xf32, #tpu.memory_space<vmem>>, vector<16xf32>,
        %mul3A_153 = arith.mulf %gather3A_150, %get3A_152 : vector<16xf32>
        %swap3A_154 = arith.index_cast %add3A_147 : i32 to index
        %swap3A_155 = tpu.vector_load %arg10[%swap3A_154] {strides = array<i32>} : memref<20480xf32, #tpu.memory_space<vmem>>, vector<16xf32>,
        tpu.vector_store %arg10[%swap3A_154], %mul3A_153 {strides = array<i32>} : memref<20480xf32, #tpu.memory_space<vmem>>, vector<16xf32>,
        %add3A_156 = arith.constant 32 : i32
        %add3A_157 = arith.addi %multiple_of3A_137, %add3A_156 : i32
        %get3A_158 = arith.index_cast %add3A_157 : i32 to index
        %get3A_159 = tpu.vector_load %arg9[%get3A_158] {strides = array<i32>} : memref<20480xi32, #tpu.memory_space<vmem>>, vector<16xi32>,
        %gather3A_160 = tpu.vector_load_idx %arg8[%get3A_159] : memref<10000xf32, #tpu.memory_space<vmem>>[vector<16xi32>], vector<16xf32>,
        %get3A_161 = arith.index_cast %add3A_157 : i32 to index
        %get3A_162 = tpu.vector_load %arg10[%get3A_161] {strides = array<i32>} : memref<20480xf32, #tpu.memory_space<vmem>>, vector<16xf32>,
        %mul3A_163 = arith.mulf %gather3A_160, %get3A_162 : vector<16xf32>
        %swap3A_164 = arith.index_cast %add3A_157 : i32 to index
        %swap3A_165 = tpu.vector_load %arg10[%swap3A_164] {strides = array<i32>} : memref<20480xf32, #tpu.memory_space<vmem>>, vector<16xf32>,
        tpu.vector_store %arg10[%swap3A_164], %mul3A_163 {strides = array<i32>} : memref<20480xf32, #tpu.memory_space<vmem>>, vector<16xf32>,
        %add3A_166 = arith.constant 48 : i32
        %add3A_167 = arith.addi %multiple_of3A_137, %add3A_166 : i32
        %get3A_168 = arith.index_cast %add3A_167 : i32 to index
        %get3A_169 = tpu.vector_load %arg9[%get3A_168] {strides = array<i32>} : memref<20480xi32, #tpu.memory_space<vmem>>, vector<16xi32>,
        %gather3A_170 = tpu.vector_load_idx %arg8[%get3A_169] : memref<10000xf32, #tpu.memory_space<vmem>>[vector<16xi32>], vector<16xf32>,
        %get3A_171 = arith.index_cast %add3A_167 : i32 to index
        %get3A_172 = tpu.vector_load %arg10[%get3A_171] {strides = array<i32>} : memref<20480xf32, #tpu.memory_space<vmem>>, vector<16xf32>,
        %mul3A_173 = arith.mulf %gather3A_170, %get3A_172 : vector<16xf32>
        %swap3A_174 = arith.index_cast %add3A_167 : i32 to index
        %swap3A_175 = tpu.vector_load %arg10[%swap3A_174] {strides = array<i32>} : memref<20480xf32, #tpu.memory_space<vmem>>, vector<16xf32>,
        tpu.vector_store %arg10[%swap3A_174], %mul3A_173 {strides = array<i32>} : memref<20480xf32, #tpu.memory_space<vmem>>, vector<16xf32>,
        %add3A_176 = arith.constant 64 : i32
        %add3A_177 = arith.addi %multiple_of3A_137, %add3A_176 : i32
        %get3A_178 = arith.index_cast %add3A_177 : i32 to index
        %get3A_179 = tpu.vector_load %arg9[%get3A_178] {strides = array<i32>} : memref<20480xi32, #tpu.memory_space<vmem>>, vector<16xi32>,
        %gather3A_180 = tpu.vector_load_idx %arg8[%get3A_179] : memref<10000xf32, #tpu.memory_space<vmem>>[vector<16xi32>], vector<16xf32>,
        %get3A_181 = arith.index_cast %add3A_177 : i32 to index
        %get3A_182 = tpu.vector_load %arg10[%get3A_181] {strides = array<i32>} : memref<20480xf32, #tpu.memory_space<vmem>>, vector<16xf32>,
        %mul3A_183 = arith.mulf %gather3A_180, %get3A_182 : vector<16xf32>
        %swap3A_184 = arith.index_cast %add3A_177 : i32 to index
        %swap3A_185 = tpu.vector_load %arg10[%swap3A_184] {strides = array<i32>} : memref<20480xf32, #tpu.memory_space<vmem>>, vector<16xf32>,
        tpu.vector_store %arg10[%swap3A_184], %mul3A_183 {strides = array<i32>} : memref<20480xf32, #tpu.memory_space<vmem>>, vector<16xf32>,
        %add3A_186 = arith.constant 80 : i32
        %add3A_187 = arith.addi %multiple_of3A_137, %add3A_186 : i32
        %get3A_188 = arith.index_cast %add3A_187 : i32 to index
        %get3A_189 = tpu.vector_load %arg9[%get3A_188] {strides = array<i32>} : memref<20480xi32, #tpu.memory_space<vmem>>, vector<16xi32>,
        %gather3A_190 = tpu.vector_load_idx %arg8[%get3A_189] : memref<10000xf32, #tpu.memory_space<vmem>>[vector<16xi32>], vector<16xf32>,
        %get3A_191 = arith.index_cast %add3A_187 : i32 to index
        %get3A_192 = tpu.vector_load %arg10[%get3A_191] {strides = array<i32>} : memref<20480xf32, #tpu.memory_space<vmem>>, vector<16xf32>,
        %mul3A_193 = arith.mulf %gather3A_190, %get3A_192 : vector<16xf32>
        %swap3A_194 = arith.index_cast %add3A_187 : i32 to index
        %swap3A_195 = tpu.vector_load %arg10[%swap3A_194] {strides = array<i32>} : memref<20480xf32, #tpu.memory_space<vmem>>, vector<16xf32>,
        tpu.vector_store %arg10[%swap3A_194], %mul3A_193 {strides = array<i32>} : memref<20480xf32, #tpu.memory_space<vmem>>, vector<16xf32>,
        %add3A_196 = arith.constant 96 : i32
        %add3A_197 = arith.addi %multiple_of3A_137, %add3A_196 : i32
        %get3A_198 = arith.index_cast %add3A_197 : i32 to index
        %get3A_199 = tpu.vector_load %arg9[%get3A_198] {strides = array<i32>} : memref<20480xi32, #tpu.memory_space<vmem>>, vector<16xi32>,
        %gather3A_200 = tpu.vector_load_idx %arg8[%get3A_199] : memref<10000xf32, #tpu.memory_space<vmem>>[vector<16xi32>], vector<16xf32>,
        %get3A_201 = arith.index_cast %add3A_197 : i32 to index
        %get3A_202 = tpu.vector_load %arg10[%get3A_201] {strides = array<i32>} : memref<20480xf32, #tpu.memory_space<vmem>>, vector<16xf32>,
        %mul3A_203 = arith.mulf %gather3A_200, %get3A_202 : vector<16xf32>
        %swap3A_204 = arith.index_cast %add3A_197 : i32 to index
        %swap3A_205 = tpu.vector_load %arg10[%swap3A_204] {strides = array<i32>} : memref<20480xf32, #tpu.memory_space<vmem>>, vector<16xf32>,
        tpu.vector_store %arg10[%swap3A_204], %mul3A_203 {strides = array<i32>} : memref<20480xf32, #tpu.memory_space<vmem>>, vector<16xf32>,
        %add3A_206 = arith.constant 112 : i32
        %add3A_207 = arith.addi %multiple_of3A_137, %add3A_206 : i32
        %get3A_208 = arith.index_cast %add3A_207 : i32 to index
        %get3A_209 = tpu.vector_load %arg9[%get3A_208] {strides = array<i32>} : memref<20480xi32, #tpu.memory_space<vmem>>, vector<16xi32>,
        %gather3A_210 = tpu.vector_load_idx %arg8[%get3A_209] : memref<10000xf32, #tpu.memory_space<vmem>>[vector<16xi32>], vector<16xf32>,
        %get3A_211 = arith.index_cast %add3A_207 : i32 to index
        %get3A_212 = tpu.vector_load %arg10[%get3A_211] {strides = array<i32>} : memref<20480xf32, #tpu.memory_space<vmem>>, vector<16xf32>,
        %mul3A_213 = arith.mulf %gather3A_210, %get3A_212 : vector<16xf32>
        %swap3A_214 = arith.index_cast %add3A_207 : i32 to index
        %swap3A_215 = tpu.vector_load %arg10[%swap3A_214] {strides = array<i32>} : memref<20480xf32, #tpu.memory_space<vmem>>, vector<16xf32>,
        tpu.vector_store %arg10[%swap3A_214], %mul3A_213 {strides = array<i32>} : memref<20480xf32, #tpu.memory_space<vmem>>, vector<16xf32>,
        %dma_start3A = arith.constant 0 : i32
        %dma_start3A_216 = tpu.memref_slice %arg10[%multiple_of3A_137] : memref<20480xf32, #tpu.memory_space<vmem>> -> memref<128xf32, #tpu.memory_space<vmem>>
        %dma_start3A_217 = arith.constant 0 : i32
        %dma_start3A_218 = tpu.memref_slice %arg11[%multiple_of3A_130, %dma_start3A_217] : memref<160x128xi32, #tpu.memory_space<vmem>> -> memref<8x128xi32, #tpu.memory_space<vmem>>
        %dma_start3A_219 = arith.constant 0 : i32
        %dma_start3A_220 = tpu.memref_slice %dma_start3A_218[%dma_start3A, %dma_start3A_219] : memref<8x128xi32, #tpu.memory_space<vmem>> -> memref<1x128xi32, #tpu.memory_space<vmem>>
        %dma_start3A_221 = tpu.memref_squeeze %dma_start3A_220 : memref<1x128xi32, #tpu.memory_space<vmem>> -> memref<128xi32, #tpu.memory_space<vmem>>
        %dma_start3A_222 = arith.constant 0 : i32
        %dma_start3A_223 = tpu.memref_slice %arg14[%dma_start3A_222] : memref<10240xf32, #tpu.memory_space<vmem_shared>> -> memref<10240xf32, #tpu.memory_space<vmem_shared>>
        tpu.enqueue_indirect_dma source(%dma_start3A_216 : memref<128xf32, #tpu.memory_space<vmem>>) target(%dma_start3A_223 : memref<10240xf32, #tpu.memory_space<vmem_shared>>) offsets(%dma_start3A_221 : memref<128xi32, #tpu.memory_space<vmem>>) semaphore(%arg15 : memref<!tpu.dma_semaphore, #tpu.memory_space<semaphore_mem>>) {add = true}
        %mul3A_224 = arith.constant 8 : i32
        %mul3A_225 = arith.muli %while3A_126, %mul3A_224 : i32
        %add3A_226 = arith.constant 1 : i32
        %add3A_227 = arith.addi %mul3A_225, %add3A_226 : i32
        %mul3A_228 = arith.constant 128 : i32
        %mul3A_229 = arith.muli %add3A_227, %mul3A_228 : i32
        %multiple_of3A_230 = tpu.assume_multiple %mul3A_229, 128 : i32
        %add3A_231 = arith.constant 0 : i32
        %add3A_232 = arith.addi %multiple_of3A_230, %add3A_231 : i32
        %get3A_233 = arith.index_cast %add3A_232 : i32 to index
        %get3A_234 = tpu.vector_load %arg9[%get3A_233] {strides = array<i32>} : memref<20480xi32, #tpu.memory_space<vmem>>, vector<16xi32>,
        %gather3A_235 = tpu.vector_load_idx %arg8[%get3A_234] : memref<10000xf32, #tpu.memory_space<vmem>>[vector<16xi32>], vector<16xf32>,
        %get3A_236 = arith.index_cast %add3A_232 : i32 to index
        %get3A_237 = tpu.vector_load %arg10[%get3A_236] {strides = array<i32>} : memref<20480xf32, #tpu.memory_space<vmem>>, vector<16xf32>,
        %mul3A_238 = arith.mulf %gather3A_235, %get3A_237 : vector<16xf32>
        %swap3A_239 = arith.index_cast %add3A_232 : i32 to index
        %swap3A_240 = tpu.vector_load %arg10[%swap3A_239] {strides = array<i32>} : memref<20480xf32, #tpu.memory_space<vmem>>, vector<16xf32>,
        tpu.vector_store %arg10[%swap3A_239], %mul3A_238 {strides = array<i32>} : memref<20480xf32, #tpu.memory_space<vmem>>, vector<16xf32>,
        %add3A_241 = arith.constant 16 : i32
        %add3A_242 = arith.addi %multiple_of3A_230, %add3A_241 : i32
        %get3A_243 = arith.index_cast %add3A_242 : i32 to index
        %get3A_244 = tpu.vector_load %arg9[%get3A_243] {strides = array<i32>} : memref<20480xi32, #tpu.memory_space<vmem>>, vector<16xi32>,
        %gather3A_245 = tpu.vector_load_idx %arg8[%get3A_244] : memref<10000xf32, #tpu.memory_space<vmem>>[vector<16xi32>], vector<16xf32>,
        %get3A_246 = arith.index_cast %add3A_242 : i32 to index
        %get3A_247 = tpu.vector_load %arg10[%get3A_246] {strides = array<i32>} : memref<20480xf32, #tpu.memory_space<vmem>>, vector<16xf32>,
        %mul3A_248 = arith.mulf %gather3A_245, %get3A_247 : vector<16xf32>
        %swap3A_249 = arith.index_cast %add3A_242 : i32 to index
        %swap3A_250 = tpu.vector_load %arg10[%swap3A_249] {strides = array<i32>} : memref<20480xf32, #tpu.memory_space<vmem>>, vector<16xf32>,
        tpu.vector_store %arg10[%swap3A_249], %mul3A_248 {strides = array<i32>} : memref<20480xf32, #tpu.memory_space<vmem>>, vector<16xf32>,
        %add3A_251 = arith.constant 32 : i32
        %add3A_252 = arith.addi %multiple_of3A_230, %add3A_251 : i32
        %get3A_253 = arith.index_cast %add3A_252 : i32 to index
        %get3A_254 = tpu.vector_load %arg9[%get3A_253] {strides = array<i32>} : memref<20480xi32, #tpu.memory_space<vmem>>, vector<16xi32>,
        %gather3A_255 = tpu.vector_load_idx %arg8[%get3A_254] : memref<10000xf32, #tpu.memory_space<vmem>>[vector<16xi32>], vector<16xf32>,
        %get3A_256 = arith.index_cast %add3A_252 : i32 to index
        %get3A_257 = tpu.vector_load %arg10[%get3A_256] {strides = array<i32>} : memref<20480xf32, #tpu.memory_space<vmem>>, vector<16xf32>,
        %mul3A_258 = arith.mulf %gather3A_255, %get3A_257 : vector<16xf32>
        %swap3A_259 = arith.index_cast %add3A_252 : i32 to index
        %swap3A_260 = tpu.vector_load %arg10[%swap3A_259] {strides = array<i32>} : memref<20480xf32, #tpu.memory_space<vmem>>, vector<16xf32>,
        tpu.vector_store %arg10[%swap3A_259], %mul3A_258 {strides = array<i32>} : memref<20480xf32, #tpu.memory_space<vmem>>, vector<16xf32>,
        %add3A_261 = arith.constant 48 : i32
        %add3A_262 = arith.addi %multiple_of3A_230, %add3A_261 : i32
        %get3A_263 = arith.index_cast %add3A_262 : i32 to index
        %get3A_264 = tpu.vector_load %arg9[%get3A_263] {strides = array<i32>} : memref<20480xi32, #tpu.memory_space<vmem>>, vector<16xi32>,
        %gather3A_265 = tpu.vector_load_idx %arg8[%get3A_264] : memref<10000xf32, #tpu.memory_space<vmem>>[vector<16xi32>], vector<16xf32>,
        %get3A_266 = arith.index_cast %add3A_262 : i32 to index
        %get3A_267 = tpu.vector_load %arg10[%get3A_266] {strides = array<i32>} : memref<20480xf32, #tpu.memory_space<vmem>>, vector<16xf32>,
        %mul3A_268 = arith.mulf %gather3A_265, %get3A_267 : vector<16xf32>
        %swap3A_269 = arith.index_cast %add3A_262 : i32 to index
        %swap3A_270 = tpu.vector_load %arg10[%swap3A_269] {strides = array<i32>} : memref<20480xf32, #tpu.memory_space<vmem>>, vector<16xf32>,
        tpu.vector_store %arg10[%swap3A_269], %mul3A_268 {strides = array<i32>} : memref<20480xf32, #tpu.memory_space<vmem>>, vector<16xf32>,
        %add3A_271 = arith.constant 64 : i32
        %add3A_272 = arith.addi %multiple_of3A_230, %add3A_271 : i32
        %get3A_273 = arith.index_cast %add3A_272 : i32 to index
        %get3A_274 = tpu.vector_load %arg9[%get3A_273] {strides = array<i32>} : memref<20480xi32, #tpu.memory_space<vmem>>, vector<16xi32>,
        %gather3A_275 = tpu.vector_load_idx %arg8[%get3A_274] : memref<10000xf32, #tpu.memory_space<vmem>>[vector<16xi32>], vector<16xf32>,
        %get3A_276 = arith.index_cast %add3A_272 : i32 to index
        %get3A_277 = tpu.vector_load %arg10[%get3A_276] {strides = array<i32>} : memref<20480xf32, #tpu.memory_space<vmem>>, vector<16xf32>,
        %mul3A_278 = arith.mulf %gather3A_275, %get3A_277 : vector<16xf32>
        %swap3A_279 = arith.index_cast %add3A_272 : i32 to index
        %swap3A_280 = tpu.vector_load %arg10[%swap3A_279] {strides = array<i32>} : memref<20480xf32, #tpu.memory_space<vmem>>, vector<16xf32>,
        tpu.vector_store %arg10[%swap3A_279], %mul3A_278 {strides = array<i32>} : memref<20480xf32, #tpu.memory_space<vmem>>, vector<16xf32>,
        %add3A_281 = arith.constant 80 : i32
        %add3A_282 = arith.addi %multiple_of3A_230, %add3A_281 : i32
        %get3A_283 = arith.index_cast %add3A_282 : i32 to index
        %get3A_284 = tpu.vector_load %arg9[%get3A_283] {strides = array<i32>} : memref<20480xi32, #tpu.memory_space<vmem>>, vector<16xi32>,
        %gather3A_285 = tpu.vector_load_idx %arg8[%get3A_284] : memref<10000xf32, #tpu.memory_space<vmem>>[vector<16xi32>], vector<16xf32>,
        %get3A_286 = arith.index_cast %add3A_282 : i32 to index
        %get3A_287 = tpu.vector_load %arg10[%get3A_286] {strides = array<i32>} : memref<20480xf32, #tpu.memory_space<vmem>>, vector<16xf32>,
        %mul3A_288 = arith.mulf %gather3A_285, %get3A_287 : vector<16xf32>
        %swap3A_289 = arith.index_cast %add3A_282 : i32 to index
        %swap3A_290 = tpu.vector_load %arg10[%swap3A_289] {strides = array<i32>} : memref<20480xf32, #tpu.memory_space<vmem>>, vector<16xf32>,
        tpu.vector_store %arg10[%swap3A_289], %mul3A_288 {strides = array<i32>} : memref<20480xf32, #tpu.memory_space<vmem>>, vector<16xf32>,
        %add3A_291 = arith.constant 96 : i32
        %add3A_292 = arith.addi %multiple_of3A_230, %add3A_291 : i32
        %get3A_293 = arith.index_cast %add3A_292 : i32 to index
        %get3A_294 = tpu.vector_load %arg9[%get3A_293] {strides = array<i32>} : memref<20480xi32, #tpu.memory_space<vmem>>, vector<16xi32>,
        %gather3A_295 = tpu.vector_load_idx %arg8[%get3A_294] : memref<10000xf32, #tpu.memory_space<vmem>>[vector<16xi32>], vector<16xf32>,
        %get3A_296 = arith.index_cast %add3A_292 : i32 to index
        %get3A_297 = tpu.vector_load %arg10[%get3A_296] {strides = array<i32>} : memref<20480xf32, #tpu.memory_space<vmem>>, vector<16xf32>,
        %mul3A_298 = arith.mulf %gather3A_295, %get3A_297 : vector<16xf32>
        %swap3A_299 = arith.index_cast %add3A_292 : i32 to index
        %swap3A_300 = tpu.vector_load %arg10[%swap3A_299] {strides = array<i32>} : memref<20480xf32, #tpu.memory_space<vmem>>, vector<16xf32>,
        tpu.vector_store %arg10[%swap3A_299], %mul3A_298 {strides = array<i32>} : memref<20480xf32, #tpu.memory_space<vmem>>, vector<16xf32>,
        %add3A_301 = arith.constant 112 : i32
        %add3A_302 = arith.addi %multiple_of3A_230, %add3A_301 : i32
        %get3A_303 = arith.index_cast %add3A_302 : i32 to index
        %get3A_304 = tpu.vector_load %arg9[%get3A_303] {strides = array<i32>} : memref<20480xi32, #tpu.memory_space<vmem>>, vector<16xi32>,
        %gather3A_305 = tpu.vector_load_idx %arg8[%get3A_304] : memref<10000xf32, #tpu.memory_space<vmem>>[vector<16xi32>], vector<16xf32>,
        %get3A_306 = arith.index_cast %add3A_302 : i32 to index
        %get3A_307 = tpu.vector_load %arg10[%get3A_306] {strides = array<i32>} : memref<20480xf32, #tpu.memory_space<vmem>>, vector<16xf32>,
        %mul3A_308 = arith.mulf %gather3A_305, %get3A_307 : vector<16xf32>
        %swap3A_309 = arith.index_cast %add3A_302 : i32 to index
        %swap3A_310 = tpu.vector_load %arg10[%swap3A_309] {strides = array<i32>} : memref<20480xf32, #tpu.memory_space<vmem>>, vector<16xf32>,
        tpu.vector_store %arg10[%swap3A_309], %mul3A_308 {strides = array<i32>} : memref<20480xf32, #tpu.memory_space<vmem>>, vector<16xf32>,
        %dma_start3A_311 = arith.constant 1 : i32
        %dma_start3A_312 = tpu.memref_slice %arg10[%multiple_of3A_230] : memref<20480xf32, #tpu.memory_space<vmem>> -> memref<128xf32, #tpu.memory_space<vmem>>
        %dma_start3A_313 = arith.constant 0 : i32
        %dma_start3A_314 = tpu.memref_slice %arg11[%multiple_of3A_130, %dma_start3A_313] : memref<160x128xi32, #tpu.memory_space<vmem>> -> memref<8x128xi32, #tpu.memory_space<vmem>>
        %dma_start3A_315 = arith.constant 0 : i32
        %dma_start3A_316 = tpu.memref_slice %dma_start3A_314[%dma_start3A_311, %dma_start3A_315] : memref<8x128xi32, #tpu.memory_space<vmem>> -> memref<1x128xi32, #tpu.memory_space<vmem>>
        %dma_start3A_317 = tpu.memref_squeeze %dma_start3A_316 : memref<1x128xi32, #tpu.memory_space<vmem>> -> memref<128xi32, #tpu.memory_space<vmem>>
        %dma_start3A_318 = arith.constant 0 : i32
        %dma_start3A_319 = tpu.memref_slice %arg14[%dma_start3A_318] : memref<10240xf32, #tpu.memory_space<vmem_shared>> -> memref<10240xf32, #tpu.memory_space<vmem_shared>>
        tpu.enqueue_indirect_dma source(%dma_start3A_312 : memref<128xf32, #tpu.memory_space<vmem>>) target(%dma_start3A_319 : memref<10240xf32, #tpu.memory_space<vmem_shared>>) offsets(%dma_start3A_317 : memref<128xi32, #tpu.memory_space<vmem>>) semaphore(%arg15 : memref<!tpu.dma_semaphore, #tpu.memory_space<semaphore_mem>>) {add = true}
        %mul3A_320 = arith.constant 8 : i32
        %mul3A_321 = arith.muli %while3A_126, %mul3A_320 : i32
        %add3A_322 = arith.constant 2 : i32
        %add3A_323 = arith.addi %mul3A_321, %add3A_322 : i32
        %mul3A_324 = arith.constant 128 : i32
        %mul3A_325 = arith.muli %add3A_323, %mul3A_324 : i32
        %multiple_of3A_326 = tpu.assume_multiple %mul3A_325, 128 : i32
        %add3A_327 = arith.constant 0 : i32
        %add3A_328 = arith.addi %multiple_of3A_326, %add3A_327 : i32
        %get3A_329 = arith.index_cast %add3A_328 : i32 to index
        %get3A_330 = tpu.vector_load %arg9[%get3A_329] {strides = array<i32>} : memref<20480xi32, #tpu.memory_space<vmem>>, vector<16xi32>,
        %gather3A_331 = tpu.vector_load_idx %arg8[%get3A_330] : memref<10000xf32, #tpu.memory_space<vmem>>[vector<16xi32>], vector<16xf32>,
        %get3A_332 = arith.index_cast %add3A_328 : i32 to index
        %get3A_333 = tpu.vector_load %arg10[%get3A_332] {strides = array<i32>} : memref<20480xf32, #tpu.memory_space<vmem>>, vector<16xf32>,
        %mul3A_334 = arith.mulf %gather3A_331, %get3A_333 : vector<16xf32>
        %swap3A_335 = arith.index_cast %add3A_328 : i32 to index
        %swap3A_336 = tpu.vector_load %arg10[%swap3A_335] {strides = array<i32>} : memref<20480xf32, #tpu.memory_space<vmem>>, vector<16xf32>,
        tpu.vector_store %arg10[%swap3A_335], %mul3A_334 {strides = array<i32>} : memref<20480xf32, #tpu.memory_space<vmem>>, vector<16xf32>,
        %add3A_337 = arith.constant 16 : i32
        %add3A_338 = arith.addi %multiple_of3A_326, %add3A_337 : i32
        %get3A_339 = arith.index_cast %add3A_338 : i32 to index
        %get3A_340 = tpu.vector_load %arg9[%get3A_339] {strides = array<i32>} : memref<20480xi32, #tpu.memory_space<vmem>>, vector<16xi32>,
        %gather3A_341 = tpu.vector_load_idx %arg8[%get3A_340] : memref<10000xf32, #tpu.memory_space<vmem>>[vector<16xi32>], vector<16xf32>,
        %get3A_342 = arith.index_cast %add3A_338 : i32 to index
        %get3A_343 = tpu.vector_load %arg10[%get3A_342] {strides = array<i32>} : memref<20480xf32, #tpu.memory_space<vmem>>, vector<16xf32>,
        %mul3A_344 = arith.mulf %gather3A_341, %get3A_343 : vector<16xf32>
        %swap3A_345 = arith.index_cast %add3A_338 : i32 to index
        %swap3A_346 = tpu.vector_load %arg10[%swap3A_345] {strides = array<i32>} : memref<20480xf32, #tpu.memory_space<vmem>>, vector<16xf32>,
        tpu.vector_store %arg10[%swap3A_345], %mul3A_344 {strides = array<i32>} : memref<20480xf32, #tpu.memory_space<vmem>>, vector<16xf32>,
        %add3A_347 = arith.constant 32 : i32
        %add3A_348 = arith.addi %multiple_of3A_326, %add3A_347 : i32
        %get3A_349 = arith.index_cast %add3A_348 : i32 to index
        %get3A_350 = tpu.vector_load %arg9[%get3A_349] {strides = array<i32>} : memref<20480xi32, #tpu.memory_space<vmem>>, vector<16xi32>,
        %gather3A_351 = tpu.vector_load_idx %arg8[%get3A_350] : memref<10000xf32, #tpu.memory_space<vmem>>[vector<16xi32>], vector<16xf32>,
        %get3A_352 = arith.index_cast %add3A_348 : i32 to index
        %get3A_353 = tpu.vector_load %arg10[%get3A_352] {strides = array<i32>} : memref<20480xf32, #tpu.memory_space<vmem>>, vector<16xf32>,
        %mul3A_354 = arith.mulf %gather3A_351, %get3A_353 : vector<16xf32>
        %swap3A_355 = arith.index_cast %add3A_348 : i32 to index
        %swap3A_356 = tpu.vector_load %arg10[%swap3A_355] {strides = array<i32>} : memref<20480xf32, #tpu.memory_space<vmem>>, vector<16xf32>,
        tpu.vector_store %arg10[%swap3A_355], %mul3A_354 {strides = array<i32>} : memref<20480xf32, #tpu.memory_space<vmem>>, vector<16xf32>,
        %add3A_357 = arith.constant 48 : i32
        %add3A_358 = arith.addi %multiple_of3A_326, %add3A_357 : i32
        %get3A_359 = arith.index_cast %add3A_358 : i32 to index
        %get3A_360 = tpu.vector_load %arg9[%get3A_359] {strides = array<i32>} : memref<20480xi32, #tpu.memory_space<vmem>>, vector<16xi32>,
        %gather3A_361 = tpu.vector_load_idx %arg8[%get3A_360] : memref<10000xf32, #tpu.memory_space<vmem>>[vector<16xi32>], vector<16xf32>,
        %get3A_362 = arith.index_cast %add3A_358 : i32 to index
        %get3A_363 = tpu.vector_load %arg10[%get3A_362] {strides = array<i32>} : memref<20480xf32, #tpu.memory_space<vmem>>, vector<16xf32>,
        %mul3A_364 = arith.mulf %gather3A_361, %get3A_363 : vector<16xf32>
        %swap3A_365 = arith.index_cast %add3A_358 : i32 to index
        %swap3A_366 = tpu.vector_load %arg10[%swap3A_365] {strides = array<i32>} : memref<20480xf32, #tpu.memory_space<vmem>>, vector<16xf32>,
        tpu.vector_store %arg10[%swap3A_365], %mul3A_364 {strides = array<i32>} : memref<20480xf32, #tpu.memory_space<vmem>>, vector<16xf32>,
        %add3A_367 = arith.constant 64 : i32
        %add3A_368 = arith.addi %multiple_of3A_326, %add3A_367 : i32
        %get3A_369 = arith.index_cast %add3A_368 : i32 to index
        %get3A_370 = tpu.vector_load %arg9[%get3A_369] {strides = array<i32>} : memref<20480xi32, #tpu.memory_space<vmem>>, vector<16xi32>,
        %gather3A_371 = tpu.vector_load_idx %arg8[%get3A_370] : memref<10000xf32, #tpu.memory_space<vmem>>[vector<16xi32>], vector<16xf32>,
        %get3A_372 = arith.index_cast %add3A_368 : i32 to index
        %get3A_373 = tpu.vector_load %arg10[%get3A_372] {strides = array<i32>} : memref<20480xf32, #tpu.memory_space<vmem>>, vector<16xf32>,
        %mul3A_374 = arith.mulf %gather3A_371, %get3A_373 : vector<16xf32>
        %swap3A_375 = arith.index_cast %add3A_368 : i32 to index
        %swap3A_376 = tpu.vector_load %arg10[%swap3A_375] {strides = array<i32>} : memref<20480xf32, #tpu.memory_space<vmem>>, vector<16xf32>,
        tpu.vector_store %arg10[%swap3A_375], %mul3A_374 {strides = array<i32>} : memref<20480xf32, #tpu.memory_space<vmem>>, vector<16xf32>,
        %add3A_377 = arith.constant 80 : i32
        %add3A_378 = arith.addi %multiple_of3A_326, %add3A_377 : i32
        %get3A_379 = arith.index_cast %add3A_378 : i32 to index
        %get3A_380 = tpu.vector_load %arg9[%get3A_379] {strides = array<i32>} : memref<20480xi32, #tpu.memory_space<vmem>>, vector<16xi32>,
        %gather3A_381 = tpu.vector_load_idx %arg8[%get3A_380] : memref<10000xf32, #tpu.memory_space<vmem>>[vector<16xi32>], vector<16xf32>,
        %get3A_382 = arith.index_cast %add3A_378 : i32 to index
        %get3A_383 = tpu.vector_load %arg10[%get3A_382] {strides = array<i32>} : memref<20480xf32, #tpu.memory_space<vmem>>, vector<16xf32>,
        %mul3A_384 = arith.mulf %gather3A_381, %get3A_383 : vector<16xf32>
        %swap3A_385 = arith.index_cast %add3A_378 : i32 to index
        %swap3A_386 = tpu.vector_load %arg10[%swap3A_385] {strides = array<i32>} : memref<20480xf32, #tpu.memory_space<vmem>>, vector<16xf32>,
        tpu.vector_store %arg10[%swap3A_385], %mul3A_384 {strides = array<i32>} : memref<20480xf32, #tpu.memory_space<vmem>>, vector<16xf32>,
        %add3A_387 = arith.constant 96 : i32
        %add3A_388 = arith.addi %multiple_of3A_326, %add3A_387 : i32
        %get3A_389 = arith.index_cast %add3A_388 : i32 to index
        %get3A_390 = tpu.vector_load %arg9[%get3A_389] {strides = array<i32>} : memref<20480xi32, #tpu.memory_space<vmem>>, vector<16xi32>,
        %gather3A_391 = tpu.vector_load_idx %arg8[%get3A_390] : memref<10000xf32, #tpu.memory_space<vmem>>[vector<16xi32>], vector<16xf32>,
        %get3A_392 = arith.index_cast %add3A_388 : i32 to index
        %get3A_393 = tpu.vector_load %arg10[%get3A_392] {strides = array<i32>} : memref<20480xf32, #tpu.memory_space<vmem>>, vector<16xf32>,
        %mul3A_394 = arith.mulf %gather3A_391, %get3A_393 : vector<16xf32>
        %swap3A_395 = arith.index_cast %add3A_388 : i32 to index
        %swap3A_396 = tpu.vector_load %arg10[%swap3A_395] {strides = array<i32>} : memref<20480xf32, #tpu.memory_space<vmem>>, vector<16xf32>,
        tpu.vector_store %arg10[%swap3A_395], %mul3A_394 {strides = array<i32>} : memref<20480xf32, #tpu.memory_space<vmem>>, vector<16xf32>,
        %add3A_397 = arith.constant 112 : i32
        %add3A_398 = arith.addi %multiple_of3A_326, %add3A_397 : i32
        %get3A_399 = arith.index_cast %add3A_398 : i32 to index
        %get3A_400 = tpu.vector_load %arg9[%get3A_399] {strides = array<i32>} : memref<20480xi32, #tpu.memory_space<vmem>>, vector<16xi32>,
        %gather3A_401 = tpu.vector_load_idx %arg8[%get3A_400] : memref<10000xf32, #tpu.memory_space<vmem>>[vector<16xi32>], vector<16xf32>,
        %get3A_402 = arith.index_cast %add3A_398 : i32 to index
        %get3A_403 = tpu.vector_load %arg10[%get3A_402] {strides = array<i32>} : memref<20480xf32, #tpu.memory_space<vmem>>, vector<16xf32>,
        %mul3A_404 = arith.mulf %gather3A_401, %get3A_403 : vector<16xf32>
        %swap3A_405 = arith.index_cast %add3A_398 : i32 to index
        %swap3A_406 = tpu.vector_load %arg10[%swap3A_405] {strides = array<i32>} : memref<20480xf32, #tpu.memory_space<vmem>>, vector<16xf32>,
        tpu.vector_store %arg10[%swap3A_405], %mul3A_404 {strides = array<i32>} : memref<20480xf32, #tpu.memory_space<vmem>>, vector<16xf32>,
        %dma_start3A_407 = arith.constant 2 : i32
        %dma_start3A_408 = tpu.memref_slice %arg10[%multiple_of3A_326] : memref<20480xf32, #tpu.memory_space<vmem>> -> memref<128xf32, #tpu.memory_space<vmem>>
        %dma_start3A_409 = arith.constant 0 : i32
        %dma_start3A_410 = tpu.memref_slice %arg11[%multiple_of3A_130, %dma_start3A_409] : memref<160x128xi32, #tpu.memory_space<vmem>> -> memref<8x128xi32, #tpu.memory_space<vmem>>
        %dma_start3A_411 = arith.constant 0 : i32
        %dma_start3A_412 = tpu.memref_slice %dma_start3A_410[%dma_start3A_407, %dma_start3A_411] : memref<8x128xi32, #tpu.memory_space<vmem>> -> memref<1x128xi32, #tpu.memory_space<vmem>>
        %dma_start3A_413 = tpu.memref_squeeze %dma_start3A_412 : memref<1x128xi32, #tpu.memory_space<vmem>> -> memref<128xi32, #tpu.memory_space<vmem>>
        %dma_start3A_414 = arith.constant 0 : i32
        %dma_start3A_415 = tpu.memref_slice %arg14[%dma_start3A_414] : memref<10240xf32, #tpu.memory_space<vmem_shared>> -> memref<10240xf32, #tpu.memory_space<vmem_shared>>
        tpu.enqueue_indirect_dma source(%dma_start3A_408 : memref<128xf32, #tpu.memory_space<vmem>>) target(%dma_start3A_415 : memref<10240xf32, #tpu.memory_space<vmem_shared>>) offsets(%dma_start3A_413 : memref<128xi32, #tpu.memory_space<vmem>>) semaphore(%arg15 : memref<!tpu.dma_semaphore, #tpu.memory_space<semaphore_mem>>) {add = true}
        %mul3A_416 = arith.constant 8 : i32
        %mul3A_417 = arith.muli %while3A_126, %mul3A_416 : i32
        %add3A_418 = arith.constant 3 : i32
        %add3A_419 = arith.addi %mul3A_417, %add3A_418 : i32
        %mul3A_420 = arith.constant 128 : i32
        %mul3A_421 = arith.muli %add3A_419, %mul3A_420 : i32
        %multiple_of3A_422 = tpu.assume_multiple %mul3A_421, 128 : i32
        %add3A_423 = arith.constant 0 : i32
        %add3A_424 = arith.addi %multiple_of3A_422, %add3A_423 : i32
        %get3A_425 = arith.index_cast %add3A_424 : i32 to index
        %get3A_426 = tpu.vector_load %arg9[%get3A_425] {strides = array<i32>} : memref<20480xi32, #tpu.memory_space<vmem>>, vector<16xi32>,
        %gather3A_427 = tpu.vector_load_idx %arg8[%get3A_426] : memref<10000xf32, #tpu.memory_space<vmem>>[vector<16xi32>], vector<16xf32>,
        %get3A_428 = arith.index_cast %add3A_424 : i32 to index
        %get3A_429 = tpu.vector_load %arg10[%get3A_428] {strides = array<i32>} : memref<20480xf32, #tpu.memory_space<vmem>>, vector<16xf32>,
        %mul3A_430 = arith.mulf %gather3A_427, %get3A_429 : vector<16xf32>
        %swap3A_431 = arith.index_cast %add3A_424 : i32 to index
        %swap3A_432 = tpu.vector_load %arg10[%swap3A_431] {strides = array<i32>} : memref<20480xf32, #tpu.memory_space<vmem>>, vector<16xf32>,
        tpu.vector_store %arg10[%swap3A_431], %mul3A_430 {strides = array<i32>} : memref<20480xf32, #tpu.memory_space<vmem>>, vector<16xf32>,
        %add3A_433 = arith.constant 16 : i32
        %add3A_434 = arith.addi %multiple_of3A_422, %add3A_433 : i32
        %get3A_435 = arith.index_cast %add3A_434 : i32 to index
        %get3A_436 = tpu.vector_load %arg9[%get3A_435] {strides = array<i32>} : memref<20480xi32, #tpu.memory_space<vmem>>, vector<16xi32>,
        %gather3A_437 = tpu.vector_load_idx %arg8[%get3A_436] : memref<10000xf32, #tpu.memory_space<vmem>>[vector<16xi32>], vector<16xf32>,
        %get3A_438 = arith.index_cast %add3A_434 : i32 to index
        %get3A_439 = tpu.vector_load %arg10[%get3A_438] {strides = array<i32>} : memref<20480xf32, #tpu.memory_space<vmem>>, vector<16xf32>,
        %mul3A_440 = arith.mulf %gather3A_437, %get3A_439 : vector<16xf32>
        %swap3A_441 = arith.index_cast %add3A_434 : i32 to index
        %swap3A_442 = tpu.vector_load %arg10[%swap3A_441] {strides = array<i32>} : memref<20480xf32, #tpu.memory_space<vmem>>, vector<16xf32>,
        tpu.vector_store %arg10[%swap3A_441], %mul3A_440 {strides = array<i32>} : memref<20480xf32, #tpu.memory_space<vmem>>, vector<16xf32>,
        %add3A_443 = arith.constant 32 : i32
        %add3A_444 = arith.addi %multiple_of3A_422, %add3A_443 : i32
        %get3A_445 = arith.index_cast %add3A_444 : i32 to index
        %get3A_446 = tpu.vector_load %arg9[%get3A_445] {strides = array<i32>} : memref<20480xi32, #tpu.memory_space<vmem>>, vector<16xi32>,
        %gather3A_447 = tpu.vector_load_idx %arg8[%get3A_446] : memref<10000xf32, #tpu.memory_space<vmem>>[vector<16xi32>], vector<16xf32>,
        %get3A_448 = arith.index_cast %add3A_444 : i32 to index
        %get3A_449 = tpu.vector_load %arg10[%get3A_448] {strides = array<i32>} : memref<20480xf32, #tpu.memory_space<vmem>>, vector<16xf32>,
        %mul3A_450 = arith.mulf %gather3A_447, %get3A_449 : vector<16xf32>
        %swap3A_451 = arith.index_cast %add3A_444 : i32 to index
        %swap3A_452 = tpu.vector_load %arg10[%swap3A_451] {strides = array<i32>} : memref<20480xf32, #tpu.memory_space<vmem>>, vector<16xf32>,
        tpu.vector_store %arg10[%swap3A_451], %mul3A_450 {strides = array<i32>} : memref<20480xf32, #tpu.memory_space<vmem>>, vector<16xf32>,
        %add3A_453 = arith.constant 48 : i32
        %add3A_454 = arith.addi %multiple_of3A_422, %add3A_453 : i32
        %get3A_455 = arith.index_cast %add3A_454 : i32 to index
        %get3A_456 = tpu.vector_load %arg9[%get3A_455] {strides = array<i32>} : memref<20480xi32, #tpu.memory_space<vmem>>, vector<16xi32>,
        %gather3A_457 = tpu.vector_load_idx %arg8[%get3A_456] : memref<10000xf32, #tpu.memory_space<vmem>>[vector<16xi32>], vector<16xf32>,
        %get3A_458 = arith.index_cast %add3A_454 : i32 to index
        %get3A_459 = tpu.vector_load %arg10[%get3A_458] {strides = array<i32>} : memref<20480xf32, #tpu.memory_space<vmem>>, vector<16xf32>,
        %mul3A_460 = arith.mulf %gather3A_457, %get3A_459 : vector<16xf32>
        %swap3A_461 = arith.index_cast %add3A_454 : i32 to index
        %swap3A_462 = tpu.vector_load %arg10[%swap3A_461] {strides = array<i32>} : memref<20480xf32, #tpu.memory_space<vmem>>, vector<16xf32>,
        tpu.vector_store %arg10[%swap3A_461], %mul3A_460 {strides = array<i32>} : memref<20480xf32, #tpu.memory_space<vmem>>, vector<16xf32>,
        %add3A_463 = arith.constant 64 : i32
        %add3A_464 = arith.addi %multiple_of3A_422, %add3A_463 : i32
        %get3A_465 = arith.index_cast %add3A_464 : i32 to index
        %get3A_466 = tpu.vector_load %arg9[%get3A_465] {strides = array<i32>} : memref<20480xi32, #tpu.memory_space<vmem>>, vector<16xi32>,
        %gather3A_467 = tpu.vector_load_idx %arg8[%get3A_466] : memref<10000xf32, #tpu.memory_space<vmem>>[vector<16xi32>], vector<16xf32>,
        %get3A_468 = arith.index_cast %add3A_464 : i32 to index
        %get3A_469 = tpu.vector_load %arg10[%get3A_468] {strides = array<i32>} : memref<20480xf32, #tpu.memory_space<vmem>>, vector<16xf32>,
        %mul3A_470 = arith.mulf %gather3A_467, %get3A_469 : vector<16xf32>
        %swap3A_471 = arith.index_cast %add3A_464 : i32 to index
        %swap3A_472 = tpu.vector_load %arg10[%swap3A_471] {strides = array<i32>} : memref<20480xf32, #tpu.memory_space<vmem>>, vector<16xf32>,
        tpu.vector_store %arg10[%swap3A_471], %mul3A_470 {strides = array<i32>} : memref<20480xf32, #tpu.memory_space<vmem>>, vector<16xf32>,
        %add3A_473 = arith.constant 80 : i32
        %add3A_474 = arith.addi %multiple_of3A_422, %add3A_473 : i32
        %get3A_475 = arith.index_cast %add3A_474 : i32 to index
        %get3A_476 = tpu.vector_load %arg9[%get3A_475] {strides = array<i32>} : memref<20480xi32, #tpu.memory_space<vmem>>, vector<16xi32>,
        %gather3A_477 = tpu.vector_load_idx %arg8[%get3A_476] : memref<10000xf32, #tpu.memory_space<vmem>>[vector<16xi32>], vector<16xf32>,
        %get3A_478 = arith.index_cast %add3A_474 : i32 to index
        %get3A_479 = tpu.vector_load %arg10[%get3A_478] {strides = array<i32>} : memref<20480xf32, #tpu.memory_space<vmem>>, vector<16xf32>,
        %mul3A_480 = arith.mulf %gather3A_477, %get3A_479 : vector<16xf32>
        %swap3A_481 = arith.index_cast %add3A_474 : i32 to index
        %swap3A_482 = tpu.vector_load %arg10[%swap3A_481] {strides = array<i32>} : memref<20480xf32, #tpu.memory_space<vmem>>, vector<16xf32>,
        tpu.vector_store %arg10[%swap3A_481], %mul3A_480 {strides = array<i32>} : memref<20480xf32, #tpu.memory_space<vmem>>, vector<16xf32>,
        %add3A_483 = arith.constant 96 : i32
        %add3A_484 = arith.addi %multiple_of3A_422, %add3A_483 : i32
        %get3A_485 = arith.index_cast %add3A_484 : i32 to index
        %get3A_486 = tpu.vector_load %arg9[%get3A_485] {strides = array<i32>} : memref<20480xi32, #tpu.memory_space<vmem>>, vector<16xi32>,
        %gather3A_487 = tpu.vector_load_idx %arg8[%get3A_486] : memref<10000xf32, #tpu.memory_space<vmem>>[vector<16xi32>], vector<16xf32>,
        %get3A_488 = arith.index_cast %add3A_484 : i32 to index
        %get3A_489 = tpu.vector_load %arg10[%get3A_488] {strides = array<i32>} : memref<20480xf32, #tpu.memory_space<vmem>>, vector<16xf32>,
        %mul3A_490 = arith.mulf %gather3A_487, %get3A_489 : vector<16xf32>
        %swap3A_491 = arith.index_cast %add3A_484 : i32 to index
        %swap3A_492 = tpu.vector_load %arg10[%swap3A_491] {strides = array<i32>} : memref<20480xf32, #tpu.memory_space<vmem>>, vector<16xf32>,
        tpu.vector_store %arg10[%swap3A_491], %mul3A_490 {strides = array<i32>} : memref<20480xf32, #tpu.memory_space<vmem>>, vector<16xf32>,
        %add3A_493 = arith.constant 112 : i32
        %add3A_494 = arith.addi %multiple_of3A_422, %add3A_493 : i32
        %get3A_495 = arith.index_cast %add3A_494 : i32 to index
        %get3A_496 = tpu.vector_load %arg9[%get3A_495] {strides = array<i32>} : memref<20480xi32, #tpu.memory_space<vmem>>, vector<16xi32>,
        %gather3A_497 = tpu.vector_load_idx %arg8[%get3A_496] : memref<10000xf32, #tpu.memory_space<vmem>>[vector<16xi32>], vector<16xf32>,
        %get3A_498 = arith.index_cast %add3A_494 : i32 to index
        %get3A_499 = tpu.vector_load %arg10[%get3A_498] {strides = array<i32>} : memref<20480xf32, #tpu.memory_space<vmem>>, vector<16xf32>,
        %mul3A_500 = arith.mulf %gather3A_497, %get3A_499 : vector<16xf32>
        %swap3A_501 = arith.index_cast %add3A_494 : i32 to index
        %swap3A_502 = tpu.vector_load %arg10[%swap3A_501] {strides = array<i32>} : memref<20480xf32, #tpu.memory_space<vmem>>, vector<16xf32>,
        tpu.vector_store %arg10[%swap3A_501], %mul3A_500 {strides = array<i32>} : memref<20480xf32, #tpu.memory_space<vmem>>, vector<16xf32>,
        %dma_start3A_503 = arith.constant 3 : i32
        %dma_start3A_504 = tpu.memref_slice %arg10[%multiple_of3A_422] : memref<20480xf32, #tpu.memory_space<vmem>> -> memref<128xf32, #tpu.memory_space<vmem>>
        %dma_start3A_505 = arith.constant 0 : i32
        %dma_start3A_506 = tpu.memref_slice %arg11[%multiple_of3A_130, %dma_start3A_505] : memref<160x128xi32, #tpu.memory_space<vmem>> -> memref<8x128xi32, #tpu.memory_space<vmem>>
        %dma_start3A_507 = arith.constant 0 : i32
        %dma_start3A_508 = tpu.memref_slice %dma_start3A_506[%dma_start3A_503, %dma_start3A_507] : memref<8x128xi32, #tpu.memory_space<vmem>> -> memref<1x128xi32, #tpu.memory_space<vmem>>
        %dma_start3A_509 = tpu.memref_squeeze %dma_start3A_508 : memref<1x128xi32, #tpu.memory_space<vmem>> -> memref<128xi32, #tpu.memory_space<vmem>>
        %dma_start3A_510 = arith.constant 0 : i32
        %dma_start3A_511 = tpu.memref_slice %arg14[%dma_start3A_510] : memref<10240xf32, #tpu.memory_space<vmem_shared>> -> memref<10240xf32, #tpu.memory_space<vmem_shared>>
        tpu.enqueue_indirect_dma source(%dma_start3A_504 : memref<128xf32, #tpu.memory_space<vmem>>) target(%dma_start3A_511 : memref<10240xf32, #tpu.memory_space<vmem_shared>>) offsets(%dma_start3A_509 : memref<128xi32, #tpu.memory_space<vmem>>) semaphore(%arg15 : memref<!tpu.dma_semaphore, #tpu.memory_space<semaphore_mem>>) {add = true}
        %mul3A_512 = arith.constant 8 : i32
        %mul3A_513 = arith.muli %while3A_126, %mul3A_512 : i32
        %add3A_514 = arith.constant 4 : i32
        %add3A_515 = arith.addi %mul3A_513, %add3A_514 : i32
        %mul3A_516 = arith.constant 128 : i32
        %mul3A_517 = arith.muli %add3A_515, %mul3A_516 : i32
        %multiple_of3A_518 = tpu.assume_multiple %mul3A_517, 128 : i32
        %add3A_519 = arith.constant 0 : i32
        %add3A_520 = arith.addi %multiple_of3A_518, %add3A_519 : i32
        %get3A_521 = arith.index_cast %add3A_520 : i32 to index
        %get3A_522 = tpu.vector_load %arg9[%get3A_521] {strides = array<i32>} : memref<20480xi32, #tpu.memory_space<vmem>>, vector<16xi32>,
        %gather3A_523 = tpu.vector_load_idx %arg8[%get3A_522] : memref<10000xf32, #tpu.memory_space<vmem>>[vector<16xi32>], vector<16xf32>,
        %get3A_524 = arith.index_cast %add3A_520 : i32 to index
        %get3A_525 = tpu.vector_load %arg10[%get3A_524] {strides = array<i32>} : memref<20480xf32, #tpu.memory_space<vmem>>, vector<16xf32>,
        %mul3A_526 = arith.mulf %gather3A_523, %get3A_525 : vector<16xf32>
        %swap3A_527 = arith.index_cast %add3A_520 : i32 to index
        %swap3A_528 = tpu.vector_load %arg10[%swap3A_527] {strides = array<i32>} : memref<20480xf32, #tpu.memory_space<vmem>>, vector<16xf32>,
        tpu.vector_store %arg10[%swap3A_527], %mul3A_526 {strides = array<i32>} : memref<20480xf32, #tpu.memory_space<vmem>>, vector<16xf32>,
        %add3A_529 = arith.constant 16 : i32
        %add3A_530 = arith.addi %multiple_of3A_518, %add3A_529 : i32
        %get3A_531 = arith.index_cast %add3A_530 : i32 to index
        %get3A_532 = tpu.vector_load %arg9[%get3A_531] {strides = array<i32>} : memref<20480xi32, #tpu.memory_space<vmem>>, vector<16xi32>,
        %gather3A_533 = tpu.vector_load_idx %arg8[%get3A_532] : memref<10000xf32, #tpu.memory_space<vmem>>[vector<16xi32>], vector<16xf32>,
        %get3A_534 = arith.index_cast %add3A_530 : i32 to index
        %get3A_535 = tpu.vector_load %arg10[%get3A_534] {strides = array<i32>} : memref<20480xf32, #tpu.memory_space<vmem>>, vector<16xf32>,
        %mul3A_536 = arith.mulf %gather3A_533, %get3A_535 : vector<16xf32>
        %swap3A_537 = arith.index_cast %add3A_530 : i32 to index
        %swap3A_538 = tpu.vector_load %arg10[%swap3A_537] {strides = array<i32>} : memref<20480xf32, #tpu.memory_space<vmem>>, vector<16xf32>,
        tpu.vector_store %arg10[%swap3A_537], %mul3A_536 {strides = array<i32>} : memref<20480xf32, #tpu.memory_space<vmem>>, vector<16xf32>,
        %add3A_539 = arith.constant 32 : i32
        %add3A_540 = arith.addi %multiple_of3A_518, %add3A_539 : i32
        %get3A_541 = arith.index_cast %add3A_540 : i32 to index
        %get3A_542 = tpu.vector_load %arg9[%get3A_541] {strides = array<i32>} : memref<20480xi32, #tpu.memory_space<vmem>>, vector<16xi32>,
        %gather3A_543 = tpu.vector_load_idx %arg8[%get3A_542] : memref<10000xf32, #tpu.memory_space<vmem>>[vector<16xi32>], vector<16xf32>,
        %get3A_544 = arith.index_cast %add3A_540 : i32 to index
        %get3A_545 = tpu.vector_load %arg10[%get3A_544] {strides = array<i32>} : memref<20480xf32, #tpu.memory_space<vmem>>, vector<16xf32>,
        %mul3A_546 = arith.mulf %gather3A_543, %get3A_545 : vector<16xf32>
        %swap3A_547 = arith.index_cast %add3A_540 : i32 to index
        %swap3A_548 = tpu.vector_load %arg10[%swap3A_547] {strides = array<i32>} : memref<20480xf32, #tpu.memory_space<vmem>>, vector<16xf32>,
        tpu.vector_store %arg10[%swap3A_547], %mul3A_546 {strides = array<i32>} : memref<20480xf32, #tpu.memory_space<vmem>>, vector<16xf32>,
        %add3A_549 = arith.constant 48 : i32
        %add3A_550 = arith.addi %multiple_of3A_518, %add3A_549 : i32
        %get3A_551 = arith.index_cast %add3A_550 : i32 to index
        %get3A_552 = tpu.vector_load %arg9[%get3A_551] {strides = array<i32>} : memref<20480xi32, #tpu.memory_space<vmem>>, vector<16xi32>,
        %gather3A_553 = tpu.vector_load_idx %arg8[%get3A_552] : memref<10000xf32, #tpu.memory_space<vmem>>[vector<16xi32>], vector<16xf32>,
        %get3A_554 = arith.index_cast %add3A_550 : i32 to index
        %get3A_555 = tpu.vector_load %arg10[%get3A_554] {strides = array<i32>} : memref<20480xf32, #tpu.memory_space<vmem>>, vector<16xf32>,
        %mul3A_556 = arith.mulf %gather3A_553, %get3A_555 : vector<16xf32>
        %swap3A_557 = arith.index_cast %add3A_550 : i32 to index
        %swap3A_558 = tpu.vector_load %arg10[%swap3A_557] {strides = array<i32>} : memref<20480xf32, #tpu.memory_space<vmem>>, vector<16xf32>,
        tpu.vector_store %arg10[%swap3A_557], %mul3A_556 {strides = array<i32>} : memref<20480xf32, #tpu.memory_space<vmem>>, vector<16xf32>,
        %add3A_559 = arith.constant 64 : i32
        %add3A_560 = arith.addi %multiple_of3A_518, %add3A_559 : i32
        %get3A_561 = arith.index_cast %add3A_560 : i32 to index
        %get3A_562 = tpu.vector_load %arg9[%get3A_561] {strides = array<i32>} : memref<20480xi32, #tpu.memory_space<vmem>>, vector<16xi32>,
        %gather3A_563 = tpu.vector_load_idx %arg8[%get3A_562] : memref<10000xf32, #tpu.memory_space<vmem>>[vector<16xi32>], vector<16xf32>,
        %get3A_564 = arith.index_cast %add3A_560 : i32 to index
        %get3A_565 = tpu.vector_load %arg10[%get3A_564] {strides = array<i32>} : memref<20480xf32, #tpu.memory_space<vmem>>, vector<16xf32>,
        %mul3A_566 = arith.mulf %gather3A_563, %get3A_565 : vector<16xf32>
        %swap3A_567 = arith.index_cast %add3A_560 : i32 to index
        %swap3A_568 = tpu.vector_load %arg10[%swap3A_567] {strides = array<i32>} : memref<20480xf32, #tpu.memory_space<vmem>>, vector<16xf32>,
        tpu.vector_store %arg10[%swap3A_567], %mul3A_566 {strides = array<i32>} : memref<20480xf32, #tpu.memory_space<vmem>>, vector<16xf32>,
        %add3A_569 = arith.constant 80 : i32
        %add3A_570 = arith.addi %multiple_of3A_518, %add3A_569 : i32
        %get3A_571 = arith.index_cast %add3A_570 : i32 to index
        %get3A_572 = tpu.vector_load %arg9[%get3A_571] {strides = array<i32>} : memref<20480xi32, #tpu.memory_space<vmem>>, vector<16xi32>,
        %gather3A_573 = tpu.vector_load_idx %arg8[%get3A_572] : memref<10000xf32, #tpu.memory_space<vmem>>[vector<16xi32>], vector<16xf32>,
        %get3A_574 = arith.index_cast %add3A_570 : i32 to index
        %get3A_575 = tpu.vector_load %arg10[%get3A_574] {strides = array<i32>} : memref<20480xf32, #tpu.memory_space<vmem>>, vector<16xf32>,
        %mul3A_576 = arith.mulf %gather3A_573, %get3A_575 : vector<16xf32>
        %swap3A_577 = arith.index_cast %add3A_570 : i32 to index
        %swap3A_578 = tpu.vector_load %arg10[%swap3A_577] {strides = array<i32>} : memref<20480xf32, #tpu.memory_space<vmem>>, vector<16xf32>,
        tpu.vector_store %arg10[%swap3A_577], %mul3A_576 {strides = array<i32>} : memref<20480xf32, #tpu.memory_space<vmem>>, vector<16xf32>,
        %add3A_579 = arith.constant 96 : i32
        %add3A_580 = arith.addi %multiple_of3A_518, %add3A_579 : i32
        %get3A_581 = arith.index_cast %add3A_580 : i32 to index
        %get3A_582 = tpu.vector_load %arg9[%get3A_581] {strides = array<i32>} : memref<20480xi32, #tpu.memory_space<vmem>>, vector<16xi32>,
        %gather3A_583 = tpu.vector_load_idx %arg8[%get3A_582] : memref<10000xf32, #tpu.memory_space<vmem>>[vector<16xi32>], vector<16xf32>,
        %get3A_584 = arith.index_cast %add3A_580 : i32 to index
        %get3A_585 = tpu.vector_load %arg10[%get3A_584] {strides = array<i32>} : memref<20480xf32, #tpu.memory_space<vmem>>, vector<16xf32>,
        %mul3A_586 = arith.mulf %gather3A_583, %get3A_585 : vector<16xf32>
        %swap3A_587 = arith.index_cast %add3A_580 : i32 to index
        %swap3A_588 = tpu.vector_load %arg10[%swap3A_587] {strides = array<i32>} : memref<20480xf32, #tpu.memory_space<vmem>>, vector<16xf32>,
        tpu.vector_store %arg10[%swap3A_587], %mul3A_586 {strides = array<i32>} : memref<20480xf32, #tpu.memory_space<vmem>>, vector<16xf32>,
        %add3A_589 = arith.constant 112 : i32
        %add3A_590 = arith.addi %multiple_of3A_518, %add3A_589 : i32
        %get3A_591 = arith.index_cast %add3A_590 : i32 to index
        %get3A_592 = tpu.vector_load %arg9[%get3A_591] {strides = array<i32>} : memref<20480xi32, #tpu.memory_space<vmem>>, vector<16xi32>,
        %gather3A_593 = tpu.vector_load_idx %arg8[%get3A_592] : memref<10000xf32, #tpu.memory_space<vmem>>[vector<16xi32>], vector<16xf32>,
        %get3A_594 = arith.index_cast %add3A_590 : i32 to index
        %get3A_595 = tpu.vector_load %arg10[%get3A_594] {strides = array<i32>} : memref<20480xf32, #tpu.memory_space<vmem>>, vector<16xf32>,
        %mul3A_596 = arith.mulf %gather3A_593, %get3A_595 : vector<16xf32>
        %swap3A_597 = arith.index_cast %add3A_590 : i32 to index
        %swap3A_598 = tpu.vector_load %arg10[%swap3A_597] {strides = array<i32>} : memref<20480xf32, #tpu.memory_space<vmem>>, vector<16xf32>,
        tpu.vector_store %arg10[%swap3A_597], %mul3A_596 {strides = array<i32>} : memref<20480xf32, #tpu.memory_space<vmem>>, vector<16xf32>,
        %dma_start3A_599 = arith.constant 4 : i32
        %dma_start3A_600 = tpu.memref_slice %arg10[%multiple_of3A_518] : memref<20480xf32, #tpu.memory_space<vmem>> -> memref<128xf32, #tpu.memory_space<vmem>>
        %dma_start3A_601 = arith.constant 0 : i32
        %dma_start3A_602 = tpu.memref_slice %arg11[%multiple_of3A_130, %dma_start3A_601] : memref<160x128xi32, #tpu.memory_space<vmem>> -> memref<8x128xi32, #tpu.memory_space<vmem>>
        %dma_start3A_603 = arith.constant 0 : i32
        %dma_start3A_604 = tpu.memref_slice %dma_start3A_602[%dma_start3A_599, %dma_start3A_603] : memref<8x128xi32, #tpu.memory_space<vmem>> -> memref<1x128xi32, #tpu.memory_space<vmem>>
        %dma_start3A_605 = tpu.memref_squeeze %dma_start3A_604 : memref<1x128xi32, #tpu.memory_space<vmem>> -> memref<128xi32, #tpu.memory_space<vmem>>
        %dma_start3A_606 = arith.constant 0 : i32
        %dma_start3A_607 = tpu.memref_slice %arg14[%dma_start3A_606] : memref<10240xf32, #tpu.memory_space<vmem_shared>> -> memref<10240xf32, #tpu.memory_space<vmem_shared>>
        tpu.enqueue_indirect_dma source(%dma_start3A_600 : memref<128xf32, #tpu.memory_space<vmem>>) target(%dma_start3A_607 : memref<10240xf32, #tpu.memory_space<vmem_shared>>) offsets(%dma_start3A_605 : memref<128xi32, #tpu.memory_space<vmem>>) semaphore(%arg15 : memref<!tpu.dma_semaphore, #tpu.memory_space<semaphore_mem>>) {add = true}
        %mul3A_608 = arith.constant 8 : i32
        %mul3A_609 = arith.muli %while3A_126, %mul3A_608 : i32
        %add3A_610 = arith.constant 5 : i32
        %add3A_611 = arith.addi %mul3A_609, %add3A_610 : i32
        %mul3A_612 = arith.constant 128 : i32
        %mul3A_613 = arith.muli %add3A_611, %mul3A_612 : i32
        %multiple_of3A_614 = tpu.assume_multiple %mul3A_613, 128 : i32
        %add3A_615 = arith.constant 0 : i32
        %add3A_616 = arith.addi %multiple_of3A_614, %add3A_615 : i32
        %get3A_617 = arith.index_cast %add3A_616 : i32 to index
        %get3A_618 = tpu.vector_load %arg9[%get3A_617] {strides = array<i32>} : memref<20480xi32, #tpu.memory_space<vmem>>, vector<16xi32>,
        %gather3A_619 = tpu.vector_load_idx %arg8[%get3A_618] : memref<10000xf32, #tpu.memory_space<vmem>>[vector<16xi32>], vector<16xf32>,
        %get3A_620 = arith.index_cast %add3A_616 : i32 to index
        %get3A_621 = tpu.vector_load %arg10[%get3A_620] {strides = array<i32>} : memref<20480xf32, #tpu.memory_space<vmem>>, vector<16xf32>,
        %mul3A_622 = arith.mulf %gather3A_619, %get3A_621 : vector<16xf32>
        %swap3A_623 = arith.index_cast %add3A_616 : i32 to index
        %swap3A_624 = tpu.vector_load %arg10[%swap3A_623] {strides = array<i32>} : memref<20480xf32, #tpu.memory_space<vmem>>, vector<16xf32>,
        tpu.vector_store %arg10[%swap3A_623], %mul3A_622 {strides = array<i32>} : memref<20480xf32, #tpu.memory_space<vmem>>, vector<16xf32>,
        %add3A_625 = arith.constant 16 : i32
        %add3A_626 = arith.addi %multiple_of3A_614, %add3A_625 : i32
        %get3A_627 = arith.index_cast %add3A_626 : i32 to index
        %get3A_628 = tpu.vector_load %arg9[%get3A_627] {strides = array<i32>} : memref<20480xi32, #tpu.memory_space<vmem>>, vector<16xi32>,
        %gather3A_629 = tpu.vector_load_idx %arg8[%get3A_628] : memref<10000xf32, #tpu.memory_space<vmem>>[vector<16xi32>], vector<16xf32>,
        %get3A_630 = arith.index_cast %add3A_626 : i32 to index
        %get3A_631 = tpu.vector_load %arg10[%get3A_630] {strides = array<i32>} : memref<20480xf32, #tpu.memory_space<vmem>>, vector<16xf32>,
        %mul3A_632 = arith.mulf %gather3A_629, %get3A_631 : vector<16xf32>
        %swap3A_633 = arith.index_cast %add3A_626 : i32 to index
        %swap3A_634 = tpu.vector_load %arg10[%swap3A_633] {strides = array<i32>} : memref<20480xf32, #tpu.memory_space<vmem>>, vector<16xf32>,
        tpu.vector_store %arg10[%swap3A_633], %mul3A_632 {strides = array<i32>} : memref<20480xf32, #tpu.memory_space<vmem>>, vector<16xf32>,
        %add3A_635 = arith.constant 32 : i32
        %add3A_636 = arith.addi %multiple_of3A_614, %add3A_635 : i32
        %get3A_637 = arith.index_cast %add3A_636 : i32 to index
        %get3A_638 = tpu.vector_load %arg9[%get3A_637] {strides = array<i32>} : memref<20480xi32, #tpu.memory_space<vmem>>, vector<16xi32>,
        %gather3A_639 = tpu.vector_load_idx %arg8[%get3A_638] : memref<10000xf32, #tpu.memory_space<vmem>>[vector<16xi32>], vector<16xf32>,
        %get3A_640 = arith.index_cast %add3A_636 : i32 to index
        %get3A_641 = tpu.vector_load %arg10[%get3A_640] {strides = array<i32>} : memref<20480xf32, #tpu.memory_space<vmem>>, vector<16xf32>,
        %mul3A_642 = arith.mulf %gather3A_639, %get3A_641 : vector<16xf32>
        %swap3A_643 = arith.index_cast %add3A_636 : i32 to index
        %swap3A_644 = tpu.vector_load %arg10[%swap3A_643] {strides = array<i32>} : memref<20480xf32, #tpu.memory_space<vmem>>, vector<16xf32>,
        tpu.vector_store %arg10[%swap3A_643], %mul3A_642 {strides = array<i32>} : memref<20480xf32, #tpu.memory_space<vmem>>, vector<16xf32>,
        %add3A_645 = arith.constant 48 : i32
        %add3A_646 = arith.addi %multiple_of3A_614, %add3A_645 : i32
        %get3A_647 = arith.index_cast %add3A_646 : i32 to index
        %get3A_648 = tpu.vector_load %arg9[%get3A_647] {strides = array<i32>} : memref<20480xi32, #tpu.memory_space<vmem>>, vector<16xi32>,
        %gather3A_649 = tpu.vector_load_idx %arg8[%get3A_648] : memref<10000xf32, #tpu.memory_space<vmem>>[vector<16xi32>], vector<16xf32>,
        %get3A_650 = arith.index_cast %add3A_646 : i32 to index
        %get3A_651 = tpu.vector_load %arg10[%get3A_650] {strides = array<i32>} : memref<20480xf32, #tpu.memory_space<vmem>>, vector<16xf32>,
        %mul3A_652 = arith.mulf %gather3A_649, %get3A_651 : vector<16xf32>
        %swap3A_653 = arith.index_cast %add3A_646 : i32 to index
        %swap3A_654 = tpu.vector_load %arg10[%swap3A_653] {strides = array<i32>} : memref<20480xf32, #tpu.memory_space<vmem>>, vector<16xf32>,
        tpu.vector_store %arg10[%swap3A_653], %mul3A_652 {strides = array<i32>} : memref<20480xf32, #tpu.memory_space<vmem>>, vector<16xf32>,
        %add3A_655 = arith.constant 64 : i32
        %add3A_656 = arith.addi %multiple_of3A_614, %add3A_655 : i32
        %get3A_657 = arith.index_cast %add3A_656 : i32 to index
        %get3A_658 = tpu.vector_load %arg9[%get3A_657] {strides = array<i32>} : memref<20480xi32, #tpu.memory_space<vmem>>, vector<16xi32>,
        %gather3A_659 = tpu.vector_load_idx %arg8[%get3A_658] : memref<10000xf32, #tpu.memory_space<vmem>>[vector<16xi32>], vector<16xf32>,
        %get3A_660 = arith.index_cast %add3A_656 : i32 to index
        %get3A_661 = tpu.vector_load %arg10[%get3A_660] {strides = array<i32>} : memref<20480xf32, #tpu.memory_space<vmem>>, vector<16xf32>,
        %mul3A_662 = arith.mulf %gather3A_659, %get3A_661 : vector<16xf32>
        %swap3A_663 = arith.index_cast %add3A_656 : i32 to index
        %swap3A_664 = tpu.vector_load %arg10[%swap3A_663] {strides = array<i32>} : memref<20480xf32, #tpu.memory_space<vmem>>, vector<16xf32>,
        tpu.vector_store %arg10[%swap3A_663], %mul3A_662 {strides = array<i32>} : memref<20480xf32, #tpu.memory_space<vmem>>, vector<16xf32>,
        %add3A_665 = arith.constant 80 : i32
        %add3A_666 = arith.addi %multiple_of3A_614, %add3A_665 : i32
        %get3A_667 = arith.index_cast %add3A_666 : i32 to index
        %get3A_668 = tpu.vector_load %arg9[%get3A_667] {strides = array<i32>} : memref<20480xi32, #tpu.memory_space<vmem>>, vector<16xi32>,
        %gather3A_669 = tpu.vector_load_idx %arg8[%get3A_668] : memref<10000xf32, #tpu.memory_space<vmem>>[vector<16xi32>], vector<16xf32>,
        %get3A_670 = arith.index_cast %add3A_666 : i32 to index
        %get3A_671 = tpu.vector_load %arg10[%get3A_670] {strides = array<i32>} : memref<20480xf32, #tpu.memory_space<vmem>>, vector<16xf32>,
        %mul3A_672 = arith.mulf %gather3A_669, %get3A_671 : vector<16xf32>
        %swap3A_673 = arith.index_cast %add3A_666 : i32 to index
        %swap3A_674 = tpu.vector_load %arg10[%swap3A_673] {strides = array<i32>} : memref<20480xf32, #tpu.memory_space<vmem>>, vector<16xf32>,
        tpu.vector_store %arg10[%swap3A_673], %mul3A_672 {strides = array<i32>} : memref<20480xf32, #tpu.memory_space<vmem>>, vector<16xf32>,
        %add3A_675 = arith.constant 96 : i32
        %add3A_676 = arith.addi %multiple_of3A_614, %add3A_675 : i32
        %get3A_677 = arith.index_cast %add3A_676 : i32 to index
        %get3A_678 = tpu.vector_load %arg9[%get3A_677] {strides = array<i32>} : memref<20480xi32, #tpu.memory_space<vmem>>, vector<16xi32>,
        %gather3A_679 = tpu.vector_load_idx %arg8[%get3A_678] : memref<10000xf32, #tpu.memory_space<vmem>>[vector<16xi32>], vector<16xf32>,
        %get3A_680 = arith.index_cast %add3A_676 : i32 to index
        %get3A_681 = tpu.vector_load %arg10[%get3A_680] {strides = array<i32>} : memref<20480xf32, #tpu.memory_space<vmem>>, vector<16xf32>,
        %mul3A_682 = arith.mulf %gather3A_679, %get3A_681 : vector<16xf32>
        %swap3A_683 = arith.index_cast %add3A_676 : i32 to index
        %swap3A_684 = tpu.vector_load %arg10[%swap3A_683] {strides = array<i32>} : memref<20480xf32, #tpu.memory_space<vmem>>, vector<16xf32>,
        tpu.vector_store %arg10[%swap3A_683], %mul3A_682 {strides = array<i32>} : memref<20480xf32, #tpu.memory_space<vmem>>, vector<16xf32>,
        %add3A_685 = arith.constant 112 : i32
        %add3A_686 = arith.addi %multiple_of3A_614, %add3A_685 : i32
        %get3A_687 = arith.index_cast %add3A_686 : i32 to index
        %get3A_688 = tpu.vector_load %arg9[%get3A_687] {strides = array<i32>} : memref<20480xi32, #tpu.memory_space<vmem>>, vector<16xi32>,
        %gather3A_689 = tpu.vector_load_idx %arg8[%get3A_688] : memref<10000xf32, #tpu.memory_space<vmem>>[vector<16xi32>], vector<16xf32>,
        %get3A_690 = arith.index_cast %add3A_686 : i32 to index
        %get3A_691 = tpu.vector_load %arg10[%get3A_690] {strides = array<i32>} : memref<20480xf32, #tpu.memory_space<vmem>>, vector<16xf32>,
        %mul3A_692 = arith.mulf %gather3A_689, %get3A_691 : vector<16xf32>
        %swap3A_693 = arith.index_cast %add3A_686 : i32 to index
        %swap3A_694 = tpu.vector_load %arg10[%swap3A_693] {strides = array<i32>} : memref<20480xf32, #tpu.memory_space<vmem>>, vector<16xf32>,
        tpu.vector_store %arg10[%swap3A_693], %mul3A_692 {strides = array<i32>} : memref<20480xf32, #tpu.memory_space<vmem>>, vector<16xf32>,
        %dma_start3A_695 = arith.constant 5 : i32
        %dma_start3A_696 = tpu.memref_slice %arg10[%multiple_of3A_614] : memref<20480xf32, #tpu.memory_space<vmem>> -> memref<128xf32, #tpu.memory_space<vmem>>
        %dma_start3A_697 = arith.constant 0 : i32
        %dma_start3A_698 = tpu.memref_slice %arg11[%multiple_of3A_130, %dma_start3A_697] : memref<160x128xi32, #tpu.memory_space<vmem>> -> memref<8x128xi32, #tpu.memory_space<vmem>>
        %dma_start3A_699 = arith.constant 0 : i32
        %dma_start3A_700 = tpu.memref_slice %dma_start3A_698[%dma_start3A_695, %dma_start3A_699] : memref<8x128xi32, #tpu.memory_space<vmem>> -> memref<1x128xi32, #tpu.memory_space<vmem>>
        %dma_start3A_701 = tpu.memref_squeeze %dma_start3A_700 : memref<1x128xi32, #tpu.memory_space<vmem>> -> memref<128xi32, #tpu.memory_space<vmem>>
        %dma_start3A_702 = arith.constant 0 : i32
        %dma_start3A_703 = tpu.memref_slice %arg14[%dma_start3A_702] : memref<10240xf32, #tpu.memory_space<vmem_shared>> -> memref<10240xf32, #tpu.memory_space<vmem_shared>>
        tpu.enqueue_indirect_dma source(%dma_start3A_696 : memref<128xf32, #tpu.memory_space<vmem>>) target(%dma_start3A_703 : memref<10240xf32, #tpu.memory_space<vmem_shared>>) offsets(%dma_start3A_701 : memref<128xi32, #tpu.memory_space<vmem>>) semaphore(%arg15 : memref<!tpu.dma_semaphore, #tpu.memory_space<semaphore_mem>>) {add = true}
        %mul3A_704 = arith.constant 8 : i32
        %mul3A_705 = arith.muli %while3A_126, %mul3A_704 : i32
        %add3A_706 = arith.constant 6 : i32
        %add3A_707 = arith.addi %mul3A_705, %add3A_706 : i32
        %mul3A_708 = arith.constant 128 : i32
        %mul3A_709 = arith.muli %add3A_707, %mul3A_708 : i32
        %multiple_of3A_710 = tpu.assume_multiple %mul3A_709, 128 : i32
        %add3A_711 = arith.constant 0 : i32
        %add3A_712 = arith.addi %multiple_of3A_710, %add3A_711 : i32
        %get3A_713 = arith.index_cast %add3A_712 : i32 to index
        %get3A_714 = tpu.vector_load %arg9[%get3A_713] {strides = array<i32>} : memref<20480xi32, #tpu.memory_space<vmem>>, vector<16xi32>,
        %gather3A_715 = tpu.vector_load_idx %arg8[%get3A_714] : memref<10000xf32, #tpu.memory_space<vmem>>[vector<16xi32>], vector<16xf32>,
        %get3A_716 = arith.index_cast %add3A_712 : i32 to index
        %get3A_717 = tpu.vector_load %arg10[%get3A_716] {strides = array<i32>} : memref<20480xf32, #tpu.memory_space<vmem>>, vector<16xf32>,
        %mul3A_718 = arith.mulf %gather3A_715, %get3A_717 : vector<16xf32>
        %swap3A_719 = arith.index_cast %add3A_712 : i32 to index
        %swap3A_720 = tpu.vector_load %arg10[%swap3A_719] {strides = array<i32>} : memref<20480xf32, #tpu.memory_space<vmem>>, vector<16xf32>,
        tpu.vector_store %arg10[%swap3A_719], %mul3A_718 {strides = array<i32>} : memref<20480xf32, #tpu.memory_space<vmem>>, vector<16xf32>,
        %add3A_721 = arith.constant 16 : i32
        %add3A_722 = arith.addi %multiple_of3A_710, %add3A_721 : i32
        %get3A_723 = arith.index_cast %add3A_722 : i32 to index
        %get3A_724 = tpu.vector_load %arg9[%get3A_723] {strides = array<i32>} : memref<20480xi32, #tpu.memory_space<vmem>>, vector<16xi32>,
        %gather3A_725 = tpu.vector_load_idx %arg8[%get3A_724] : memref<10000xf32, #tpu.memory_space<vmem>>[vector<16xi32>], vector<16xf32>,
        %get3A_726 = arith.index_cast %add3A_722 : i32 to index
        %get3A_727 = tpu.vector_load %arg10[%get3A_726] {strides = array<i32>} : memref<20480xf32, #tpu.memory_space<vmem>>, vector<16xf32>,
        %mul3A_728 = arith.mulf %gather3A_725, %get3A_727 : vector<16xf32>
        %swap3A_729 = arith.index_cast %add3A_722 : i32 to index
        %swap3A_730 = tpu.vector_load %arg10[%swap3A_729] {strides = array<i32>} : memref<20480xf32, #tpu.memory_space<vmem>>, vector<16xf32>,
        tpu.vector_store %arg10[%swap3A_729], %mul3A_728 {strides = array<i32>} : memref<20480xf32, #tpu.memory_space<vmem>>, vector<16xf32>,
        %add3A_731 = arith.constant 32 : i32
        %add3A_732 = arith.addi %multiple_of3A_710, %add3A_731 : i32
        %get3A_733 = arith.index_cast %add3A_732 : i32 to index
        %get3A_734 = tpu.vector_load %arg9[%get3A_733] {strides = array<i32>} : memref<20480xi32, #tpu.memory_space<vmem>>, vector<16xi32>,
        %gather3A_735 = tpu.vector_load_idx %arg8[%get3A_734] : memref<10000xf32, #tpu.memory_space<vmem>>[vector<16xi32>], vector<16xf32>,
        %get3A_736 = arith.index_cast %add3A_732 : i32 to index
        %get3A_737 = tpu.vector_load %arg10[%get3A_736] {strides = array<i32>} : memref<20480xf32, #tpu.memory_space<vmem>>, vector<16xf32>,
        %mul3A_738 = arith.mulf %gather3A_735, %get3A_737 : vector<16xf32>
        %swap3A_739 = arith.index_cast %add3A_732 : i32 to index
        %swap3A_740 = tpu.vector_load %arg10[%swap3A_739] {strides = array<i32>} : memref<20480xf32, #tpu.memory_space<vmem>>, vector<16xf32>,
        tpu.vector_store %arg10[%swap3A_739], %mul3A_738 {strides = array<i32>} : memref<20480xf32, #tpu.memory_space<vmem>>, vector<16xf32>,
        %add3A_741 = arith.constant 48 : i32
        %add3A_742 = arith.addi %multiple_of3A_710, %add3A_741 : i32
        %get3A_743 = arith.index_cast %add3A_742 : i32 to index
        %get3A_744 = tpu.vector_load %arg9[%get3A_743] {strides = array<i32>} : memref<20480xi32, #tpu.memory_space<vmem>>, vector<16xi32>,
        %gather3A_745 = tpu.vector_load_idx %arg8[%get3A_744] : memref<10000xf32, #tpu.memory_space<vmem>>[vector<16xi32>], vector<16xf32>,
        %get3A_746 = arith.index_cast %add3A_742 : i32 to index
        %get3A_747 = tpu.vector_load %arg10[%get3A_746] {strides = array<i32>} : memref<20480xf32, #tpu.memory_space<vmem>>, vector<16xf32>,
        %mul3A_748 = arith.mulf %gather3A_745, %get3A_747 : vector<16xf32>
        %swap3A_749 = arith.index_cast %add3A_742 : i32 to index
        %swap3A_750 = tpu.vector_load %arg10[%swap3A_749] {strides = array<i32>} : memref<20480xf32, #tpu.memory_space<vmem>>, vector<16xf32>,
        tpu.vector_store %arg10[%swap3A_749], %mul3A_748 {strides = array<i32>} : memref<20480xf32, #tpu.memory_space<vmem>>, vector<16xf32>,
        %add3A_751 = arith.constant 64 : i32
        %add3A_752 = arith.addi %multiple_of3A_710, %add3A_751 : i32
        %get3A_753 = arith.index_cast %add3A_752 : i32 to index
        %get3A_754 = tpu.vector_load %arg9[%get3A_753] {strides = array<i32>} : memref<20480xi32, #tpu.memory_space<vmem>>, vector<16xi32>,
        %gather3A_755 = tpu.vector_load_idx %arg8[%get3A_754] : memref<10000xf32, #tpu.memory_space<vmem>>[vector<16xi32>], vector<16xf32>,
        %get3A_756 = arith.index_cast %add3A_752 : i32 to index
        %get3A_757 = tpu.vector_load %arg10[%get3A_756] {strides = array<i32>} : memref<20480xf32, #tpu.memory_space<vmem>>, vector<16xf32>,
        %mul3A_758 = arith.mulf %gather3A_755, %get3A_757 : vector<16xf32>
        %swap3A_759 = arith.index_cast %add3A_752 : i32 to index
        %swap3A_760 = tpu.vector_load %arg10[%swap3A_759] {strides = array<i32>} : memref<20480xf32, #tpu.memory_space<vmem>>, vector<16xf32>,
        tpu.vector_store %arg10[%swap3A_759], %mul3A_758 {strides = array<i32>} : memref<20480xf32, #tpu.memory_space<vmem>>, vector<16xf32>,
        %add3A_761 = arith.constant 80 : i32
        %add3A_762 = arith.addi %multiple_of3A_710, %add3A_761 : i32
        %get3A_763 = arith.index_cast %add3A_762 : i32 to index
        %get3A_764 = tpu.vector_load %arg9[%get3A_763] {strides = array<i32>} : memref<20480xi32, #tpu.memory_space<vmem>>, vector<16xi32>,
        %gather3A_765 = tpu.vector_load_idx %arg8[%get3A_764] : memref<10000xf32, #tpu.memory_space<vmem>>[vector<16xi32>], vector<16xf32>,
        %get3A_766 = arith.index_cast %add3A_762 : i32 to index
        %get3A_767 = tpu.vector_load %arg10[%get3A_766] {strides = array<i32>} : memref<20480xf32, #tpu.memory_space<vmem>>, vector<16xf32>,
        %mul3A_768 = arith.mulf %gather3A_765, %get3A_767 : vector<16xf32>
        %swap3A_769 = arith.index_cast %add3A_762 : i32 to index
        %swap3A_770 = tpu.vector_load %arg10[%swap3A_769] {strides = array<i32>} : memref<20480xf32, #tpu.memory_space<vmem>>, vector<16xf32>,
        tpu.vector_store %arg10[%swap3A_769], %mul3A_768 {strides = array<i32>} : memref<20480xf32, #tpu.memory_space<vmem>>, vector<16xf32>,
        %add3A_771 = arith.constant 96 : i32
        %add3A_772 = arith.addi %multiple_of3A_710, %add3A_771 : i32
        %get3A_773 = arith.index_cast %add3A_772 : i32 to index
        %get3A_774 = tpu.vector_load %arg9[%get3A_773] {strides = array<i32>} : memref<20480xi32, #tpu.memory_space<vmem>>, vector<16xi32>,
        %gather3A_775 = tpu.vector_load_idx %arg8[%get3A_774] : memref<10000xf32, #tpu.memory_space<vmem>>[vector<16xi32>], vector<16xf32>,
        %get3A_776 = arith.index_cast %add3A_772 : i32 to index
        %get3A_777 = tpu.vector_load %arg10[%get3A_776] {strides = array<i32>} : memref<20480xf32, #tpu.memory_space<vmem>>, vector<16xf32>,
        %mul3A_778 = arith.mulf %gather3A_775, %get3A_777 : vector<16xf32>
        %swap3A_779 = arith.index_cast %add3A_772 : i32 to index
        %swap3A_780 = tpu.vector_load %arg10[%swap3A_779] {strides = array<i32>} : memref<20480xf32, #tpu.memory_space<vmem>>, vector<16xf32>,
        tpu.vector_store %arg10[%swap3A_779], %mul3A_778 {strides = array<i32>} : memref<20480xf32, #tpu.memory_space<vmem>>, vector<16xf32>,
        %add3A_781 = arith.constant 112 : i32
        %add3A_782 = arith.addi %multiple_of3A_710, %add3A_781 : i32
        %get3A_783 = arith.index_cast %add3A_782 : i32 to index
        %get3A_784 = tpu.vector_load %arg9[%get3A_783] {strides = array<i32>} : memref<20480xi32, #tpu.memory_space<vmem>>, vector<16xi32>,
        %gather3A_785 = tpu.vector_load_idx %arg8[%get3A_784] : memref<10000xf32, #tpu.memory_space<vmem>>[vector<16xi32>], vector<16xf32>,
        %get3A_786 = arith.index_cast %add3A_782 : i32 to index
        %get3A_787 = tpu.vector_load %arg10[%get3A_786] {strides = array<i32>} : memref<20480xf32, #tpu.memory_space<vmem>>, vector<16xf32>,
        %mul3A_788 = arith.mulf %gather3A_785, %get3A_787 : vector<16xf32>
        %swap3A_789 = arith.index_cast %add3A_782 : i32 to index
        %swap3A_790 = tpu.vector_load %arg10[%swap3A_789] {strides = array<i32>} : memref<20480xf32, #tpu.memory_space<vmem>>, vector<16xf32>,
        tpu.vector_store %arg10[%swap3A_789], %mul3A_788 {strides = array<i32>} : memref<20480xf32, #tpu.memory_space<vmem>>, vector<16xf32>,
        %dma_start3A_791 = arith.constant 6 : i32
        %dma_start3A_792 = tpu.memref_slice %arg10[%multiple_of3A_710] : memref<20480xf32, #tpu.memory_space<vmem>> -> memref<128xf32, #tpu.memory_space<vmem>>
        %dma_start3A_793 = arith.constant 0 : i32
        %dma_start3A_794 = tpu.memref_slice %arg11[%multiple_of3A_130, %dma_start3A_793] : memref<160x128xi32, #tpu.memory_space<vmem>> -> memref<8x128xi32, #tpu.memory_space<vmem>>
        %dma_start3A_795 = arith.constant 0 : i32
        %dma_start3A_796 = tpu.memref_slice %dma_start3A_794[%dma_start3A_791, %dma_start3A_795] : memref<8x128xi32, #tpu.memory_space<vmem>> -> memref<1x128xi32, #tpu.memory_space<vmem>>
        %dma_start3A_797 = tpu.memref_squeeze %dma_start3A_796 : memref<1x128xi32, #tpu.memory_space<vmem>> -> memref<128xi32, #tpu.memory_space<vmem>>
        %dma_start3A_798 = arith.constant 0 : i32
        %dma_start3A_799 = tpu.memref_slice %arg14[%dma_start3A_798] : memref<10240xf32, #tpu.memory_space<vmem_shared>> -> memref<10240xf32, #tpu.memory_space<vmem_shared>>
        tpu.enqueue_indirect_dma source(%dma_start3A_792 : memref<128xf32, #tpu.memory_space<vmem>>) target(%dma_start3A_799 : memref<10240xf32, #tpu.memory_space<vmem_shared>>) offsets(%dma_start3A_797 : memref<128xi32, #tpu.memory_space<vmem>>) semaphore(%arg15 : memref<!tpu.dma_semaphore, #tpu.memory_space<semaphore_mem>>) {add = true}
        %mul3A_800 = arith.constant 8 : i32
        %mul3A_801 = arith.muli %while3A_126, %mul3A_800 : i32
        %add3A_802 = arith.constant 7 : i32
        %add3A_803 = arith.addi %mul3A_801, %add3A_802 : i32
        %mul3A_804 = arith.constant 128 : i32
        %mul3A_805 = arith.muli %add3A_803, %mul3A_804 : i32
        %multiple_of3A_806 = tpu.assume_multiple %mul3A_805, 128 : i32
        %add3A_807 = arith.constant 0 : i32
        %add3A_808 = arith.addi %multiple_of3A_806, %add3A_807 : i32
        %get3A_809 = arith.index_cast %add3A_808 : i32 to index
        %get3A_810 = tpu.vector_load %arg9[%get3A_809] {strides = array<i32>} : memref<20480xi32, #tpu.memory_space<vmem>>, vector<16xi32>,
        %gather3A_811 = tpu.vector_load_idx %arg8[%get3A_810] : memref<10000xf32, #tpu.memory_space<vmem>>[vector<16xi32>], vector<16xf32>,
        %get3A_812 = arith.index_cast %add3A_808 : i32 to index
        %get3A_813 = tpu.vector_load %arg10[%get3A_812] {strides = array<i32>} : memref<20480xf32, #tpu.memory_space<vmem>>, vector<16xf32>,
        %mul3A_814 = arith.mulf %gather3A_811, %get3A_813 : vector<16xf32>
        %swap3A_815 = arith.index_cast %add3A_808 : i32 to index
        %swap3A_816 = tpu.vector_load %arg10[%swap3A_815] {strides = array<i32>} : memref<20480xf32, #tpu.memory_space<vmem>>, vector<16xf32>,
        tpu.vector_store %arg10[%swap3A_815], %mul3A_814 {strides = array<i32>} : memref<20480xf32, #tpu.memory_space<vmem>>, vector<16xf32>,
        %add3A_817 = arith.constant 16 : i32
        %add3A_818 = arith.addi %multiple_of3A_806, %add3A_817 : i32
        %get3A_819 = arith.index_cast %add3A_818 : i32 to index
        %get3A_820 = tpu.vector_load %arg9[%get3A_819] {strides = array<i32>} : memref<20480xi32, #tpu.memory_space<vmem>>, vector<16xi32>,
        %gather3A_821 = tpu.vector_load_idx %arg8[%get3A_820] : memref<10000xf32, #tpu.memory_space<vmem>>[vector<16xi32>], vector<16xf32>,
        %get3A_822 = arith.index_cast %add3A_818 : i32 to index
        %get3A_823 = tpu.vector_load %arg10[%get3A_822] {strides = array<i32>} : memref<20480xf32, #tpu.memory_space<vmem>>, vector<16xf32>,
        %mul3A_824 = arith.mulf %gather3A_821, %get3A_823 : vector<16xf32>
        %swap3A_825 = arith.index_cast %add3A_818 : i32 to index
        %swap3A_826 = tpu.vector_load %arg10[%swap3A_825] {strides = array<i32>} : memref<20480xf32, #tpu.memory_space<vmem>>, vector<16xf32>,
        tpu.vector_store %arg10[%swap3A_825], %mul3A_824 {strides = array<i32>} : memref<20480xf32, #tpu.memory_space<vmem>>, vector<16xf32>,
        %add3A_827 = arith.constant 32 : i32
        %add3A_828 = arith.addi %multiple_of3A_806, %add3A_827 : i32
        %get3A_829 = arith.index_cast %add3A_828 : i32 to index
        %get3A_830 = tpu.vector_load %arg9[%get3A_829] {strides = array<i32>} : memref<20480xi32, #tpu.memory_space<vmem>>, vector<16xi32>,
        %gather3A_831 = tpu.vector_load_idx %arg8[%get3A_830] : memref<10000xf32, #tpu.memory_space<vmem>>[vector<16xi32>], vector<16xf32>,
        %get3A_832 = arith.index_cast %add3A_828 : i32 to index
        %get3A_833 = tpu.vector_load %arg10[%get3A_832] {strides = array<i32>} : memref<20480xf32, #tpu.memory_space<vmem>>, vector<16xf32>,
        %mul3A_834 = arith.mulf %gather3A_831, %get3A_833 : vector<16xf32>
        %swap3A_835 = arith.index_cast %add3A_828 : i32 to index
        %swap3A_836 = tpu.vector_load %arg10[%swap3A_835] {strides = array<i32>} : memref<20480xf32, #tpu.memory_space<vmem>>, vector<16xf32>,
        tpu.vector_store %arg10[%swap3A_835], %mul3A_834 {strides = array<i32>} : memref<20480xf32, #tpu.memory_space<vmem>>, vector<16xf32>,
        %add3A_837 = arith.constant 48 : i32
        %add3A_838 = arith.addi %multiple_of3A_806, %add3A_837 : i32
        %get3A_839 = arith.index_cast %add3A_838 : i32 to index
        %get3A_840 = tpu.vector_load %arg9[%get3A_839] {strides = array<i32>} : memref<20480xi32, #tpu.memory_space<vmem>>, vector<16xi32>,
        %gather3A_841 = tpu.vector_load_idx %arg8[%get3A_840] : memref<10000xf32, #tpu.memory_space<vmem>>[vector<16xi32>], vector<16xf32>,
        %get3A_842 = arith.index_cast %add3A_838 : i32 to index
        %get3A_843 = tpu.vector_load %arg10[%get3A_842] {strides = array<i32>} : memref<20480xf32, #tpu.memory_space<vmem>>, vector<16xf32>,
        %mul3A_844 = arith.mulf %gather3A_841, %get3A_843 : vector<16xf32>
        %swap3A_845 = arith.index_cast %add3A_838 : i32 to index
        %swap3A_846 = tpu.vector_load %arg10[%swap3A_845] {strides = array<i32>} : memref<20480xf32, #tpu.memory_space<vmem>>, vector<16xf32>,
        tpu.vector_store %arg10[%swap3A_845], %mul3A_844 {strides = array<i32>} : memref<20480xf32, #tpu.memory_space<vmem>>, vector<16xf32>,
        %add3A_847 = arith.constant 64 : i32
        %add3A_848 = arith.addi %multiple_of3A_806, %add3A_847 : i32
        %get3A_849 = arith.index_cast %add3A_848 : i32 to index
        %get3A_850 = tpu.vector_load %arg9[%get3A_849] {strides = array<i32>} : memref<20480xi32, #tpu.memory_space<vmem>>, vector<16xi32>,
        %gather3A_851 = tpu.vector_load_idx %arg8[%get3A_850] : memref<10000xf32, #tpu.memory_space<vmem>>[vector<16xi32>], vector<16xf32>,
        %get3A_852 = arith.index_cast %add3A_848 : i32 to index
        %get3A_853 = tpu.vector_load %arg10[%get3A_852] {strides = array<i32>} : memref<20480xf32, #tpu.memory_space<vmem>>, vector<16xf32>,
        %mul3A_854 = arith.mulf %gather3A_851, %get3A_853 : vector<16xf32>
        %swap3A_855 = arith.index_cast %add3A_848 : i32 to index
        %swap3A_856 = tpu.vector_load %arg10[%swap3A_855] {strides = array<i32>} : memref<20480xf32, #tpu.memory_space<vmem>>, vector<16xf32>,
        tpu.vector_store %arg10[%swap3A_855], %mul3A_854 {strides = array<i32>} : memref<20480xf32, #tpu.memory_space<vmem>>, vector<16xf32>,
        %add3A_857 = arith.constant 80 : i32
        %add3A_858 = arith.addi %multiple_of3A_806, %add3A_857 : i32
        %get3A_859 = arith.index_cast %add3A_858 : i32 to index
        %get3A_860 = tpu.vector_load %arg9[%get3A_859] {strides = array<i32>} : memref<20480xi32, #tpu.memory_space<vmem>>, vector<16xi32>,
        %gather3A_861 = tpu.vector_load_idx %arg8[%get3A_860] : memref<10000xf32, #tpu.memory_space<vmem>>[vector<16xi32>], vector<16xf32>,
        %get3A_862 = arith.index_cast %add3A_858 : i32 to index
        %get3A_863 = tpu.vector_load %arg10[%get3A_862] {strides = array<i32>} : memref<20480xf32, #tpu.memory_space<vmem>>, vector<16xf32>,
        %mul3A_864 = arith.mulf %gather3A_861, %get3A_863 : vector<16xf32>
        %swap3A_865 = arith.index_cast %add3A_858 : i32 to index
        %swap3A_866 = tpu.vector_load %arg10[%swap3A_865] {strides = array<i32>} : memref<20480xf32, #tpu.memory_space<vmem>>, vector<16xf32>,
        tpu.vector_store %arg10[%swap3A_865], %mul3A_864 {strides = array<i32>} : memref<20480xf32, #tpu.memory_space<vmem>>, vector<16xf32>,
        %add3A_867 = arith.constant 96 : i32
        %add3A_868 = arith.addi %multiple_of3A_806, %add3A_867 : i32
        %get3A_869 = arith.index_cast %add3A_868 : i32 to index
        %get3A_870 = tpu.vector_load %arg9[%get3A_869] {strides = array<i32>} : memref<20480xi32, #tpu.memory_space<vmem>>, vector<16xi32>,
        %gather3A_871 = tpu.vector_load_idx %arg8[%get3A_870] : memref<10000xf32, #tpu.memory_space<vmem>>[vector<16xi32>], vector<16xf32>,
        %get3A_872 = arith.index_cast %add3A_868 : i32 to index
        %get3A_873 = tpu.vector_load %arg10[%get3A_872] {strides = array<i32>} : memref<20480xf32, #tpu.memory_space<vmem>>, vector<16xf32>,
        %mul3A_874 = arith.mulf %gather3A_871, %get3A_873 : vector<16xf32>
        %swap3A_875 = arith.index_cast %add3A_868 : i32 to index
        %swap3A_876 = tpu.vector_load %arg10[%swap3A_875] {strides = array<i32>} : memref<20480xf32, #tpu.memory_space<vmem>>, vector<16xf32>,
        tpu.vector_store %arg10[%swap3A_875], %mul3A_874 {strides = array<i32>} : memref<20480xf32, #tpu.memory_space<vmem>>, vector<16xf32>,
        %add3A_877 = arith.constant 112 : i32
        %add3A_878 = arith.addi %multiple_of3A_806, %add3A_877 : i32
        %get3A_879 = arith.index_cast %add3A_878 : i32 to index
        %get3A_880 = tpu.vector_load %arg9[%get3A_879] {strides = array<i32>} : memref<20480xi32, #tpu.memory_space<vmem>>, vector<16xi32>,
        %gather3A_881 = tpu.vector_load_idx %arg8[%get3A_880] : memref<10000xf32, #tpu.memory_space<vmem>>[vector<16xi32>], vector<16xf32>,
        %get3A_882 = arith.index_cast %add3A_878 : i32 to index
        %get3A_883 = tpu.vector_load %arg10[%get3A_882] {strides = array<i32>} : memref<20480xf32, #tpu.memory_space<vmem>>, vector<16xf32>,
        %mul3A_884 = arith.mulf %gather3A_881, %get3A_883 : vector<16xf32>
        %swap3A_885 = arith.index_cast %add3A_878 : i32 to index
        %swap3A_886 = tpu.vector_load %arg10[%swap3A_885] {strides = array<i32>} : memref<20480xf32, #tpu.memory_space<vmem>>, vector<16xf32>,
        tpu.vector_store %arg10[%swap3A_885], %mul3A_884 {strides = array<i32>} : memref<20480xf32, #tpu.memory_space<vmem>>, vector<16xf32>,
        %dma_start3A_887 = arith.constant 7 : i32
        %dma_start3A_888 = tpu.memref_slice %arg10[%multiple_of3A_806] : memref<20480xf32, #tpu.memory_space<vmem>> -> memref<128xf32, #tpu.memory_space<vmem>>
        %dma_start3A_889 = arith.constant 0 : i32
        %dma_start3A_890 = tpu.memref_slice %arg11[%multiple_of3A_130, %dma_start3A_889] : memref<160x128xi32, #tpu.memory_space<vmem>> -> memref<8x128xi32, #tpu.memory_space<vmem>>
        %dma_start3A_891 = arith.constant 0 : i32
        %dma_start3A_892 = tpu.memref_slice %dma_start3A_890[%dma_start3A_887, %dma_start3A_891] : memref<8x128xi32, #tpu.memory_space<vmem>> -> memref<1x128xi32, #tpu.memory_space<vmem>>
        %dma_start3A_893 = tpu.memref_squeeze %dma_start3A_892 : memref<1x128xi32, #tpu.memory_space<vmem>> -> memref<128xi32, #tpu.memory_space<vmem>>
        %dma_start3A_894 = arith.constant 0 : i32
        %dma_start3A_895 = tpu.memref_slice %arg14[%dma_start3A_894] : memref<10240xf32, #tpu.memory_space<vmem_shared>> -> memref<10240xf32, #tpu.memory_space<vmem_shared>>
        tpu.enqueue_indirect_dma source(%dma_start3A_888 : memref<128xf32, #tpu.memory_space<vmem>>) target(%dma_start3A_895 : memref<10240xf32, #tpu.memory_space<vmem_shared>>) offsets(%dma_start3A_893 : memref<128xi32, #tpu.memory_space<vmem>>) semaphore(%arg15 : memref<!tpu.dma_semaphore, #tpu.memory_space<semaphore_mem>>) {add = true}
        %ge3A = arith.constant 2 : i32
        %ge3A_896 = arith.cmpi sge, %while3A_126, %ge3A : i32
        %convert_element_type3A = arith.extui %ge3A_896 : i1 to i32
        %cond3A = arith.constant 0 : i32
        %cond3A_897 = arith.cmpi ne, %convert_element_type3A, %cond3A : i32
        scf.if %cond3A_897 {
          %sub3A_899 = arith.constant 2 : i32
          %sub3A_900 = arith.subi %while3A_126, %sub3A_899 : i32
          %mul3A_901 = arith.constant 8 : i32
          %mul3A_902 = arith.muli %sub3A_900, %mul3A_901 : i32
          %multiple_of3A_903 = tpu.assume_multiple %mul3A_902, 8 : i32
          %sub3A_904 = arith.constant 2 : i32
          %sub3A_905 = arith.subi %while3A_126, %sub3A_904 : i32
          %mul3A_906 = arith.constant 8 : i32
          %mul3A_907 = arith.muli %sub3A_905, %mul3A_906 : i32
          %add3A_908 = arith.constant 0 : i32
          %add3A_909 = arith.addi %mul3A_907, %add3A_908 : i32
          %mul3A_910 = arith.constant 128 : i32
          %mul3A_911 = arith.muli %add3A_909, %mul3A_910 : i32
          %multiple_of3A_912 = tpu.assume_multiple %mul3A_911, 128 : i32
          %dma_wait3A = arith.constant 0 : i32
          %dma_wait3A_913 = tpu.memref_slice %arg10[%multiple_of3A_912] : memref<20480xf32, #tpu.memory_space<vmem>> -> memref<128xf32, #tpu.memory_space<vmem>>
          %dma_wait3A_914 = arith.constant 0 : i32
          %dma_wait3A_915 = tpu.memref_slice %arg11[%multiple_of3A_903, %dma_wait3A_914] : memref<160x128xi32, #tpu.memory_space<vmem>> -> memref<8x128xi32, #tpu.memory_space<vmem>>
          %dma_wait3A_916 = arith.constant 0 : i32
          %dma_wait3A_917 = tpu.memref_slice %dma_wait3A_915[%dma_wait3A, %dma_wait3A_916] : memref<8x128xi32, #tpu.memory_space<vmem>> -> memref<1x128xi32, #tpu.memory_space<vmem>>
          %dma_wait3A_918 = tpu.memref_squeeze %dma_wait3A_917 : memref<1x128xi32, #tpu.memory_space<vmem>> -> memref<128xi32, #tpu.memory_space<vmem>>
          %dma_wait3A_919 = arith.constant 0 : i32
          %dma_wait3A_920 = tpu.memref_slice %arg14[%dma_wait3A_919] : memref<10240xf32, #tpu.memory_space<vmem_shared>> -> memref<10240xf32, #tpu.memory_space<vmem_shared>>
          tpu.wait_indirect_dma semaphore(%arg15 : memref<!tpu.dma_semaphore, #tpu.memory_space<semaphore_mem>>) src(%dma_wait3A_913 : memref<128xf32, #tpu.memory_space<vmem>>) dst(%dma_wait3A_920 : memref<10240xf32, #tpu.memory_space<vmem_shared>>)
          %sub3A_921 = arith.constant 2 : i32
          %sub3A_922 = arith.subi %while3A_126, %sub3A_921 : i32
          %mul3A_923 = arith.constant 8 : i32
          %mul3A_924 = arith.muli %sub3A_922, %mul3A_923 : i32
          %add3A_925 = arith.constant 1 : i32
          %add3A_926 = arith.addi %mul3A_924, %add3A_925 : i32
          %mul3A_927 = arith.constant 128 : i32
          %mul3A_928 = arith.muli %add3A_926, %mul3A_927 : i32
          %multiple_of3A_929 = tpu.assume_multiple %mul3A_928, 128 : i32
          %dma_wait3A_930 = arith.constant 1 : i32
          %dma_wait3A_931 = tpu.memref_slice %arg10[%multiple_of3A_929] : memref<20480xf32, #tpu.memory_space<vmem>> -> memref<128xf32, #tpu.memory_space<vmem>>
          %dma_wait3A_932 = arith.constant 0 : i32
          %dma_wait3A_933 = tpu.memref_slice %arg11[%multiple_of3A_903, %dma_wait3A_932] : memref<160x128xi32, #tpu.memory_space<vmem>> -> memref<8x128xi32, #tpu.memory_space<vmem>>
          %dma_wait3A_934 = arith.constant 0 : i32
          %dma_wait3A_935 = tpu.memref_slice %dma_wait3A_933[%dma_wait3A_930, %dma_wait3A_934] : memref<8x128xi32, #tpu.memory_space<vmem>> -> memref<1x128xi32, #tpu.memory_space<vmem>>
          %dma_wait3A_936 = tpu.memref_squeeze %dma_wait3A_935 : memref<1x128xi32, #tpu.memory_space<vmem>> -> memref<128xi32, #tpu.memory_space<vmem>>
          %dma_wait3A_937 = arith.constant 0 : i32
          %dma_wait3A_938 = tpu.memref_slice %arg14[%dma_wait3A_937] : memref<10240xf32, #tpu.memory_space<vmem_shared>> -> memref<10240xf32, #tpu.memory_space<vmem_shared>>
          tpu.wait_indirect_dma semaphore(%arg15 : memref<!tpu.dma_semaphore, #tpu.memory_space<semaphore_mem>>) src(%dma_wait3A_931 : memref<128xf32, #tpu.memory_space<vmem>>) dst(%dma_wait3A_938 : memref<10240xf32, #tpu.memory_space<vmem_shared>>)
          %sub3A_939 = arith.constant 2 : i32
          %sub3A_940 = arith.subi %while3A_126, %sub3A_939 : i32
          %mul3A_941 = arith.constant 8 : i32
          %mul3A_942 = arith.muli %sub3A_940, %mul3A_941 : i32
          %add3A_943 = arith.constant 2 : i32
          %add3A_944 = arith.addi %mul3A_942, %add3A_943 : i32
          %mul3A_945 = arith.constant 128 : i32
          %mul3A_946 = arith.muli %add3A_944, %mul3A_945 : i32
          %multiple_of3A_947 = tpu.assume_multiple %mul3A_946, 128 : i32
          %dma_wait3A_948 = arith.constant 2 : i32
          %dma_wait3A_949 = tpu.memref_slice %arg10[%multiple_of3A_947] : memref<20480xf32, #tpu.memory_space<vmem>> -> memref<128xf32, #tpu.memory_space<vmem>>
          %dma_wait3A_950 = arith.constant 0 : i32
          %dma_wait3A_951 = tpu.memref_slice %arg11[%multiple_of3A_903, %dma_wait3A_950] : memref<160x128xi32, #tpu.memory_space<vmem>> -> memref<8x128xi32, #tpu.memory_space<vmem>>
          %dma_wait3A_952 = arith.constant 0 : i32
          %dma_wait3A_953 = tpu.memref_slice %dma_wait3A_951[%dma_wait3A_948, %dma_wait3A_952] : memref<8x128xi32, #tpu.memory_space<vmem>> -> memref<1x128xi32, #tpu.memory_space<vmem>>
          %dma_wait3A_954 = tpu.memref_squeeze %dma_wait3A_953 : memref<1x128xi32, #tpu.memory_space<vmem>> -> memref<128xi32, #tpu.memory_space<vmem>>
          %dma_wait3A_955 = arith.constant 0 : i32
          %dma_wait3A_956 = tpu.memref_slice %arg14[%dma_wait3A_955] : memref<10240xf32, #tpu.memory_space<vmem_shared>> -> memref<10240xf32, #tpu.memory_space<vmem_shared>>
          tpu.wait_indirect_dma semaphore(%arg15 : memref<!tpu.dma_semaphore, #tpu.memory_space<semaphore_mem>>) src(%dma_wait3A_949 : memref<128xf32, #tpu.memory_space<vmem>>) dst(%dma_wait3A_956 : memref<10240xf32, #tpu.memory_space<vmem_shared>>)
          %sub3A_957 = arith.constant 2 : i32
          %sub3A_958 = arith.subi %while3A_126, %sub3A_957 : i32
          %mul3A_959 = arith.constant 8 : i32
          %mul3A_960 = arith.muli %sub3A_958, %mul3A_959 : i32
          %add3A_961 = arith.constant 3 : i32
          %add3A_962 = arith.addi %mul3A_960, %add3A_961 : i32
          %mul3A_963 = arith.constant 128 : i32
          %mul3A_964 = arith.muli %add3A_962, %mul3A_963 : i32
          %multiple_of3A_965 = tpu.assume_multiple %mul3A_964, 128 : i32
          %dma_wait3A_966 = arith.constant 3 : i32
          %dma_wait3A_967 = tpu.memref_slice %arg10[%multiple_of3A_965] : memref<20480xf32, #tpu.memory_space<vmem>> -> memref<128xf32, #tpu.memory_space<vmem>>
          %dma_wait3A_968 = arith.constant 0 : i32
          %dma_wait3A_969 = tpu.memref_slice %arg11[%multiple_of3A_903, %dma_wait3A_968] : memref<160x128xi32, #tpu.memory_space<vmem>> -> memref<8x128xi32, #tpu.memory_space<vmem>>
          %dma_wait3A_970 = arith.constant 0 : i32
          %dma_wait3A_971 = tpu.memref_slice %dma_wait3A_969[%dma_wait3A_966, %dma_wait3A_970] : memref<8x128xi32, #tpu.memory_space<vmem>> -> memref<1x128xi32, #tpu.memory_space<vmem>>
          %dma_wait3A_972 = tpu.memref_squeeze %dma_wait3A_971 : memref<1x128xi32, #tpu.memory_space<vmem>> -> memref<128xi32, #tpu.memory_space<vmem>>
          %dma_wait3A_973 = arith.constant 0 : i32
          %dma_wait3A_974 = tpu.memref_slice %arg14[%dma_wait3A_973] : memref<10240xf32, #tpu.memory_space<vmem_shared>> -> memref<10240xf32, #tpu.memory_space<vmem_shared>>
          tpu.wait_indirect_dma semaphore(%arg15 : memref<!tpu.dma_semaphore, #tpu.memory_space<semaphore_mem>>) src(%dma_wait3A_967 : memref<128xf32, #tpu.memory_space<vmem>>) dst(%dma_wait3A_974 : memref<10240xf32, #tpu.memory_space<vmem_shared>>)
          %sub3A_975 = arith.constant 2 : i32
          %sub3A_976 = arith.subi %while3A_126, %sub3A_975 : i32
          %mul3A_977 = arith.constant 8 : i32
          %mul3A_978 = arith.muli %sub3A_976, %mul3A_977 : i32
          %add3A_979 = arith.constant 4 : i32
          %add3A_980 = arith.addi %mul3A_978, %add3A_979 : i32
          %mul3A_981 = arith.constant 128 : i32
          %mul3A_982 = arith.muli %add3A_980, %mul3A_981 : i32
          %multiple_of3A_983 = tpu.assume_multiple %mul3A_982, 128 : i32
          %dma_wait3A_984 = arith.constant 4 : i32
          %dma_wait3A_985 = tpu.memref_slice %arg10[%multiple_of3A_983] : memref<20480xf32, #tpu.memory_space<vmem>> -> memref<128xf32, #tpu.memory_space<vmem>>
          %dma_wait3A_986 = arith.constant 0 : i32
          %dma_wait3A_987 = tpu.memref_slice %arg11[%multiple_of3A_903, %dma_wait3A_986] : memref<160x128xi32, #tpu.memory_space<vmem>> -> memref<8x128xi32, #tpu.memory_space<vmem>>
          %dma_wait3A_988 = arith.constant 0 : i32
          %dma_wait3A_989 = tpu.memref_slice %dma_wait3A_987[%dma_wait3A_984, %dma_wait3A_988] : memref<8x128xi32, #tpu.memory_space<vmem>> -> memref<1x128xi32, #tpu.memory_space<vmem>>
          %dma_wait3A_990 = tpu.memref_squeeze %dma_wait3A_989 : memref<1x128xi32, #tpu.memory_space<vmem>> -> memref<128xi32, #tpu.memory_space<vmem>>
          %dma_wait3A_991 = arith.constant 0 : i32
          %dma_wait3A_992 = tpu.memref_slice %arg14[%dma_wait3A_991] : memref<10240xf32, #tpu.memory_space<vmem_shared>> -> memref<10240xf32, #tpu.memory_space<vmem_shared>>
          tpu.wait_indirect_dma semaphore(%arg15 : memref<!tpu.dma_semaphore, #tpu.memory_space<semaphore_mem>>) src(%dma_wait3A_985 : memref<128xf32, #tpu.memory_space<vmem>>) dst(%dma_wait3A_992 : memref<10240xf32, #tpu.memory_space<vmem_shared>>)
          %sub3A_993 = arith.constant 2 : i32
          %sub3A_994 = arith.subi %while3A_126, %sub3A_993 : i32
          %mul3A_995 = arith.constant 8 : i32
          %mul3A_996 = arith.muli %sub3A_994, %mul3A_995 : i32
          %add3A_997 = arith.constant 5 : i32
          %add3A_998 = arith.addi %mul3A_996, %add3A_997 : i32
          %mul3A_999 = arith.constant 128 : i32
          %mul3A_1000 = arith.muli %add3A_998, %mul3A_999 : i32
          %multiple_of3A_1001 = tpu.assume_multiple %mul3A_1000, 128 : i32
          %dma_wait3A_1002 = arith.constant 5 : i32
          %dma_wait3A_1003 = tpu.memref_slice %arg10[%multiple_of3A_1001] : memref<20480xf32, #tpu.memory_space<vmem>> -> memref<128xf32, #tpu.memory_space<vmem>>
          %dma_wait3A_1004 = arith.constant 0 : i32
          %dma_wait3A_1005 = tpu.memref_slice %arg11[%multiple_of3A_903, %dma_wait3A_1004] : memref<160x128xi32, #tpu.memory_space<vmem>> -> memref<8x128xi32, #tpu.memory_space<vmem>>
          %dma_wait3A_1006 = arith.constant 0 : i32
          %dma_wait3A_1007 = tpu.memref_slice %dma_wait3A_1005[%dma_wait3A_1002, %dma_wait3A_1006] : memref<8x128xi32, #tpu.memory_space<vmem>> -> memref<1x128xi32, #tpu.memory_space<vmem>>
          %dma_wait3A_1008 = tpu.memref_squeeze %dma_wait3A_1007 : memref<1x128xi32, #tpu.memory_space<vmem>> -> memref<128xi32, #tpu.memory_space<vmem>>
          %dma_wait3A_1009 = arith.constant 0 : i32
          %dma_wait3A_1010 = tpu.memref_slice %arg14[%dma_wait3A_1009] : memref<10240xf32, #tpu.memory_space<vmem_shared>> -> memref<10240xf32, #tpu.memory_space<vmem_shared>>
          tpu.wait_indirect_dma semaphore(%arg15 : memref<!tpu.dma_semaphore, #tpu.memory_space<semaphore_mem>>) src(%dma_wait3A_1003 : memref<128xf32, #tpu.memory_space<vmem>>) dst(%dma_wait3A_1010 : memref<10240xf32, #tpu.memory_space<vmem_shared>>)
          %sub3A_1011 = arith.constant 2 : i32
          %sub3A_1012 = arith.subi %while3A_126, %sub3A_1011 : i32
          %mul3A_1013 = arith.constant 8 : i32
          %mul3A_1014 = arith.muli %sub3A_1012, %mul3A_1013 : i32
          %add3A_1015 = arith.constant 6 : i32
          %add3A_1016 = arith.addi %mul3A_1014, %add3A_1015 : i32
          %mul3A_1017 = arith.constant 128 : i32
          %mul3A_1018 = arith.muli %add3A_1016, %mul3A_1017 : i32
          %multiple_of3A_1019 = tpu.assume_multiple %mul3A_1018, 128 : i32
          %dma_wait3A_1020 = arith.constant 6 : i32
          %dma_wait3A_1021 = tpu.memref_slice %arg10[%multiple_of3A_1019] : memref<20480xf32, #tpu.memory_space<vmem>> -> memref<128xf32, #tpu.memory_space<vmem>>
          %dma_wait3A_1022 = arith.constant 0 : i32
          %dma_wait3A_1023 = tpu.memref_slice %arg11[%multiple_of3A_903, %dma_wait3A_1022] : memref<160x128xi32, #tpu.memory_space<vmem>> -> memref<8x128xi32, #tpu.memory_space<vmem>>
          %dma_wait3A_1024 = arith.constant 0 : i32
          %dma_wait3A_1025 = tpu.memref_slice %dma_wait3A_1023[%dma_wait3A_1020, %dma_wait3A_1024] : memref<8x128xi32, #tpu.memory_space<vmem>> -> memref<1x128xi32, #tpu.memory_space<vmem>>
          %dma_wait3A_1026 = tpu.memref_squeeze %dma_wait3A_1025 : memref<1x128xi32, #tpu.memory_space<vmem>> -> memref<128xi32, #tpu.memory_space<vmem>>
          %dma_wait3A_1027 = arith.constant 0 : i32
          %dma_wait3A_1028 = tpu.memref_slice %arg14[%dma_wait3A_1027] : memref<10240xf32, #tpu.memory_space<vmem_shared>> -> memref<10240xf32, #tpu.memory_space<vmem_shared>>
          tpu.wait_indirect_dma semaphore(%arg15 : memref<!tpu.dma_semaphore, #tpu.memory_space<semaphore_mem>>) src(%dma_wait3A_1021 : memref<128xf32, #tpu.memory_space<vmem>>) dst(%dma_wait3A_1028 : memref<10240xf32, #tpu.memory_space<vmem_shared>>)
          %sub3A_1029 = arith.constant 2 : i32
          %sub3A_1030 = arith.subi %while3A_126, %sub3A_1029 : i32
          %mul3A_1031 = arith.constant 8 : i32
          %mul3A_1032 = arith.muli %sub3A_1030, %mul3A_1031 : i32
          %add3A_1033 = arith.constant 7 : i32
          %add3A_1034 = arith.addi %mul3A_1032, %add3A_1033 : i32
          %mul3A_1035 = arith.constant 128 : i32
          %mul3A_1036 = arith.muli %add3A_1034, %mul3A_1035 : i32
          %multiple_of3A_1037 = tpu.assume_multiple %mul3A_1036, 128 : i32
          %dma_wait3A_1038 = arith.constant 7 : i32
          %dma_wait3A_1039 = tpu.memref_slice %arg10[%multiple_of3A_1037] : memref<20480xf32, #tpu.memory_space<vmem>> -> memref<128xf32, #tpu.memory_space<vmem>>
          %dma_wait3A_1040 = arith.constant 0 : i32
          %dma_wait3A_1041 = tpu.memref_slice %arg11[%multiple_of3A_903, %dma_wait3A_1040] : memref<160x128xi32, #tpu.memory_space<vmem>> -> memref<8x128xi32, #tpu.memory_space<vmem>>
          %dma_wait3A_1042 = arith.constant 0 : i32
          %dma_wait3A_1043 = tpu.memref_slice %dma_wait3A_1041[%dma_wait3A_1038, %dma_wait3A_1042] : memref<8x128xi32, #tpu.memory_space<vmem>> -> memref<1x128xi32, #tpu.memory_space<vmem>>
          %dma_wait3A_1044 = tpu.memref_squeeze %dma_wait3A_1043 : memref<1x128xi32, #tpu.memory_space<vmem>> -> memref<128xi32, #tpu.memory_space<vmem>>
          %dma_wait3A_1045 = arith.constant 0 : i32
          %dma_wait3A_1046 = tpu.memref_slice %arg14[%dma_wait3A_1045] : memref<10240xf32, #tpu.memory_space<vmem_shared>> -> memref<10240xf32, #tpu.memory_space<vmem_shared>>
          tpu.wait_indirect_dma semaphore(%arg15 : memref<!tpu.dma_semaphore, #tpu.memory_space<semaphore_mem>>) src(%dma_wait3A_1039 : memref<128xf32, #tpu.memory_space<vmem>>) dst(%dma_wait3A_1046 : memref<10240xf32, #tpu.memory_space<vmem_shared>>)
        } else {
        }
        %while3A_898 = arith.constant 0 : i32
        scf.yield %while3A_898 : i32
      }
      %sub3A_111 = arith.constant 2 : i32
      %sub3A_112 = arith.subi %select_n3A_99, %sub3A_111 : i32
      %while3A_113 = arith.constant 0 : i32
      %while3A_114 = arith.subi %select_n3A_99, %sub3A_112 : i32
      %while3A_115 = arith.addi %sub3A_112, %while3A_114 : i32
      %while3A_116 = arith.constant 1 : i32
      %while3A_117 = arith.divsi %while3A_114, %while3A_116 : i32
      %while3A_118 = arith.muli %while3A_117, %while3A_116 : i32
      %while3A_119 = arith.addi %sub3A_112, %while3A_118 : i32
      %while3A_120 = arith.constant 1 : i32
      %while3A_121 = scf.for %while3A_126 = %sub3A_112 to %while3A_119 step %while3A_120 iter_args(%while3A_127 = %while3A_113) -> (i32)  : i32 {
        %mul3A_128 = arith.constant 8 : i32
        %mul3A_129 = arith.muli %while3A_126, %mul3A_128 : i32
        %multiple_of3A_130 = tpu.assume_multiple %mul3A_129, 8 : i32
        %mul3A_131 = arith.constant 8 : i32
        %mul3A_132 = arith.muli %while3A_126, %mul3A_131 : i32
        %add3A_133 = arith.constant 0 : i32
        %add3A_134 = arith.addi %mul3A_132, %add3A_133 : i32
        %mul3A_135 = arith.constant 128 : i32
        %mul3A_136 = arith.muli %add3A_134, %mul3A_135 : i32
        %multiple_of3A_137 = tpu.assume_multiple %mul3A_136, 128 : i32
        %dma_wait3A = arith.constant 0 : i32
        %dma_wait3A_138 = tpu.memref_slice %arg10[%multiple_of3A_137] : memref<20480xf32, #tpu.memory_space<vmem>> -> memref<128xf32, #tpu.memory_space<vmem>>
        %dma_wait3A_139 = arith.constant 0 : i32
        %dma_wait3A_140 = tpu.memref_slice %arg11[%multiple_of3A_130, %dma_wait3A_139] : memref<160x128xi32, #tpu.memory_space<vmem>> -> memref<8x128xi32, #tpu.memory_space<vmem>>
        %dma_wait3A_141 = arith.constant 0 : i32
        %dma_wait3A_142 = tpu.memref_slice %dma_wait3A_140[%dma_wait3A, %dma_wait3A_141] : memref<8x128xi32, #tpu.memory_space<vmem>> -> memref<1x128xi32, #tpu.memory_space<vmem>>
        %dma_wait3A_143 = tpu.memref_squeeze %dma_wait3A_142 : memref<1x128xi32, #tpu.memory_space<vmem>> -> memref<128xi32, #tpu.memory_space<vmem>>
        %dma_wait3A_144 = arith.constant 0 : i32
        %dma_wait3A_145 = tpu.memref_slice %arg14[%dma_wait3A_144] : memref<10240xf32, #tpu.memory_space<vmem_shared>> -> memref<10240xf32, #tpu.memory_space<vmem_shared>>
        tpu.wait_indirect_dma semaphore(%arg15 : memref<!tpu.dma_semaphore, #tpu.memory_space<semaphore_mem>>) src(%dma_wait3A_138 : memref<128xf32, #tpu.memory_space<vmem>>) dst(%dma_wait3A_145 : memref<10240xf32, #tpu.memory_space<vmem_shared>>)
        %mul3A_146 = arith.constant 8 : i32
        %mul3A_147 = arith.muli %while3A_126, %mul3A_146 : i32
        %add3A_148 = arith.constant 1 : i32
        %add3A_149 = arith.addi %mul3A_147, %add3A_148 : i32
        %mul3A_150 = arith.constant 128 : i32
        %mul3A_151 = arith.muli %add3A_149, %mul3A_150 : i32
        %multiple_of3A_152 = tpu.assume_multiple %mul3A_151, 128 : i32
        %dma_wait3A_153 = arith.constant 1 : i32
        %dma_wait3A_154 = tpu.memref_slice %arg10[%multiple_of3A_152] : memref<20480xf32, #tpu.memory_space<vmem>> -> memref<128xf32, #tpu.memory_space<vmem>>
        %dma_wait3A_155 = arith.constant 0 : i32
        %dma_wait3A_156 = tpu.memref_slice %arg11[%multiple_of3A_130, %dma_wait3A_155] : memref<160x128xi32, #tpu.memory_space<vmem>> -> memref<8x128xi32, #tpu.memory_space<vmem>>
        %dma_wait3A_157 = arith.constant 0 : i32
        %dma_wait3A_158 = tpu.memref_slice %dma_wait3A_156[%dma_wait3A_153, %dma_wait3A_157] : memref<8x128xi32, #tpu.memory_space<vmem>> -> memref<1x128xi32, #tpu.memory_space<vmem>>
        %dma_wait3A_159 = tpu.memref_squeeze %dma_wait3A_158 : memref<1x128xi32, #tpu.memory_space<vmem>> -> memref<128xi32, #tpu.memory_space<vmem>>
        %dma_wait3A_160 = arith.constant 0 : i32
        %dma_wait3A_161 = tpu.memref_slice %arg14[%dma_wait3A_160] : memref<10240xf32, #tpu.memory_space<vmem_shared>> -> memref<10240xf32, #tpu.memory_space<vmem_shared>>
        tpu.wait_indirect_dma semaphore(%arg15 : memref<!tpu.dma_semaphore, #tpu.memory_space<semaphore_mem>>) src(%dma_wait3A_154 : memref<128xf32, #tpu.memory_space<vmem>>) dst(%dma_wait3A_161 : memref<10240xf32, #tpu.memory_space<vmem_shared>>)
        %mul3A_162 = arith.constant 8 : i32
        %mul3A_163 = arith.muli %while3A_126, %mul3A_162 : i32
        %add3A_164 = arith.constant 2 : i32
        %add3A_165 = arith.addi %mul3A_163, %add3A_164 : i32
        %mul3A_166 = arith.constant 128 : i32
        %mul3A_167 = arith.muli %add3A_165, %mul3A_166 : i32
        %multiple_of3A_168 = tpu.assume_multiple %mul3A_167, 128 : i32
        %dma_wait3A_169 = arith.constant 2 : i32
        %dma_wait3A_170 = tpu.memref_slice %arg10[%multiple_of3A_168] : memref<20480xf32, #tpu.memory_space<vmem>> -> memref<128xf32, #tpu.memory_space<vmem>>
        %dma_wait3A_171 = arith.constant 0 : i32
        %dma_wait3A_172 = tpu.memref_slice %arg11[%multiple_of3A_130, %dma_wait3A_171] : memref<160x128xi32, #tpu.memory_space<vmem>> -> memref<8x128xi32, #tpu.memory_space<vmem>>
        %dma_wait3A_173 = arith.constant 0 : i32
        %dma_wait3A_174 = tpu.memref_slice %dma_wait3A_172[%dma_wait3A_169, %dma_wait3A_173] : memref<8x128xi32, #tpu.memory_space<vmem>> -> memref<1x128xi32, #tpu.memory_space<vmem>>
        %dma_wait3A_175 = tpu.memref_squeeze %dma_wait3A_174 : memref<1x128xi32, #tpu.memory_space<vmem>> -> memref<128xi32, #tpu.memory_space<vmem>>
        %dma_wait3A_176 = arith.constant 0 : i32
        %dma_wait3A_177 = tpu.memref_slice %arg14[%dma_wait3A_176] : memref<10240xf32, #tpu.memory_space<vmem_shared>> -> memref<10240xf32, #tpu.memory_space<vmem_shared>>
        tpu.wait_indirect_dma semaphore(%arg15 : memref<!tpu.dma_semaphore, #tpu.memory_space<semaphore_mem>>) src(%dma_wait3A_170 : memref<128xf32, #tpu.memory_space<vmem>>) dst(%dma_wait3A_177 : memref<10240xf32, #tpu.memory_space<vmem_shared>>)
        %mul3A_178 = arith.constant 8 : i32
        %mul3A_179 = arith.muli %while3A_126, %mul3A_178 : i32
        %add3A_180 = arith.constant 3 : i32
        %add3A_181 = arith.addi %mul3A_179, %add3A_180 : i32
        %mul3A_182 = arith.constant 128 : i32
        %mul3A_183 = arith.muli %add3A_181, %mul3A_182 : i32
        %multiple_of3A_184 = tpu.assume_multiple %mul3A_183, 128 : i32
        %dma_wait3A_185 = arith.constant 3 : i32
        %dma_wait3A_186 = tpu.memref_slice %arg10[%multiple_of3A_184] : memref<20480xf32, #tpu.memory_space<vmem>> -> memref<128xf32, #tpu.memory_space<vmem>>
        %dma_wait3A_187 = arith.constant 0 : i32
        %dma_wait3A_188 = tpu.memref_slice %arg11[%multiple_of3A_130, %dma_wait3A_187] : memref<160x128xi32, #tpu.memory_space<vmem>> -> memref<8x128xi32, #tpu.memory_space<vmem>>
        %dma_wait3A_189 = arith.constant 0 : i32
        %dma_wait3A_190 = tpu.memref_slice %dma_wait3A_188[%dma_wait3A_185, %dma_wait3A_189] : memref<8x128xi32, #tpu.memory_space<vmem>> -> memref<1x128xi32, #tpu.memory_space<vmem>>
        %dma_wait3A_191 = tpu.memref_squeeze %dma_wait3A_190 : memref<1x128xi32, #tpu.memory_space<vmem>> -> memref<128xi32, #tpu.memory_space<vmem>>
        %dma_wait3A_192 = arith.constant 0 : i32
        %dma_wait3A_193 = tpu.memref_slice %arg14[%dma_wait3A_192] : memref<10240xf32, #tpu.memory_space<vmem_shared>> -> memref<10240xf32, #tpu.memory_space<vmem_shared>>
        tpu.wait_indirect_dma semaphore(%arg15 : memref<!tpu.dma_semaphore, #tpu.memory_space<semaphore_mem>>) src(%dma_wait3A_186 : memref<128xf32, #tpu.memory_space<vmem>>) dst(%dma_wait3A_193 : memref<10240xf32, #tpu.memory_space<vmem_shared>>)
        %mul3A_194 = arith.constant 8 : i32
        %mul3A_195 = arith.muli %while3A_126, %mul3A_194 : i32
        %add3A_196 = arith.constant 4 : i32
        %add3A_197 = arith.addi %mul3A_195, %add3A_196 : i32
        %mul3A_198 = arith.constant 128 : i32
        %mul3A_199 = arith.muli %add3A_197, %mul3A_198 : i32
        %multiple_of3A_200 = tpu.assume_multiple %mul3A_199, 128 : i32
        %dma_wait3A_201 = arith.constant 4 : i32
        %dma_wait3A_202 = tpu.memref_slice %arg10[%multiple_of3A_200] : memref<20480xf32, #tpu.memory_space<vmem>> -> memref<128xf32, #tpu.memory_space<vmem>>
        %dma_wait3A_203 = arith.constant 0 : i32
        %dma_wait3A_204 = tpu.memref_slice %arg11[%multiple_of3A_130, %dma_wait3A_203] : memref<160x128xi32, #tpu.memory_space<vmem>> -> memref<8x128xi32, #tpu.memory_space<vmem>>
        %dma_wait3A_205 = arith.constant 0 : i32
        %dma_wait3A_206 = tpu.memref_slice %dma_wait3A_204[%dma_wait3A_201, %dma_wait3A_205] : memref<8x128xi32, #tpu.memory_space<vmem>> -> memref<1x128xi32, #tpu.memory_space<vmem>>
        %dma_wait3A_207 = tpu.memref_squeeze %dma_wait3A_206 : memref<1x128xi32, #tpu.memory_space<vmem>> -> memref<128xi32, #tpu.memory_space<vmem>>
        %dma_wait3A_208 = arith.constant 0 : i32
        %dma_wait3A_209 = tpu.memref_slice %arg14[%dma_wait3A_208] : memref<10240xf32, #tpu.memory_space<vmem_shared>> -> memref<10240xf32, #tpu.memory_space<vmem_shared>>
        tpu.wait_indirect_dma semaphore(%arg15 : memref<!tpu.dma_semaphore, #tpu.memory_space<semaphore_mem>>) src(%dma_wait3A_202 : memref<128xf32, #tpu.memory_space<vmem>>) dst(%dma_wait3A_209 : memref<10240xf32, #tpu.memory_space<vmem_shared>>)
        %mul3A_210 = arith.constant 8 : i32
        %mul3A_211 = arith.muli %while3A_126, %mul3A_210 : i32
        %add3A_212 = arith.constant 5 : i32
        %add3A_213 = arith.addi %mul3A_211, %add3A_212 : i32
        %mul3A_214 = arith.constant 128 : i32
        %mul3A_215 = arith.muli %add3A_213, %mul3A_214 : i32
        %multiple_of3A_216 = tpu.assume_multiple %mul3A_215, 128 : i32
        %dma_wait3A_217 = arith.constant 5 : i32
        %dma_wait3A_218 = tpu.memref_slice %arg10[%multiple_of3A_216] : memref<20480xf32, #tpu.memory_space<vmem>> -> memref<128xf32, #tpu.memory_space<vmem>>
        %dma_wait3A_219 = arith.constant 0 : i32
        %dma_wait3A_220 = tpu.memref_slice %arg11[%multiple_of3A_130, %dma_wait3A_219] : memref<160x128xi32, #tpu.memory_space<vmem>> -> memref<8x128xi32, #tpu.memory_space<vmem>>
        %dma_wait3A_221 = arith.constant 0 : i32
        %dma_wait3A_222 = tpu.memref_slice %dma_wait3A_220[%dma_wait3A_217, %dma_wait3A_221] : memref<8x128xi32, #tpu.memory_space<vmem>> -> memref<1x128xi32, #tpu.memory_space<vmem>>
        %dma_wait3A_223 = tpu.memref_squeeze %dma_wait3A_222 : memref<1x128xi32, #tpu.memory_space<vmem>> -> memref<128xi32, #tpu.memory_space<vmem>>
        %dma_wait3A_224 = arith.constant 0 : i32
        %dma_wait3A_225 = tpu.memref_slice %arg14[%dma_wait3A_224] : memref<10240xf32, #tpu.memory_space<vmem_shared>> -> memref<10240xf32, #tpu.memory_space<vmem_shared>>
        tpu.wait_indirect_dma semaphore(%arg15 : memref<!tpu.dma_semaphore, #tpu.memory_space<semaphore_mem>>) src(%dma_wait3A_218 : memref<128xf32, #tpu.memory_space<vmem>>) dst(%dma_wait3A_225 : memref<10240xf32, #tpu.memory_space<vmem_shared>>)
        %mul3A_226 = arith.constant 8 : i32
        %mul3A_227 = arith.muli %while3A_126, %mul3A_226 : i32
        %add3A_228 = arith.constant 6 : i32
        %add3A_229 = arith.addi %mul3A_227, %add3A_228 : i32
        %mul3A_230 = arith.constant 128 : i32
        %mul3A_231 = arith.muli %add3A_229, %mul3A_230 : i32
        %multiple_of3A_232 = tpu.assume_multiple %mul3A_231, 128 : i32
        %dma_wait3A_233 = arith.constant 6 : i32
        %dma_wait3A_234 = tpu.memref_slice %arg10[%multiple_of3A_232] : memref<20480xf32, #tpu.memory_space<vmem>> -> memref<128xf32, #tpu.memory_space<vmem>>
        %dma_wait3A_235 = arith.constant 0 : i32
        %dma_wait3A_236 = tpu.memref_slice %arg11[%multiple_of3A_130, %dma_wait3A_235] : memref<160x128xi32, #tpu.memory_space<vmem>> -> memref<8x128xi32, #tpu.memory_space<vmem>>
        %dma_wait3A_237 = arith.constant 0 : i32
        %dma_wait3A_238 = tpu.memref_slice %dma_wait3A_236[%dma_wait3A_233, %dma_wait3A_237] : memref<8x128xi32, #tpu.memory_space<vmem>> -> memref<1x128xi32, #tpu.memory_space<vmem>>
        %dma_wait3A_239 = tpu.memref_squeeze %dma_wait3A_238 : memref<1x128xi32, #tpu.memory_space<vmem>> -> memref<128xi32, #tpu.memory_space<vmem>>
        %dma_wait3A_240 = arith.constant 0 : i32
        %dma_wait3A_241 = tpu.memref_slice %arg14[%dma_wait3A_240] : memref<10240xf32, #tpu.memory_space<vmem_shared>> -> memref<10240xf32, #tpu.memory_space<vmem_shared>>
        tpu.wait_indirect_dma semaphore(%arg15 : memref<!tpu.dma_semaphore, #tpu.memory_space<semaphore_mem>>) src(%dma_wait3A_234 : memref<128xf32, #tpu.memory_space<vmem>>) dst(%dma_wait3A_241 : memref<10240xf32, #tpu.memory_space<vmem_shared>>)
        %mul3A_242 = arith.constant 8 : i32
        %mul3A_243 = arith.muli %while3A_126, %mul3A_242 : i32
        %add3A_244 = arith.constant 7 : i32
        %add3A_245 = arith.addi %mul3A_243, %add3A_244 : i32
        %mul3A_246 = arith.constant 128 : i32
        %mul3A_247 = arith.muli %add3A_245, %mul3A_246 : i32
        %multiple_of3A_248 = tpu.assume_multiple %mul3A_247, 128 : i32
        %dma_wait3A_249 = arith.constant 7 : i32
        %dma_wait3A_250 = tpu.memref_slice %arg10[%multiple_of3A_248] : memref<20480xf32, #tpu.memory_space<vmem>> -> memref<128xf32, #tpu.memory_space<vmem>>
        %dma_wait3A_251 = arith.constant 0 : i32
        %dma_wait3A_252 = tpu.memref_slice %arg11[%multiple_of3A_130, %dma_wait3A_251] : memref<160x128xi32, #tpu.memory_space<vmem>> -> memref<8x128xi32, #tpu.memory_space<vmem>>
        %dma_wait3A_253 = arith.constant 0 : i32
        %dma_wait3A_254 = tpu.memref_slice %dma_wait3A_252[%dma_wait3A_249, %dma_wait3A_253] : memref<8x128xi32, #tpu.memory_space<vmem>> -> memref<1x128xi32, #tpu.memory_space<vmem>>
        %dma_wait3A_255 = tpu.memref_squeeze %dma_wait3A_254 : memref<1x128xi32, #tpu.memory_space<vmem>> -> memref<128xi32, #tpu.memory_space<vmem>>
        %dma_wait3A_256 = arith.constant 0 : i32
        %dma_wait3A_257 = tpu.memref_slice %arg14[%dma_wait3A_256] : memref<10240xf32, #tpu.memory_space<vmem_shared>> -> memref<10240xf32, #tpu.memory_space<vmem_shared>>
        tpu.wait_indirect_dma semaphore(%arg15 : memref<!tpu.dma_semaphore, #tpu.memory_space<semaphore_mem>>) src(%dma_wait3A_250 : memref<128xf32, #tpu.memory_space<vmem>>) dst(%dma_wait3A_257 : memref<10240xf32, #tpu.memory_space<vmem_shared>>)
        %while3A_258 = arith.constant 0 : i32
        scf.yield %while3A_258 : i32
      }
      %while3A_122 = arith.constant 1 : i32
      %while3A_123 = scf.for %while3A_126 = %while3A_119 to %while3A_115 step %while3A_122 iter_args(%while3A_127 = %while3A_121) -> (i32)  : i32 {
        %mul3A_128 = arith.constant 8 : i32
        %mul3A_129 = arith.muli %while3A_126, %mul3A_128 : i32
        %multiple_of3A_130 = tpu.assume_multiple %mul3A_129, 8 : i32
        %mul3A_131 = arith.constant 8 : i32
        %mul3A_132 = arith.muli %while3A_126, %mul3A_131 : i32
        %add3A_133 = arith.constant 0 : i32
        %add3A_134 = arith.addi %mul3A_132, %add3A_133 : i32
        %mul3A_135 = arith.constant 128 : i32
        %mul3A_136 = arith.muli %add3A_134, %mul3A_135 : i32
        %multiple_of3A_137 = tpu.assume_multiple %mul3A_136, 128 : i32
        %dma_wait3A = arith.constant 0 : i32
        %dma_wait3A_138 = tpu.memref_slice %arg10[%multiple_of3A_137] : memref<20480xf32, #tpu.memory_space<vmem>> -> memref<128xf32, #tpu.memory_space<vmem>>
        %dma_wait3A_139 = arith.constant 0 : i32
        %dma_wait3A_140 = tpu.memref_slice %arg11[%multiple_of3A_130, %dma_wait3A_139] : memref<160x128xi32, #tpu.memory_space<vmem>> -> memref<8x128xi32, #tpu.memory_space<vmem>>
        %dma_wait3A_141 = arith.constant 0 : i32
        %dma_wait3A_142 = tpu.memref_slice %dma_wait3A_140[%dma_wait3A, %dma_wait3A_141] : memref<8x128xi32, #tpu.memory_space<vmem>> -> memref<1x128xi32, #tpu.memory_space<vmem>>
        %dma_wait3A_143 = tpu.memref_squeeze %dma_wait3A_142 : memref<1x128xi32, #tpu.memory_space<vmem>> -> memref<128xi32, #tpu.memory_space<vmem>>
        %dma_wait3A_144 = arith.constant 0 : i32
        %dma_wait3A_145 = tpu.memref_slice %arg14[%dma_wait3A_144] : memref<10240xf32, #tpu.memory_space<vmem_shared>> -> memref<10240xf32, #tpu.memory_space<vmem_shared>>
        tpu.wait_indirect_dma semaphore(%arg15 : memref<!tpu.dma_semaphore, #tpu.memory_space<semaphore_mem>>) src(%dma_wait3A_138 : memref<128xf32, #tpu.memory_space<vmem>>) dst(%dma_wait3A_145 : memref<10240xf32, #tpu.memory_space<vmem_shared>>)
        %mul3A_146 = arith.constant 8 : i32
        %mul3A_147 = arith.muli %while3A_126, %mul3A_146 : i32
        %add3A_148 = arith.constant 1 : i32
        %add3A_149 = arith.addi %mul3A_147, %add3A_148 : i32
        %mul3A_150 = arith.constant 128 : i32
        %mul3A_151 = arith.muli %add3A_149, %mul3A_150 : i32
        %multiple_of3A_152 = tpu.assume_multiple %mul3A_151, 128 : i32
        %dma_wait3A_153 = arith.constant 1 : i32
        %dma_wait3A_154 = tpu.memref_slice %arg10[%multiple_of3A_152] : memref<20480xf32, #tpu.memory_space<vmem>> -> memref<128xf32, #tpu.memory_space<vmem>>
        %dma_wait3A_155 = arith.constant 0 : i32
        %dma_wait3A_156 = tpu.memref_slice %arg11[%multiple_of3A_130, %dma_wait3A_155] : memref<160x128xi32, #tpu.memory_space<vmem>> -> memref<8x128xi32, #tpu.memory_space<vmem>>
        %dma_wait3A_157 = arith.constant 0 : i32
        %dma_wait3A_158 = tpu.memref_slice %dma_wait3A_156[%dma_wait3A_153, %dma_wait3A_157] : memref<8x128xi32, #tpu.memory_space<vmem>> -> memref<1x128xi32, #tpu.memory_space<vmem>>
        %dma_wait3A_159 = tpu.memref_squeeze %dma_wait3A_158 : memref<1x128xi32, #tpu.memory_space<vmem>> -> memref<128xi32, #tpu.memory_space<vmem>>
        %dma_wait3A_160 = arith.constant 0 : i32
        %dma_wait3A_161 = tpu.memref_slice %arg14[%dma_wait3A_160] : memref<10240xf32, #tpu.memory_space<vmem_shared>> -> memref<10240xf32, #tpu.memory_space<vmem_shared>>
        tpu.wait_indirect_dma semaphore(%arg15 : memref<!tpu.dma_semaphore, #tpu.memory_space<semaphore_mem>>) src(%dma_wait3A_154 : memref<128xf32, #tpu.memory_space<vmem>>) dst(%dma_wait3A_161 : memref<10240xf32, #tpu.memory_space<vmem_shared>>)
        %mul3A_162 = arith.constant 8 : i32
        %mul3A_163 = arith.muli %while3A_126, %mul3A_162 : i32
        %add3A_164 = arith.constant 2 : i32
        %add3A_165 = arith.addi %mul3A_163, %add3A_164 : i32
        %mul3A_166 = arith.constant 128 : i32
        %mul3A_167 = arith.muli %add3A_165, %mul3A_166 : i32
        %multiple_of3A_168 = tpu.assume_multiple %mul3A_167, 128 : i32
        %dma_wait3A_169 = arith.constant 2 : i32
        %dma_wait3A_170 = tpu.memref_slice %arg10[%multiple_of3A_168] : memref<20480xf32, #tpu.memory_space<vmem>> -> memref<128xf32, #tpu.memory_space<vmem>>
        %dma_wait3A_171 = arith.constant 0 : i32
        %dma_wait3A_172 = tpu.memref_slice %arg11[%multiple_of3A_130, %dma_wait3A_171] : memref<160x128xi32, #tpu.memory_space<vmem>> -> memref<8x128xi32, #tpu.memory_space<vmem>>
        %dma_wait3A_173 = arith.constant 0 : i32
        %dma_wait3A_174 = tpu.memref_slice %dma_wait3A_172[%dma_wait3A_169, %dma_wait3A_173] : memref<8x128xi32, #tpu.memory_space<vmem>> -> memref<1x128xi32, #tpu.memory_space<vmem>>
        %dma_wait3A_175 = tpu.memref_squeeze %dma_wait3A_174 : memref<1x128xi32, #tpu.memory_space<vmem>> -> memref<128xi32, #tpu.memory_space<vmem>>
        %dma_wait3A_176 = arith.constant 0 : i32
        %dma_wait3A_177 = tpu.memref_slice %arg14[%dma_wait3A_176] : memref<10240xf32, #tpu.memory_space<vmem_shared>> -> memref<10240xf32, #tpu.memory_space<vmem_shared>>
        tpu.wait_indirect_dma semaphore(%arg15 : memref<!tpu.dma_semaphore, #tpu.memory_space<semaphore_mem>>) src(%dma_wait3A_170 : memref<128xf32, #tpu.memory_space<vmem>>) dst(%dma_wait3A_177 : memref<10240xf32, #tpu.memory_space<vmem_shared>>)
        %mul3A_178 = arith.constant 8 : i32
        %mul3A_179 = arith.muli %while3A_126, %mul3A_178 : i32
        %add3A_180 = arith.constant 3 : i32
        %add3A_181 = arith.addi %mul3A_179, %add3A_180 : i32
        %mul3A_182 = arith.constant 128 : i32
        %mul3A_183 = arith.muli %add3A_181, %mul3A_182 : i32
        %multiple_of3A_184 = tpu.assume_multiple %mul3A_183, 128 : i32
        %dma_wait3A_185 = arith.constant 3 : i32
        %dma_wait3A_186 = tpu.memref_slice %arg10[%multiple_of3A_184] : memref<20480xf32, #tpu.memory_space<vmem>> -> memref<128xf32, #tpu.memory_space<vmem>>
        %dma_wait3A_187 = arith.constant 0 : i32
        %dma_wait3A_188 = tpu.memref_slice %arg11[%multiple_of3A_130, %dma_wait3A_187] : memref<160x128xi32, #tpu.memory_space<vmem>> -> memref<8x128xi32, #tpu.memory_space<vmem>>
        %dma_wait3A_189 = arith.constant 0 : i32
        %dma_wait3A_190 = tpu.memref_slice %dma_wait3A_188[%dma_wait3A_185, %dma_wait3A_189] : memref<8x128xi32, #tpu.memory_space<vmem>> -> memref<1x128xi32, #tpu.memory_space<vmem>>
        %dma_wait3A_191 = tpu.memref_squeeze %dma_wait3A_190 : memref<1x128xi32, #tpu.memory_space<vmem>> -> memref<128xi32, #tpu.memory_space<vmem>>
        %dma_wait3A_192 = arith.constant 0 : i32
        %dma_wait3A_193 = tpu.memref_slice %arg14[%dma_wait3A_192] : memref<10240xf32, #tpu.memory_space<vmem_shared>> -> memref<10240xf32, #tpu.memory_space<vmem_shared>>
        tpu.wait_indirect_dma semaphore(%arg15 : memref<!tpu.dma_semaphore, #tpu.memory_space<semaphore_mem>>) src(%dma_wait3A_186 : memref<128xf32, #tpu.memory_space<vmem>>) dst(%dma_wait3A_193 : memref<10240xf32, #tpu.memory_space<vmem_shared>>)
        %mul3A_194 = arith.constant 8 : i32
        %mul3A_195 = arith.muli %while3A_126, %mul3A_194 : i32
        %add3A_196 = arith.constant 4 : i32
        %add3A_197 = arith.addi %mul3A_195, %add3A_196 : i32
        %mul3A_198 = arith.constant 128 : i32
        %mul3A_199 = arith.muli %add3A_197, %mul3A_198 : i32
        %multiple_of3A_200 = tpu.assume_multiple %mul3A_199, 128 : i32
        %dma_wait3A_201 = arith.constant 4 : i32
        %dma_wait3A_202 = tpu.memref_slice %arg10[%multiple_of3A_200] : memref<20480xf32, #tpu.memory_space<vmem>> -> memref<128xf32, #tpu.memory_space<vmem>>
        %dma_wait3A_203 = arith.constant 0 : i32
        %dma_wait3A_204 = tpu.memref_slice %arg11[%multiple_of3A_130, %dma_wait3A_203] : memref<160x128xi32, #tpu.memory_space<vmem>> -> memref<8x128xi32, #tpu.memory_space<vmem>>
        %dma_wait3A_205 = arith.constant 0 : i32
        %dma_wait3A_206 = tpu.memref_slice %dma_wait3A_204[%dma_wait3A_201, %dma_wait3A_205] : memref<8x128xi32, #tpu.memory_space<vmem>> -> memref<1x128xi32, #tpu.memory_space<vmem>>
        %dma_wait3A_207 = tpu.memref_squeeze %dma_wait3A_206 : memref<1x128xi32, #tpu.memory_space<vmem>> -> memref<128xi32, #tpu.memory_space<vmem>>
        %dma_wait3A_208 = arith.constant 0 : i32
        %dma_wait3A_209 = tpu.memref_slice %arg14[%dma_wait3A_208] : memref<10240xf32, #tpu.memory_space<vmem_shared>> -> memref<10240xf32, #tpu.memory_space<vmem_shared>>
        tpu.wait_indirect_dma semaphore(%arg15 : memref<!tpu.dma_semaphore, #tpu.memory_space<semaphore_mem>>) src(%dma_wait3A_202 : memref<128xf32, #tpu.memory_space<vmem>>) dst(%dma_wait3A_209 : memref<10240xf32, #tpu.memory_space<vmem_shared>>)
        %mul3A_210 = arith.constant 8 : i32
        %mul3A_211 = arith.muli %while3A_126, %mul3A_210 : i32
        %add3A_212 = arith.constant 5 : i32
        %add3A_213 = arith.addi %mul3A_211, %add3A_212 : i32
        %mul3A_214 = arith.constant 128 : i32
        %mul3A_215 = arith.muli %add3A_213, %mul3A_214 : i32
        %multiple_of3A_216 = tpu.assume_multiple %mul3A_215, 128 : i32
        %dma_wait3A_217 = arith.constant 5 : i32
        %dma_wait3A_218 = tpu.memref_slice %arg10[%multiple_of3A_216] : memref<20480xf32, #tpu.memory_space<vmem>> -> memref<128xf32, #tpu.memory_space<vmem>>
        %dma_wait3A_219 = arith.constant 0 : i32
        %dma_wait3A_220 = tpu.memref_slice %arg11[%multiple_of3A_130, %dma_wait3A_219] : memref<160x128xi32, #tpu.memory_space<vmem>> -> memref<8x128xi32, #tpu.memory_space<vmem>>
        %dma_wait3A_221 = arith.constant 0 : i32
        %dma_wait3A_222 = tpu.memref_slice %dma_wait3A_220[%dma_wait3A_217, %dma_wait3A_221] : memref<8x128xi32, #tpu.memory_space<vmem>> -> memref<1x128xi32, #tpu.memory_space<vmem>>
        %dma_wait3A_223 = tpu.memref_squeeze %dma_wait3A_222 : memref<1x128xi32, #tpu.memory_space<vmem>> -> memref<128xi32, #tpu.memory_space<vmem>>
        %dma_wait3A_224 = arith.constant 0 : i32
        %dma_wait3A_225 = tpu.memref_slice %arg14[%dma_wait3A_224] : memref<10240xf32, #tpu.memory_space<vmem_shared>> -> memref<10240xf32, #tpu.memory_space<vmem_shared>>
        tpu.wait_indirect_dma semaphore(%arg15 : memref<!tpu.dma_semaphore, #tpu.memory_space<semaphore_mem>>) src(%dma_wait3A_218 : memref<128xf32, #tpu.memory_space<vmem>>) dst(%dma_wait3A_225 : memref<10240xf32, #tpu.memory_space<vmem_shared>>)
        %mul3A_226 = arith.constant 8 : i32
        %mul3A_227 = arith.muli %while3A_126, %mul3A_226 : i32
        %add3A_228 = arith.constant 6 : i32
        %add3A_229 = arith.addi %mul3A_227, %add3A_228 : i32
        %mul3A_230 = arith.constant 128 : i32
        %mul3A_231 = arith.muli %add3A_229, %mul3A_230 : i32
        %multiple_of3A_232 = tpu.assume_multiple %mul3A_231, 128 : i32
        %dma_wait3A_233 = arith.constant 6 : i32
        %dma_wait3A_234 = tpu.memref_slice %arg10[%multiple_of3A_232] : memref<20480xf32, #tpu.memory_space<vmem>> -> memref<128xf32, #tpu.memory_space<vmem>>
        %dma_wait3A_235 = arith.constant 0 : i32
        %dma_wait3A_236 = tpu.memref_slice %arg11[%multiple_of3A_130, %dma_wait3A_235] : memref<160x128xi32, #tpu.memory_space<vmem>> -> memref<8x128xi32, #tpu.memory_space<vmem>>
        %dma_wait3A_237 = arith.constant 0 : i32
        %dma_wait3A_238 = tpu.memref_slice %dma_wait3A_236[%dma_wait3A_233, %dma_wait3A_237] : memref<8x128xi32, #tpu.memory_space<vmem>> -> memref<1x128xi32, #tpu.memory_space<vmem>>
        %dma_wait3A_239 = tpu.memref_squeeze %dma_wait3A_238 : memref<1x128xi32, #tpu.memory_space<vmem>> -> memref<128xi32, #tpu.memory_space<vmem>>
        %dma_wait3A_240 = arith.constant 0 : i32
        %dma_wait3A_241 = tpu.memref_slice %arg14[%dma_wait3A_240] : memref<10240xf32, #tpu.memory_space<vmem_shared>> -> memref<10240xf32, #tpu.memory_space<vmem_shared>>
        tpu.wait_indirect_dma semaphore(%arg15 : memref<!tpu.dma_semaphore, #tpu.memory_space<semaphore_mem>>) src(%dma_wait3A_234 : memref<128xf32, #tpu.memory_space<vmem>>) dst(%dma_wait3A_241 : memref<10240xf32, #tpu.memory_space<vmem_shared>>)
        %mul3A_242 = arith.constant 8 : i32
        %mul3A_243 = arith.muli %while3A_126, %mul3A_242 : i32
        %add3A_244 = arith.constant 7 : i32
        %add3A_245 = arith.addi %mul3A_243, %add3A_244 : i32
        %mul3A_246 = arith.constant 128 : i32
        %mul3A_247 = arith.muli %add3A_245, %mul3A_246 : i32
        %multiple_of3A_248 = tpu.assume_multiple %mul3A_247, 128 : i32
        %dma_wait3A_249 = arith.constant 7 : i32
        %dma_wait3A_250 = tpu.memref_slice %arg10[%multiple_of3A_248] : memref<20480xf32, #tpu.memory_space<vmem>> -> memref<128xf32, #tpu.memory_space<vmem>>
        %dma_wait3A_251 = arith.constant 0 : i32
        %dma_wait3A_252 = tpu.memref_slice %arg11[%multiple_of3A_130, %dma_wait3A_251] : memref<160x128xi32, #tpu.memory_space<vmem>> -> memref<8x128xi32, #tpu.memory_space<vmem>>
        %dma_wait3A_253 = arith.constant 0 : i32
        %dma_wait3A_254 = tpu.memref_slice %dma_wait3A_252[%dma_wait3A_249, %dma_wait3A_253] : memref<8x128xi32, #tpu.memory_space<vmem>> -> memref<1x128xi32, #tpu.memory_space<vmem>>
        %dma_wait3A_255 = tpu.memref_squeeze %dma_wait3A_254 : memref<1x128xi32, #tpu.memory_space<vmem>> -> memref<128xi32, #tpu.memory_space<vmem>>
        %dma_wait3A_256 = arith.constant 0 : i32
        %dma_wait3A_257 = tpu.memref_slice %arg14[%dma_wait3A_256] : memref<10240xf32, #tpu.memory_space<vmem_shared>> -> memref<10240xf32, #tpu.memory_space<vmem_shared>>
        tpu.wait_indirect_dma semaphore(%arg15 : memref<!tpu.dma_semaphore, #tpu.memory_space<semaphore_mem>>) src(%dma_wait3A_250 : memref<128xf32, #tpu.memory_space<vmem>>) dst(%dma_wait3A_257 : memref<10240xf32, #tpu.memory_space<vmem_shared>>)
        %while3A_258 = arith.constant 0 : i32
        scf.yield %while3A_258 : i32
      }
      %barrier3A_124 = arith.constant 0 : index
      tpu.barrier barrier_id(%barrier3A_124)
      "tpu.region"() ({
        %run_scoped3A = tpu.sem_alloc : memref<!tpu.dma_semaphore, #tpu.memory_space<semaphore_mem>>
        %dma_start3A = tpu.memref_slice %arg7[%add3A_72, %mul3A_53] : memref<12x10240xf32, #tpu.memory_space<hbm>> -> memref<1x640xf32, #tpu.memory_space<hbm>>
        %dma_start3A_126 = tpu.memref_squeeze %dma_start3A : memref<1x640xf32, #tpu.memory_space<hbm>> -> memref<640xf32, #tpu.memory_space<hbm>>
        %dma_start3A_127 = tpu.memref_slice %arg14[%mul3A_53] : memref<10240xf32, #tpu.memory_space<vmem_shared>> -> memref<640xf32, #tpu.memory_space<vmem_shared>>
        tpu.enqueue_dma source(%dma_start3A_127 : memref<640xf32, #tpu.memory_space<vmem_shared>>) target(%dma_start3A_126 : memref<640xf32, #tpu.memory_space<hbm>>) target_semaphore(%run_scoped3A : memref<!tpu.dma_semaphore, #tpu.memory_space<semaphore_mem>>)
        %dma_wait3A = tpu.memref_slice %arg7[%add3A_72, %mul3A_53] : memref<12x10240xf32, #tpu.memory_space<hbm>> -> memref<1x640xf32, #tpu.memory_space<hbm>>
        %dma_wait3A_128 = tpu.memref_squeeze %dma_wait3A : memref<1x640xf32, #tpu.memory_space<hbm>> -> memref<640xf32, #tpu.memory_space<hbm>>
        %dma_wait3A_129 = tpu.memref_slice %arg14[%mul3A_53] : memref<10240xf32, #tpu.memory_space<vmem_shared>> -> memref<640xf32, #tpu.memory_space<vmem_shared>>
        tpu.wait_dma2 semaphore(%run_scoped3A : memref<!tpu.dma_semaphore, #tpu.memory_space<semaphore_mem>>) src(%dma_wait3A_129 : memref<640xf32, #tpu.memory_space<vmem_shared>>) dst(%dma_wait3A_128 : memref<640xf32, #tpu.memory_space<hbm>>)
        tpu.yield
      }) : () -> ()
      "tpu.region"() ({
        %run_scoped3A = tpu.sem_alloc : memref<!tpu.dma_semaphore, #tpu.memory_space<semaphore_mem>>
        %dma_start3A = tpu.memref_slice %arg14[%mul3A_53] : memref<10240xf32, #tpu.memory_space<vmem_shared>> -> memref<640xf32, #tpu.memory_space<vmem_shared>>
        %dma_start3A_126 = tpu.memref_slice %arg14[%mul3A_53] : memref<10240xf32, #tpu.memory_space<vmem_shared>> -> memref<640xf32, #tpu.memory_space<vmem_shared>>
        tpu.enqueue_dma source(%arg12 : memref<640xf32, #tpu.memory_space<vmem>>) target(%dma_start3A_126 : memref<640xf32, #tpu.memory_space<vmem_shared>>) target_semaphore(%run_scoped3A : memref<!tpu.dma_semaphore, #tpu.memory_space<semaphore_mem>>)
        %dma_wait3A = tpu.memref_slice %arg14[%mul3A_53] : memref<10240xf32, #tpu.memory_space<vmem_shared>> -> memref<640xf32, #tpu.memory_space<vmem_shared>>
        %dma_wait3A_127 = tpu.memref_slice %arg14[%mul3A_53] : memref<10240xf32, #tpu.memory_space<vmem_shared>> -> memref<640xf32, #tpu.memory_space<vmem_shared>>
        tpu.wait_dma2 semaphore(%run_scoped3A : memref<!tpu.dma_semaphore, #tpu.memory_space<semaphore_mem>>) src(%arg12 : memref<640xf32, #tpu.memory_space<vmem>>) dst(%dma_wait3A_127 : memref<640xf32, #tpu.memory_space<vmem_shared>>)
        tpu.yield
      }) : () -> ()
      %scan3A_125 = arith.constant 0 : i32
      scf.yield %scan3A_125 : i32
    }
    %scan3A_67 = arith.constant 6 : i32
    return
  }
}

module attributes {stable_mosaic.version = 14 : i64} {
  func.func @_dense_body(%arg0: i32, %arg1: memref<1x10000x128xf32, #tpu.memory_space<vmem>>, %arg2: memref<1x128xf32, #tpu.memory_space<vmem>>, %arg3: memref<1x1xf32, #tpu.memory_space<vmem>>, %arg4: memref<128x128xf32, #tpu.memory_space<vmem>>, %arg5: memref<128x128xf32, #tpu.memory_space<vmem>>, %arg6: memref<32x128xf32, #tpu.memory_space<vmem>>, %arg7: memref<128x128xf32, #tpu.memory_space<vmem>>, %arg8: memref<128x128xf32, #tpu.memory_space<vmem>>, %arg9: memref<32x128xf32, #tpu.memory_space<vmem>>, %arg10: memref<128x128xf32, #tpu.memory_space<vmem>>, %arg11: memref<128x128xf32, #tpu.memory_space<vmem>>, %arg12: memref<32x128xf32, #tpu.memory_space<vmem>>, %arg13: memref<32x128xf32, #tpu.memory_space<vmem>>, %arg14: memref<1x32xf32, #tpu.memory_space<vmem>>, %arg15: memref<1x1x10000xf32, #tpu.memory_space<vmem>>, %arg16: memref<32x128xf32, #tpu.memory_space<vmem>>) attributes {dimension_semantics = [#tpu.dimension_semantics<arbitrary>], iteration_bounds = array<i64: 12>, scalar_prefetch = 0 : i64, scratch_operands = 1 : i64, tpu.core_type = #tpu.core_type<tc>, window_params = [{transform_indices = @transform_0, window_bounds = array<i64: 1, 10000, 128>}, {pipeline_mode = #tpu.pipeline_mode<synchronous>, transform_indices = @transform_1, window_bounds = array<i64: 1, 128>}, {pipeline_mode = #tpu.pipeline_mode<synchronous>, transform_indices = @transform_2, window_bounds = array<i64: 1, 1>}, {pipeline_mode = #tpu.pipeline_mode<synchronous>, transform_indices = @transform_3, window_bounds = array<i64: 128, 128>}, {pipeline_mode = #tpu.pipeline_mode<synchronous>, transform_indices = @transform_4, window_bounds = array<i64: 128, 128>}, {pipeline_mode = #tpu.pipeline_mode<synchronous>, transform_indices = @transform_5, window_bounds = array<i64: 32, 128>}, {pipeline_mode = #tpu.pipeline_mode<synchronous>, transform_indices = @transform_6, window_bounds = array<i64: 128, 128>}, {pipeline_mode = #tpu.pipeline_mode<synchronous>, transform_indices = @transform_7, window_bounds = array<i64: 128, 128>}, {pipeline_mode = #tpu.pipeline_mode<synchronous>, transform_indices = @transform_8, window_bounds = array<i64: 32, 128>}, {pipeline_mode = #tpu.pipeline_mode<synchronous>, transform_indices = @transform_9, window_bounds = array<i64: 128, 128>}, {pipeline_mode = #tpu.pipeline_mode<synchronous>, transform_indices = @transform_10, window_bounds = array<i64: 128, 128>}, {pipeline_mode = #tpu.pipeline_mode<synchronous>, transform_indices = @transform_11, window_bounds = array<i64: 32, 128>}, {pipeline_mode = #tpu.pipeline_mode<synchronous>, transform_indices = @transform_12, window_bounds = array<i64: 32, 128>}, {pipeline_mode = #tpu.pipeline_mode<synchronous>, transform_indices = @transform_13, window_bounds = array<i64: 1, 32>}, {transform_indices = @transform_14, window_bounds = array<i64: 1, 1, 10000>}]} {
    %eq3A = arith.constant 0 : i32
    %eq3A_0 = arith.cmpi eq, %arg0, %eq3A : i32
    %convert_element_type3A = arith.extui %eq3A_0 : i1 to i32
    %cond3A = arith.constant 0 : i32
    %cond3A_1 = arith.cmpi ne, %convert_element_type3A, %cond3A : i32
    scf.if %cond3A_1 {
      %get3A_114 = arith.constant 0 : index
      %get3A_115 = arith.constant 0 : index
      %get3A_116 = vector.load %arg13[%get3A_114, %get3A_115] : memref<32x128xf32, #tpu.memory_space<vmem>>, vector<32x128xf32>
      %swap3A_117 = arith.constant 0 : index
      %swap3A_118 = arith.constant 0 : index
      %swap3A_119 = vector.load %arg16[%swap3A_117, %swap3A_118] : memref<32x128xf32, #tpu.memory_space<vmem>>, vector<32x128xf32>
      tpu.vector_store %arg16[%swap3A_117, %swap3A_118], %get3A_116 {strides = array<i32>} : memref<32x128xf32, #tpu.memory_space<vmem>>, vector<32x128xf32>,
    } else {
    }
    %get3A = arith.constant 0 : index
    %get3A_2 = arith.constant 0 : index
    %get3A_3 = arith.constant 0 : index
    %get3A_4 = vector.load %arg1[%get3A, %get3A_2, %get3A_3] : memref<1x10000x128xf32, #tpu.memory_space<vmem>>, vector<1x10000x128xf32>
    %get3A_5 = vector.shape_cast %get3A_4 : vector<1x10000x128xf32> to vector<10000x128xf32>
    %get3A_6 = arith.constant 0 : index
    %get3A_7 = arith.constant 0 : index
    %get3A_8 = vector.load %arg2[%get3A_6, %get3A_7] : memref<1x128xf32, #tpu.memory_space<vmem>>, vector<1x128xf32>
    %dot_general3A = arith.constant dense<0.000000e+00> : vector<1x10000xf32>
    %dot_general3A_9 = tpu.matmul %get3A_8, %get3A_5, %dot_general3A {dimension_numbers = #tpu.dot_dimension_numbers<[1], [1], [0], [0], [0, 0, 1, 0], [], []>, transpose_lhs_hint = false} : vector<1x128xf32>, vector<10000x128xf32>, vector<1x10000xf32> -> vector<1x10000xf32>
    %get3A_10 = arith.constant 0 : index
    %get3A_11 = arith.constant 0 : index
    %get3A_12 = vector.load %arg3[%get3A_10, %get3A_11] : memref<1x1xf32, #tpu.memory_space<vmem>>, vector<1x1xf32>
    %div3A = vector.broadcast %get3A_12 : vector<1x1xf32> to vector<1x10000xf32>
    %div3A_13 = arith.divf %dot_general3A_9, %div3A : vector<1x10000xf32>
    %iota3A = tpu.iota {dimensions = array<i32: 1>} : vector<1x10000xi32>
    %iota3A_14 = tpu.iota {dimensions = array<i32: 0>} : vector<32x1xi32>
    %lt3A = arith.constant 10000 : i32
    %lt3A_15 = vector.broadcast %lt3A : i32 to vector<1x10000xi32>
    %lt3A_16 = arith.cmpi slt, %iota3A, %lt3A_15 : vector<1x10000xi32>
    %jit3A = arith.constant 0xFF800000 : f32
    %broadcast_in_dim3A = vector.broadcast %jit3A : f32 to vector<1x10000xf32>
    %select_n3A = arith.select %lt3A_16, %div3A_13, %broadcast_in_dim3A : vector<1x10000xi1>, vector<1x10000xf32>
    %broadcast_in_dim3A_17 = arith.constant 0 : i32
    %broadcast_in_dim3A_18 = vector.broadcast %broadcast_in_dim3A_17 : i32 to vector<32x1xi32>
    %broadcast_in_dim3A_19 = arith.constant 0.000000e+00 : f32
    %broadcast_in_dim3A_20 = vector.broadcast %broadcast_in_dim3A_19 : f32 to vector<32x1xf32>
    %scan3A = arith.constant 0 : i32
    %scan3A_21 = arith.constant 32 : i32
    %scan3A_22 = arith.addi %scan3A, %scan3A_21 : i32
    %scan3A_23 = arith.constant 1 : i32
    %scan3A_24:3 = scf.for %scan3A_114 = %scan3A to %scan3A_22 step %scan3A_23 iter_args(%scan3A_115 = %select_n3A, %scan3A_116 = %broadcast_in_dim3A_18, %scan3A_117 = %broadcast_in_dim3A_20) -> (vector<1x10000xf32>, vector<32x1xi32>, vector<32x1xf32>)  : i32 {
      %reduce_max3A = vector.shape_cast %scan3A_115 : vector<1x10000xf32> to vector<1x1x10000xf32>
      %reduce_max3A_118 = arith.constant dense<0xFF800000> : vector<1xf32>
      %reduce_max3A_119 = vector.multi_reduction <maximumf>, %reduce_max3A, %reduce_max3A_118 [1, 2] : vector<1x1x10000xf32> to vector<1xf32>
      %reduce_max3A_120 = vector.shape_cast %reduce_max3A_119 : vector<1xf32> to vector<1x1x1xf32>
      %reduce_max3A_121 = vector.extract %reduce_max3A_120[0, 0, 0] : f32 from vector<1x1x1xf32>
      %eq3A_122 = vector.broadcast %reduce_max3A_121 : f32 to vector<1x10000xf32>
      %eq3A_123 = arith.cmpf oeq, %scan3A_115, %eq3A_122 : vector<1x10000xf32>
      %jit3A_124 = arith.constant 10000 : i32
      %broadcast_in_dim3A_125 = vector.broadcast %jit3A_124 : i32 to vector<1x10000xi32>
      %select_n3A_126 = arith.select %eq3A_123, %iota3A, %broadcast_in_dim3A_125 : vector<1x10000xi1>, vector<1x10000xi32>
      %reduce_min3A = vector.shape_cast %select_n3A_126 : vector<1x10000xi32> to vector<1x1x10000xi32>
      %reduce_min3A_127 = arith.constant dense<2147483647> : vector<1xi32>
      %reduce_min3A_128 = vector.multi_reduction <minsi>, %reduce_min3A, %reduce_min3A_127 [1, 2] : vector<1x1x10000xi32> to vector<1xi32>
      %reduce_min3A_129 = vector.shape_cast %reduce_min3A_128 : vector<1xi32> to vector<1x1x1xi32>
      %reduce_min3A_130 = vector.extract %reduce_min3A_129[0, 0, 0] : i32 from vector<1x1x1xi32>
      %eq3A_131 = vector.broadcast %scan3A_114 : i32 to vector<32x1xi32>
      %eq3A_132 = arith.cmpi eq, %iota3A_14, %eq3A_131 : vector<32x1xi32>
      %broadcast_in_dim3A_133 = vector.broadcast %reduce_min3A_130 : i32 to vector<32x1xi32>
      %select_n3A_134 = arith.select %eq3A_132, %broadcast_in_dim3A_133, %scan3A_116 : vector<32x1xi1>, vector<32x1xi32>
      %broadcast_in_dim3A_135 = vector.broadcast %reduce_max3A_121 : f32 to vector<32x1xf32>
      %select_n3A_136 = arith.select %eq3A_132, %broadcast_in_dim3A_135, %scan3A_117 : vector<32x1xi1>, vector<32x1xf32>
      %eq3A_137 = vector.broadcast %reduce_min3A_130 : i32 to vector<1x10000xi32>
      %eq3A_138 = arith.cmpi eq, %iota3A, %eq3A_137 : vector<1x10000xi32>
      %jit3A_139 = arith.constant 0xFF800000 : f32
      %broadcast_in_dim3A_140 = vector.broadcast %jit3A_139 : f32 to vector<1x10000xf32>
      %select_n3A_141 = arith.select %eq3A_138, %broadcast_in_dim3A_140, %scan3A_115 : vector<1x10000xi1>, vector<1x10000xf32>
      scf.yield %select_n3A_141, %select_n3A_134, %select_n3A_136 : vector<1x10000xf32>, vector<32x1xi32>, vector<32x1xf32>
    }
    %scan3A_25 = arith.constant 32 : i32
    %iota3A_26 = tpu.iota {dimensions = array<i32: 1>} : vector<32x10000xi32>
    %eq3A_27 = vector.broadcast %scan3A_24#1 : vector<32x1xi32> to vector<32x10000xi32>
    %eq3A_28 = arith.cmpi eq, %iota3A_26, %eq3A_27 : vector<32x10000xi32>
    %jit3A_29 = arith.constant 0.000000e+00 : f32
    %broadcast_in_dim3A_30 = vector.shape_cast %scan3A_24#2 : vector<32x1xf32> to vector<32x1xf32>
    %broadcast_in_dim3A_31 = vector.broadcast %broadcast_in_dim3A_30 : vector<32x1xf32> to vector<32x10000xf32>
    %broadcast_in_dim3A_32 = vector.broadcast %jit3A_29 : f32 to vector<32x10000xf32>
    %select_n3A_33 = arith.select %eq3A_28, %broadcast_in_dim3A_31, %broadcast_in_dim3A_32 : vector<32x10000xi1>, vector<32x10000xf32>
    %dot_general3A_34 = arith.constant dense<0.000000e+00> : vector<32x128xf32>
    %dot_general3A_35 = tpu.matmul %select_n3A_33, %get3A_5, %dot_general3A_34 {dimension_numbers = #tpu.dot_dimension_numbers<[1], [0], [0], [1], [0, 0, 1, 1], [], []>, precision = #tpu.contract_precision<fp32>, transpose_lhs_hint = false} : vector<32x10000xf32>, vector<10000x128xf32>, vector<32x128xf32> -> vector<32x128xf32>
    %get3A_36 = arith.constant 0 : index
    %get3A_37 = arith.constant 0 : index
    %get3A_38 = vector.load %arg16[%get3A_36, %get3A_37] : memref<32x128xf32, #tpu.memory_space<vmem>>, vector<32x128xf32>
    %get3A_39 = arith.constant 0 : index
    %get3A_40 = arith.constant 0 : index
    %get3A_41 = vector.load %arg4[%get3A_39, %get3A_40] : memref<128x128xf32, #tpu.memory_space<vmem>>, vector<128x128xf32>
    %dot_general3A_42 = arith.constant dense<0.000000e+00> : vector<32x128xf32>
    %dot_general3A_43 = tpu.matmul %dot_general3A_35, %get3A_41, %dot_general3A_42 {dimension_numbers = #tpu.dot_dimension_numbers<[1], [0], [0], [1], [0, 0, 1, 1], [], []>, transpose_lhs_hint = false} : vector<32x128xf32>, vector<128x128xf32>, vector<32x128xf32> -> vector<32x128xf32>
    %get3A_44 = arith.constant 0 : index
    %get3A_45 = arith.constant 0 : index
    %get3A_46 = vector.load %arg5[%get3A_44, %get3A_45] : memref<128x128xf32, #tpu.memory_space<vmem>>, vector<128x128xf32>
    %dot_general3A_47 = arith.constant dense<0.000000e+00> : vector<32x128xf32>
    %dot_general3A_48 = tpu.matmul %get3A_38, %get3A_46, %dot_general3A_47 {dimension_numbers = #tpu.dot_dimension_numbers<[1], [0], [0], [1], [0, 0, 1, 1], [], []>, transpose_lhs_hint = false} : vector<32x128xf32>, vector<128x128xf32>, vector<32x128xf32> -> vector<32x128xf32>
    %add3A = arith.addf %dot_general3A_43, %dot_general3A_48 : vector<32x128xf32>
    %get3A_49 = arith.constant 0 : index
    %get3A_50 = arith.constant 0 : index
    %get3A_51 = vector.load %arg6[%get3A_49, %get3A_50] : memref<32x128xf32, #tpu.memory_space<vmem>>, vector<32x128xf32>
    %add3A_52 = arith.addf %add3A, %get3A_51 : vector<32x128xf32>
    %logistic3A = arith.negf %add3A_52 : vector<32x128xf32>
    %logistic3A_53 = math.exp %logistic3A : vector<32x128xf32>
    %logistic3A_54 = arith.constant 1.000000e+00 : f32
    %logistic3A_55 = vector.broadcast %logistic3A_54 : f32 to vector<32x128xf32>
    %logistic3A_56 = arith.addf %logistic3A_55, %logistic3A_53 : vector<32x128xf32>
    %logistic3A_57 = arith.divf %logistic3A_55, %logistic3A_56 : vector<32x128xf32>
    %get3A_58 = arith.constant 0 : index
    %get3A_59 = arith.constant 0 : index
    %get3A_60 = vector.load %arg7[%get3A_58, %get3A_59] : memref<128x128xf32, #tpu.memory_space<vmem>>, vector<128x128xf32>
    %dot_general3A_61 = arith.constant dense<0.000000e+00> : vector<32x128xf32>
    %dot_general3A_62 = tpu.matmul %dot_general3A_35, %get3A_60, %dot_general3A_61 {dimension_numbers = #tpu.dot_dimension_numbers<[1], [0], [0], [1], [0, 0, 1, 1], [], []>, transpose_lhs_hint = false} : vector<32x128xf32>, vector<128x128xf32>, vector<32x128xf32> -> vector<32x128xf32>
    %get3A_63 = arith.constant 0 : index
    %get3A_64 = arith.constant 0 : index
    %get3A_65 = vector.load %arg8[%get3A_63, %get3A_64] : memref<128x128xf32, #tpu.memory_space<vmem>>, vector<128x128xf32>
    %dot_general3A_66 = arith.constant dense<0.000000e+00> : vector<32x128xf32>
    %dot_general3A_67 = tpu.matmul %get3A_38, %get3A_65, %dot_general3A_66 {dimension_numbers = #tpu.dot_dimension_numbers<[1], [0], [0], [1], [0, 0, 1, 1], [], []>, transpose_lhs_hint = false} : vector<32x128xf32>, vector<128x128xf32>, vector<32x128xf32> -> vector<32x128xf32>
    %add3A_68 = arith.addf %dot_general3A_62, %dot_general3A_67 : vector<32x128xf32>
    %get3A_69 = arith.constant 0 : index
    %get3A_70 = arith.constant 0 : index
    %get3A_71 = vector.load %arg9[%get3A_69, %get3A_70] : memref<32x128xf32, #tpu.memory_space<vmem>>, vector<32x128xf32>
    %add3A_72 = arith.addf %add3A_68, %get3A_71 : vector<32x128xf32>
    %logistic3A_73 = arith.negf %add3A_72 : vector<32x128xf32>
    %logistic3A_74 = math.exp %logistic3A_73 : vector<32x128xf32>
    %logistic3A_75 = arith.constant 1.000000e+00 : f32
    %logistic3A_76 = vector.broadcast %logistic3A_75 : f32 to vector<32x128xf32>
    %logistic3A_77 = arith.addf %logistic3A_76, %logistic3A_74 : vector<32x128xf32>
    %logistic3A_78 = arith.divf %logistic3A_76, %logistic3A_77 : vector<32x128xf32>
    %get3A_79 = arith.constant 0 : index
    %get3A_80 = arith.constant 0 : index
    %get3A_81 = vector.load %arg10[%get3A_79, %get3A_80] : memref<128x128xf32, #tpu.memory_space<vmem>>, vector<128x128xf32>
    %dot_general3A_82 = arith.constant dense<0.000000e+00> : vector<32x128xf32>
    %dot_general3A_83 = tpu.matmul %dot_general3A_35, %get3A_81, %dot_general3A_82 {dimension_numbers = #tpu.dot_dimension_numbers<[1], [0], [0], [1], [0, 0, 1, 1], [], []>, transpose_lhs_hint = false} : vector<32x128xf32>, vector<128x128xf32>, vector<32x128xf32> -> vector<32x128xf32>
    %mul3A = arith.mulf %logistic3A_78, %get3A_38 : vector<32x128xf32>
    %get3A_84 = arith.constant 0 : index
    %get3A_85 = arith.constant 0 : index
    %get3A_86 = vector.load %arg11[%get3A_84, %get3A_85] : memref<128x128xf32, #tpu.memory_space<vmem>>, vector<128x128xf32>
    %dot_general3A_87 = arith.constant dense<0.000000e+00> : vector<32x128xf32>
    %dot_general3A_88 = tpu.matmul %mul3A, %get3A_86, %dot_general3A_87 {dimension_numbers = #tpu.dot_dimension_numbers<[1], [0], [0], [1], [0, 0, 1, 1], [], []>, transpose_lhs_hint = false} : vector<32x128xf32>, vector<128x128xf32>, vector<32x128xf32> -> vector<32x128xf32>
    %add3A_89 = arith.addf %dot_general3A_83, %dot_general3A_88 : vector<32x128xf32>
    %get3A_90 = arith.constant 0 : index
    %get3A_91 = arith.constant 0 : index
    %get3A_92 = vector.load %arg12[%get3A_90, %get3A_91] : memref<32x128xf32, #tpu.memory_space<vmem>>, vector<32x128xf32>
    %add3A_93 = arith.addf %add3A_89, %get3A_92 : vector<32x128xf32>
    %tanh3A = math.tanh %add3A_93 : vector<32x128xf32>
    %sub3A = arith.constant 1.000000e+00 : f32
    %sub3A_94 = vector.broadcast %sub3A : f32 to vector<32x128xf32>
    %sub3A_95 = arith.subf %sub3A_94, %logistic3A_57 : vector<32x128xf32>
    %mul3A_96 = arith.mulf %sub3A_95, %get3A_38 : vector<32x128xf32>
    %mul3A_97 = arith.mulf %logistic3A_57, %tanh3A : vector<32x128xf32>
    %add3A_98 = arith.addf %mul3A_96, %mul3A_97 : vector<32x128xf32>
    %swap3A = arith.constant 0 : index
    %swap3A_99 = arith.constant 0 : index
    %swap3A_100 = vector.load %arg16[%swap3A, %swap3A_99] : memref<32x128xf32, #tpu.memory_space<vmem>>, vector<32x128xf32>
    tpu.vector_store %arg16[%swap3A, %swap3A_99], %add3A_98 {strides = array<i32>} : memref<32x128xf32, #tpu.memory_space<vmem>>, vector<32x128xf32>,
    %get3A_101 = arith.constant 0 : index
    %get3A_102 = arith.constant 0 : index
    %get3A_103 = vector.load %arg14[%get3A_101, %get3A_102] : memref<1x32xf32, #tpu.memory_space<vmem>>, vector<1x32xf32>
    %dot_general3A_104 = arith.constant dense<0.000000e+00> : vector<1x128xf32>
    %dot_general3A_105 = tpu.matmul %get3A_103, %add3A_98, %dot_general3A_104 {dimension_numbers = #tpu.dot_dimension_numbers<[1], [0], [0], [1], [0, 0, 1, 1], [], []>, precision = #tpu.contract_precision<fp32>, transpose_lhs_hint = false} : vector<1x32xf32>, vector<32x128xf32>, vector<1x128xf32> -> vector<1x128xf32>
    %dot_general3A_106 = arith.constant dense<0.000000e+00> : vector<1x10000xf32>
    %dot_general3A_107 = tpu.matmul %dot_general3A_105, %get3A_5, %dot_general3A_106 {dimension_numbers = #tpu.dot_dimension_numbers<[1], [1], [0], [0], [0, 0, 1, 0], [], []>, precision = #tpu.contract_precision<fp32>, transpose_lhs_hint = false} : vector<1x128xf32>, vector<10000x128xf32>, vector<1x10000xf32> -> vector<1x10000xf32>
    %swap3A_108 = arith.constant 0 : index
    %swap3A_109 = arith.constant 0 : index
    %swap3A_110 = arith.constant 0 : index
    %swap3A_111 = vector.load %arg15[%swap3A_108, %swap3A_109, %swap3A_110] : memref<1x1x10000xf32, #tpu.memory_space<vmem>>, vector<1x1x10000xf32>
    %swap3A_112 = vector.shape_cast %swap3A_111 : vector<1x1x10000xf32> to vector<1x10000xf32>
    %swap3A_113 = vector.shape_cast %dot_general3A_107 : vector<1x10000xf32> to vector<1x1x10000xf32>
    tpu.vector_store %arg15[%swap3A_108, %swap3A_109, %swap3A_110], %swap3A_113 {strides = array<i32>} : memref<1x1x10000xf32, #tpu.memory_space<vmem>>, vector<1x1x10000xf32>,
    return
  }
  func.func @transform_0(%arg0: i32) -> (i32, i32, i32) {
    %c0_i32 = arith.constant 0 : i32
    %c0_i32_0 = arith.constant 0 : i32
    %c0_i32_1 = arith.constant 0 : i32
    return %arg0, %c0_i32, %c0_i32_0 : i32, i32, i32
  }
  func.func @transform_1(%arg0: i32) -> (i32, i32) {
    %c0_i32 = arith.constant 0 : i32
    %c0_i32_0 = arith.constant 0 : i32
    %c0_i32_1 = arith.constant 0 : i32
    return %c0_i32, %c0_i32_0 : i32, i32
  }
  func.func @transform_2(%arg0: i32) -> (i32, i32) {
    %c0_i32 = arith.constant 0 : i32
    %c0_i32_0 = arith.constant 0 : i32
    %c0_i32_1 = arith.constant 0 : i32
    return %c0_i32, %c0_i32_0 : i32, i32
  }
  func.func @transform_3(%arg0: i32) -> (i32, i32) {
    %c0_i32 = arith.constant 0 : i32
    %c0_i32_0 = arith.constant 0 : i32
    %c0_i32_1 = arith.constant 0 : i32
    return %c0_i32, %c0_i32_0 : i32, i32
  }
  func.func @transform_4(%arg0: i32) -> (i32, i32) {
    %c0_i32 = arith.constant 0 : i32
    %c0_i32_0 = arith.constant 0 : i32
    %c0_i32_1 = arith.constant 0 : i32
    return %c0_i32, %c0_i32_0 : i32, i32
  }
  func.func @transform_5(%arg0: i32) -> (i32, i32) {
    %c0_i32 = arith.constant 0 : i32
    %c0_i32_0 = arith.constant 0 : i32
    %c0_i32_1 = arith.constant 0 : i32
    return %c0_i32, %c0_i32_0 : i32, i32
  }
  func.func @transform_6(%arg0: i32) -> (i32, i32) {
    %c0_i32 = arith.constant 0 : i32
    %c0_i32_0 = arith.constant 0 : i32
    %c0_i32_1 = arith.constant 0 : i32
    return %c0_i32, %c0_i32_0 : i32, i32
  }
  func.func @transform_7(%arg0: i32) -> (i32, i32) {
    %c0_i32 = arith.constant 0 : i32
    %c0_i32_0 = arith.constant 0 : i32
    %c0_i32_1 = arith.constant 0 : i32
    return %c0_i32, %c0_i32_0 : i32, i32
  }
  func.func @transform_8(%arg0: i32) -> (i32, i32) {
    %c0_i32 = arith.constant 0 : i32
    %c0_i32_0 = arith.constant 0 : i32
    %c0_i32_1 = arith.constant 0 : i32
    return %c0_i32, %c0_i32_0 : i32, i32
  }
  func.func @transform_9(%arg0: i32) -> (i32, i32) {
    %c0_i32 = arith.constant 0 : i32
    %c0_i32_0 = arith.constant 0 : i32
    %c0_i32_1 = arith.constant 0 : i32
    return %c0_i32, %c0_i32_0 : i32, i32
  }
  func.func @transform_10(%arg0: i32) -> (i32, i32) {
    %c0_i32 = arith.constant 0 : i32
    %c0_i32_0 = arith.constant 0 : i32
    %c0_i32_1 = arith.constant 0 : i32
    return %c0_i32, %c0_i32_0 : i32, i32
  }
  func.func @transform_11(%arg0: i32) -> (i32, i32) {
    %c0_i32 = arith.constant 0 : i32
    %c0_i32_0 = arith.constant 0 : i32
    %c0_i32_1 = arith.constant 0 : i32
    return %c0_i32, %c0_i32_0 : i32, i32
  }
  func.func @transform_12(%arg0: i32) -> (i32, i32) {
    %c0_i32 = arith.constant 0 : i32
    %c0_i32_0 = arith.constant 0 : i32
    %c0_i32_1 = arith.constant 0 : i32
    return %c0_i32, %c0_i32_0 : i32, i32
  }
  func.func @transform_13(%arg0: i32) -> (i32, i32) {
    %c0_i32 = arith.constant 0 : i32
    %c0_i32_0 = arith.constant 0 : i32
    %c0_i32_1 = arith.constant 0 : i32
    return %c0_i32, %c0_i32_0 : i32, i32
  }
  func.func @transform_14(%arg0: i32) -> (i32, i32, i32) {
    %c0_i32 = arith.constant 0 : i32
    %c0_i32_0 = arith.constant 0 : i32
    %c0_i32_1 = arith.constant 0 : i32
    return %arg0, %c0_i32, %c0_i32_0 : i32, i32, i32
  }
}

</mosaic_0001>

<sc_bundles>
// kernel: kernel.4.cloned.1.call-start
scs
__scs_entry_jumppad:
0x0: {  	(pc) =	sbr.rel $0x88, $3  }
0x1: {  	(tag) =	ssettag $0x0;
	lr =	simm.s32 $0x1  }
0x2: {  	[smem:$0x3F90] =	sst lr;
	_ =	strace $0xD0000000  }
0x3: {  	_ = 	snop  }
0x4: {  	_ = 	snop  }
0x5: {  	_ = 	snop  }
0x6: {  	_ = 	snop  }
0x7: {  	_ = 	snop  }
__scs_overlays_trampoline_lowered:
0x8: {  	[smem:$0x3F9F] =	sst s0  }
0x9: {  	[smem:$0x3FA0] =	sst s1  }
0xa: {  	[smem:$0x3FA1] =	sst s2  }
0xb: {  	[smem:$0x3FA2] =	sst s3  }
0xc: {  	[smem:$0x3FA3] =	sst s4  }
0xd: {  	[smem:$0x3FA4] =	sst s5  }
0xe: {  	[smem:$0x3FA5] =	sst s6  }
0xf: {  	[smem:$0x3FA6] =	sst s7  }
0x10: {  	[smem:$0x3FA7] =	sst s8  }
0x11: {  	[smem:$0x3FA8] =	sst s9;
	s0 =	simm.s32 @!p0 $0x0  }
0x12: {  	s1 =	sld [smem:$0x3F8E];
	s0 =	simm.s32 @p0 $0x1  }
0x13: {  	[smem:$0x3FA9] =	sst s0;
	s0 =	simm.s32 @!p1 $0x0  }
0x14: {  	s2 =	sld [smem:$0x3F8D];
	s0 =	simm.s32 @p1 $0x1  }
0x15: {  	[smem:$0x3FAA] =	sst s0;
	s0 =	simm.s32 @!p2 $0x0  }
0x16: {  	s3 =	sld [smem:$0x3FDB];
	s0 =	simm.s32 @p2 $0x1  }
0x17: {  	s4 =	simm.s32 $0x1BF5;
	[smem:$0x3FAC] =	sst s0  }
0x18: {  	s0 =	sld [smem:$0x3F8F];
	_ =	swait.ge [sflag:s4], $0x0  }
0x19: {  	s7 =	sld [smem:$0x3F90]  }
0x1a: {  	s8 =	sadd.s32 $0xFFFFE003, lr  }
0x1b: {  	s9 =	sadd.s32 $0xFFFFFEF7, lr;
	s5 =	simm.s32 $0xFFFFFFFF;
	p2 =	slt.u32 s8, $0xFFFFF086  }
0x1c: {  	p1 =	slt.u32 s9, $0xF7A;
	s5 =	simm.s32 @!p2 $0x0  }
0x1d: {  	s5 =	simm.s32 @p1 $0x1;
	p0 =	seq.s32 s7, s2  }
0x1e: {  	s7 =	smul.u32 @!p0 $0xF7A, s2;
	p2 =	seq.s32 @!p0 s5, $0x0  }
0x1f: {  	s9 =	smul.u32 $0xF7A, s1;
	s8 =	simm.s32 @!p0 $0x1BF5;
	p2 =	por !p2, p0  }
0x20: {  	[sflag:s8] =	ssyncset.s32 @!p0 $0xFFFFF086;
	s6 =	sadd.s32 @!p0 s3, s7;
	s7 =	simm.s32 @!p0 $0x108  }
0x21: {  	s3 =	sadd.s32 s3, s9;
	s6 =	sadd.s32 @!p0 $0x88, s6;
	s7 =	simm.s32 @p2 $0x1082  }
0x22: {  	[simem:s7], [sflag:s8] =	dma.local @!p0 [hbm:s6], $0xF7A  }
0x23: {  	s9 =	sor.u32 $0xD0000000, s2;
	s6 =	simm.s32 $0x108;
	_ =	swait.ge @!p0 [sflag:s8], $0x0  }
0x24: {  	s3 =	sadd.s32 $0x88, s3;
	s6 =	simm.s32 @!p1 $0x1082;
	[sflag:s4] =	ssyncset.s32 $0xFFFFF086  }
0x25: {  	[simem:s6], [sflag:s4] =	dma.local [hbm:s3], $0xF7A  }
0x26: {  	[smem:$0x3F90] =	sst s1;
	(tag) =	ssettag s2;
	_ =	strace s9  }
0x27: {  	s1 =	sld [smem:$0x3FA0]  }
0x28: {  	s2 =	sld [smem:$0x3FA1]  }
0x29: {  	s4 =	sld [smem:$0x3FA3]  }
0x2a: {  	p0 =	seq.s32 s5, $0x0;
	s5 =	sld [smem:$0x3FA4]  }
0x2b: {  	s6 =	sld [smem:$0x3FA5]  }
0x2c: {  	s7 =	sld [smem:$0x3FA6]  }
0x2d: {  	s3 =	simm.s32 $0x108;
	s8 =	sld [smem:$0x3FA7]  }
0x2e: {  	s3 =	simm.s32 @!p0 $0x1082;
	s9 =	sld [smem:$0x3FA8]  }
0x2f: {  	lr =	sadd.s32 s0, s3;
	s0 =	sld [smem:$0x3F9F]  }
0x30: {  	s3 =	sld [smem:$0x3FA2]  }
0x31: {  	[smem:$0x3FAB] =	sst s10  }
0x32: {  	s10 =	sld [smem:$0x3FA9];
	_ =	sdelay $0x3  }
0x33: {  	p0 =	seq.s32 s10, $0x1;
	s10 =	sld [smem:$0x3FAB];
	_ =	sdelay $0x3  }
0x34: {  	[smem:$0x3FAB] =	sst s10  }
0x35: {  	s10 =	sld [smem:$0x3FAA];
	_ =	sdelay $0x3  }
0x36: {  	p1 =	seq.s32 s10, $0x1;
	s10 =	sld [smem:$0x3FAB];
	_ =	sdelay $0x3  }
0x37: {  	[smem:$0x3FAB] =	sst s10  }
0x38: {  	s10 =	sld [smem:$0x3FAC]  }
0x39: {  	_ = 	snop;
	(pc) =	sbr.ind lr, $3  }
0x3a: {  	_ = 	snop  }
0x3b: {  	_ = 	snop  }
0x3c: {  	p2 =	seq.s32 s10, $0x1;
	s10 =	sld [smem:$0x3FAB]  }
0x3d: {  	_ =	shalt  }
0x3e: {  	_ =	shalt  }
0x3f: {  	_ =	shalt  }
0x40: {  	_ =	shalt  }
0x41: {  	_ =	shalt  }
0x42: {  	_ =	shalt  }
0x43: {  	_ =	shalt  }
0x44: {  	_ =	shalt  }
0x45: {  	_ =	shalt  }
0x46: {  	_ =	shalt  }
0x47: {  	_ =	shalt  }
0x48: {  	_ =	shalt  }
0x49: {  	_ =	shalt  }
0x4a: {  	_ =	shalt  }
0x4b: {  	_ =	shalt  }
0x4c: {  	_ =	shalt  }
0x4d: {  	_ =	shalt  }
0x4e: {  	_ =	shalt  }
0x4f: {  	_ =	shalt  }
0x50: {  	_ =	shalt  }
0x51: {  	_ =	shalt  }
0x52: {  	_ =	shalt  }
0x53: {  	_ =	shalt  }
0x54: {  	_ =	shalt  }
0x55: {  	_ =	shalt  }
0x56: {  	_ =	shalt  }
0x57: {  	_ =	shalt  }
0x58: {  	_ =	shalt  }
0x59: {  	_ =	shalt  }
0x5a: {  	_ =	shalt  }
0x5b: {  	_ =	shalt  }
0x5c: {  	_ =	shalt  }
0x5d: {  	_ =	shalt  }
0x5e: {  	_ =	shalt  }
0x5f: {  	_ =	shalt  }
0x60: {  	_ =	shalt  }
0x61: {  	_ =	shalt  }
0x62: {  	_ =	shalt  }
0x63: {  	_ =	shalt  }
0x64: {  	_ =	shalt  }
0x65: {  	_ =	shalt  }
0x66: {  	_ =	shalt  }
0x67: {  	_ =	shalt  }
0x68: {  	_ =	shalt  }
0x69: {  	_ =	shalt  }
0x6a: {  	_ =	shalt  }
0x6b: {  	_ =	shalt  }
0x6c: {  	_ =	shalt  }
0x6d: {  	_ =	shalt  }
0x6e: {  	_ =	shalt  }
0x6f: {  	_ =	shalt  }
0x70: {  	_ =	shalt  }
0x71: {  	_ =	shalt  }
0x72: {  	_ =	shalt  }
0x73: {  	_ =	shalt  }
0x74: {  	_ =	shalt  }
0x75: {  	_ =	shalt  }
0x76: {  	_ =	shalt  }
0x77: {  	_ =	shalt  }
0x78: {  	_ =	shalt  }
0x79: {  	_ =	shalt  }
0x7a: {  	_ =	shalt  }
0x7b: {  	_ =	shalt  }
0x7c: {  	_ =	shalt  }
0x7d: {  	_ =	shalt  }
0x7e: {  	_ =	shalt  }
0x7f: {  	_ =	shalt  }
0x80: {  	_ =	shalt  }
0x81: {  	_ =	shalt  }
0x82: {  	_ =	shalt  }
0x83: {  	_ =	shalt  }
0x84: {  	_ =	shalt  }
0x85: {  	_ =	shalt  }
0x86: {  	_ =	shalt  }
0x87: {  	_ =	shalt  }
.Lfunc_end0:
.L_simem_size_0:
called_computation_lowered:
.L_overlay_start_0:
0x88: {  	s2 =	sld [smem:$0x3FD9]  }
0x89: {  	s3 =	sld [smem:$0x3FFE];
	_ =	sdelay $0x1  }
0x8a: {  	s1 =	srdreg.scid  }
0x8b: {  	s0 =	sand.u32 $0x1, s1  }
0x8c: {  	s17 =	sshll.u32 s0, $0xA;
	s2 =	sadd.s32 s3, s2  }
0x8d: {  	s2 =	sadd.s32 s2, s17  }
0x8e: {  	[smem:$0x3FB7] =	sst s2  }
0x8f: {  	_ = 	snop  }
0x90: {  	s2 =	sld [smem:$0x3FD0];
	(tm) =	ssettm $0x1  }
0x91: {  	s18 =	sld [smem:$0x3FFB];
	_ =	sdelay $0x3  }
0x92: {  	_ =	strace s18  }
0x93: {  	s3 =	sld [smem:$0x3FFC];
	_ =	sdelay $0x3  }
0x94: {  	_ =	strace s3  }
0x95: {  	s3 =	sld [smem:$0x3FFD];
	_ =	sdelay $0x3  }
0x96: {  	_ =	strace s3  }
0x97: {  	_ =	strace $0x8FFFFFFF  }
0x98: {  	s19 =	sld [smem:$0x3FDB];
	_ =	sdelay $0x1  }
0x99: {  	s4 =	simm.s32 $_scs_section_size  }
0x9a: {  	s5 =	simm.s32 $_size__tile_overlayer_lowered;
	s6 =	simm.s32 $_tile_overlayer_lowered  }
0x9b: {  	s22 =	simm.s32 $0x1BFF;
	s21 =	sshll.u32 s6, $0x1;
	s3 =	sadd.s32 s4, s19  }
0x9c: {  	s7 =	simm.s32 $0x0;
	s20 =	sshll.u32 s5, $0x1;
	s5 =	sadd.s32 s21, s3  }
0x9d: {  	[timem:s7], [sflag:s22] =	dma.local [hbm:s5], s20  }
0x9e: {  	_ =	swait.ge [sflag:s22], s20  }
0x9f: {  	s4 =	ssub.s32 $0x0, s20;
	[sflag:s22] =	ssyncset.done $0x0  }
0xa0: {  	[sflag:s22] =	ssyncadd.s32 s4;
	_ =	sdelay $0x1  }
0xa1: {  	s23 =	simm.s32 $0x1B8B  }
0xa2: {  	_ =	swait.ge [sflag:s23], $0x1  }
0xa3: {  	[sflag:s23] =	ssyncset.done $0x0  }
0xa4: {  	s25 =	simm.s32 $0x1B8E;
	s24 =	sld [smem:$0x3FFE];
	[sflag:s23] =	ssyncadd.s32 $0xFFFFFFFF  }
0xa5: {  	s26 =	simm.s32 $execute0_lowered;
	[smem:$0x3FD2] =	sst s25  }
0xa6: {  	s5 =	sshll.u32 s26, $0x1;
	_ =	strace $0x80000046;
	[dreg:$0x1] =	wrdreg $0xFFFFFFFF  }
0xa7: {  	s28 =	simm.s32 $_size_execute0_lowered;
	s3 =	sadd.s32 s3, s5;
	[dreg:$0x0] =	wrdreg $0x0  }
0xa8: {  	s5 =	sshll.u32 s28, $0x1;
	[dreg:$0x2] =	wrdreg s3  }
0xa9: {  	[dreg:$0x3] =	wrdreg s5  }
0xaa: {  	[dreg:$0x4] =	wrdreg $0xC0  }
0xab: {  	_ =	task [dreg:s7], $0x5FFFF  }
0xac: {  	[dreg:$0x1] =	wrdreg $0xFFFFFFFF  }
0xad: {  	[dreg:$0x0] =	wrdreg $0x60  }
0xae: {  	[dreg:$0x2] =	wrdreg s2  }
0xaf: {  	[dreg:$0x3] =	wrdreg s24  }
0xb0: {  	[dreg:$0x4] =	wrdreg $0x11A800  }
0xb1: {  	[dreg:$0x5] =	wrdreg $0x9  }
0xb2: {  	_ =	task.clear_ibuf [dreg:s7], $0x6FFFF;
	_ =	strace $0x90000046  }
0xb3: {  	s29 =	simm.s32 $0x9;
	_ =	strace $0x80000048  }
0xb4: {  	_ =	swait.ge [sflag:s29], $0x1  }
0xb5: {  	[sflag:s29] =	ssyncadd.s32 $0xFFFFFFFF  }
0xb6: {  	_ =	strace $0x90000048  }
0xb7: {  	_ =	sfence  }
0xb8: {  	s30 =	sld [smem:$0x0];
	_ =	sdelay $0x2  }
0xb9: {  	s31 =	sshll.u32 s1, $0xD;
	s1 =	sshrl.u32 s1, $0x2  }
0xba: {  	s3 =	sand.u32 $0x4000, s31;
	s1 =	sadd.s32 s1, s30  }
0xbb: {  	s0 =	sor.u32 s3, s0;
	s1 =	sshll.u32 s1, $0x11  }
0xbc: {  	s0 =	sor.u32 s1, s0  }
0xbd: {  	s0 =	sadd.s32 $0x8F2B, s0  }
0xbe: {  	[sflag:s0] =	ssyncadd.remote.s32 $0x1  }
0xbf: {  	_ =	sfence.sel $0xFFFF  }
0xc0: {  	[dreg:$0x0] =	wrdreg $0xFFFFFFFF;
	(pc) =	sbr.abs _section_cstart, $3  }
0xc1: {  	[dreg:$0x1] =	wrdreg $0xFFFFFFFF  }
0xc2: {  	_ =	task.clear_ibuf [dreg:s7], $0x2FFFF;
	_ =	strace $0x9FFFFFFF  }
0xc3: {  	(tm) =	ssettm $0x7FFFFFFF  }
tec
execute0_lowered:
.L_overlay_start_1:
0x0: {  	(tag) =	ssettag $0x1  }
0x1: {  	s1 =	rddreg [dreg:$0x0]  }
0x2: {  	s0 =	rddreg [dreg:$0x1]  }
0x3: {  	s2 =	rddreg [dreg:$0x2];
	s4 =	simm.s32 $0x0  }
0x4: {  	s3 =	stileid.u32;
	s8 =	srdreg.scid;
	s18 =	simm.s32 $0x2  }
0x5: {  	s19 =	simm.s32 $0x11780;
	s20 =	simm.s32 $0x80;
	s21 =	simm.s32 $0x400  }
0x6: {  	s22 =	simm.s32 $0x2780;
	s23 =	simm.s32 $0x7780;
	s24 =	simm.s32 $0xC780  }
0x7: {  	s25 =	simm.s32 $0x1;
	s26 =	simm.s32 $0x10;
	[smem:$0x7FF] =	sst s4  }
0x8: {  	s5 =	sadd.s32 $0x78200, s0;
	s6 =	sadd.s32 $0x114C00, s0;
	s10 =	smul.u32 $0x139, s3  }
0x9: {  	s7 =	sadd.s32 $0x2C00, s0;
	s9 =	sadd.s32 $0x1B1400, s0;
	s8 =	sand.u32 $0x1, s8  }
0xa: {  	s13 =	smul.u32 $0xA00, s3;
	p0 =	seq.s32 s3, $0xF;
	_ =	strace $0x80000047  }
0xb: {  	[dreg:$0x4] =	wrdreg s9;
	s9 =	sadd.s32 $0x1B1600, s0;
	s30 =	ssub.s32 $0x2, s8  }
0xc: {  	s11 =	sadd.s32 $0x139, s10;
	s12 =	sshrl.u32 s30, $0x1;
	s14 =	sshrl.u32 s10, $0x4  }
0xd: {  	s13 =	sshrl.u32 s13, $0x2;
	s11 =	sshrl.u32 s11, $0x1;
	s31 =	sshll.u32 s14, $0x3  }
.Ltmp0:
0xe: {  	s0 =	ssub.s32 s30, s12;
	s10 =	sand.u32 $0x1FF8, s11;
	(pc) =	sbr.rel .LBB2_1-.Ltmp0, $4  }
0xf: {  	s12 =	sshll.u32 s14, $0xD;
	s11 =	smul.u32 $0x6, s8;
	s10 =	simm.s32 @p0 $0x9C8  }
0x10: {  	s0 =	smax.u32 s0, $0x1;
	s8 =	simm.s32 $0x0;
	s15 =	ssub.s32 s10, s31  }
0x11: {  	s10 =	sadd.s32 s13, s2;
	s13 =	sshll.u32 s14, $0xA;
	s14 =	sshra.s32 s15, $0x3  }
0x12: {  	[dreg:$0x5] =	wrdreg s0;
	s15 =	smul.u32 $0x1400, s3;
	p0 =	slt.s32 s14, $0x1  }
.LBB2_5:
0x13: {  	s8 =	rddreg [dreg:$0x6]  }
0x14: {  	s0 =	rddreg [dreg:$0x5];
	s8 =	sadd.s32 $0x1, s8  }
0x15: {  	p1 =	sne.s32 s8, s0  }
.Ltmp1:
0x16: {  	_ = 	snop;
	(pc) =	sbr.rel @!p1 .LBB2_6-.Ltmp1, $1  }
0x17: {  	_ =	sdelay $0x3  }
.LBB2_1:
0x18: {  	[dreg:$0x6] =	wrdreg s8  }
0x19: {  	s0 =	rddreg [dreg:$0x4];
	s31 =	simm.s32 $0x11A00  }
0x1a: {  	[tilespmem:s31], [sflag:$0x2] =	stream.linear.gather [hbm4b:s0+s4], $0x80, $0x38;
	[tilespmem:$0x11D00] =	vst v63  }
0x1b: {  	_ =	swait.ge [sflag:s18], $0x80  }
0x1c: {  	[sflag:s18] =	ssyncset.done $0x0  }
0x1d: {  	[sflag:s18] =	ssyncadd.s32 $0xFFFFFF80  }
0x1e: {  	v0 =	vld [tilespmem:$0x11A00];
	_ =	sdelay $0x4  }
0x1f: {  	[tilespmem:$0x11780] =	vst v0  }
0x20: {  	[tilespmem:$0x11790] =	vst v0  }
0x21: {  	[tilespmem:$0x117A0] =	vst v0  }
0x22: {  	[tilespmem:$0x117B0] =	vst v0  }
0x23: {  	[tilespmem:$0x117C0] =	vst v0  }
0x24: {  	[tilespmem:$0x117D0] =	vst v0  }
0x25: {  	[tilespmem:$0x117E0] =	vst v0  }
0x26: {  	[tilespmem:$0x117F0] =	vst v0  }
0x27: {  	[tilespmem:$0x11800] =	vst v0  }
0x28: {  	[tilespmem:$0x11810] =	vst v0  }
0x29: {  	[tilespmem:$0x11820] =	vst v0  }
0x2a: {  	[tilespmem:$0x11830] =	vst v0  }
0x2b: {  	[tilespmem:$0x11840] =	vst v0  }
0x2c: {  	[tilespmem:$0x11850] =	vst v0  }
0x2d: {  	[tilespmem:$0x11860] =	vst v0  }
0x2e: {  	[tilespmem:$0x11870] =	vst v0  }
0x2f: {  	[tilespmem:$0x11880] =	vst v0  }
0x30: {  	[tilespmem:$0x11890] =	vst v0  }
0x31: {  	[tilespmem:$0x118A0] =	vst v0  }
0x32: {  	[tilespmem:$0x118B0] =	vst v0  }
0x33: {  	[tilespmem:$0x118C0] =	vst v0  }
0x34: {  	[tilespmem:$0x118D0] =	vst v0  }
0x35: {  	[tilespmem:$0x118E0] =	vst v0  }
0x36: {  	[tilespmem:$0x118F0] =	vst v0  }
0x37: {  	[tilespmem:$0x11900] =	vst v0  }
0x38: {  	[tilespmem:$0x11910] =	vst v0  }
0x39: {  	[tilespmem:$0x11920] =	vst v0  }
0x3a: {  	[tilespmem:$0x11930] =	vst v0  }
0x3b: {  	[tilespmem:$0x11940] =	vst v0  }
0x3c: {  	[tilespmem:$0x11950] =	vst v0  }
0x3d: {  	[tilespmem:$0x11960] =	vst v0  }
0x3e: {  	[tilespmem:$0x11970] =	vst v0  }
0x3f: {  	[tilespmem:$0x11980] =	vst v0  }
0x40: {  	[tilespmem:$0x11990] =	vst v0  }
0x41: {  	[tilespmem:$0x119A0] =	vst v0  }
0x42: {  	[tilespmem:$0x119B0] =	vst v0  }
0x43: {  	[tilespmem:$0x119C0] =	vst v0  }
0x44: {  	[tilespmem:$0x119D0] =	vst v0  }
0x45: {  	[tilespmem:$0x119E0] =	vst v0  }
.Ltmp2:
0x46: {  	[tilespmem:$0x119F0] =	vst v0;
	(pc) =	sbr.rel .LBB2_2-.Ltmp2, $4  }
0x47: {  	[spmem:s10] =	stream.linear.scatter [tilespmem:s19], [sflag:$0x2], $0x280, $0x38;
	[tilespmem:$0x11D00] =	vst v63  }
0x48: {  	_ =	swait.ge [sflag:s18], $0x280  }
0x49: {  	[sflag:s18] =	ssyncset.done $0x0  }
0x4a: {  	s29 =	simm.s32 $0x0;
	[sflag:s18] =	ssyncadd.s32 $0xFFFFFD80  }
.LBB2_4:
0x4b: {  	_ =	swait.ge [sflag:s25], $0x80  }
0x4c: {  	[sflag:s25] =	ssyncset.done $0x0  }
0x4d: {  	[sflag:s25] =	ssyncadd.s32 $0xFFFFFF80  }
0x4e: {  	_ =	swait.ge [sflag:s25], $0x80  }
0x4f: {  	[sflag:s25] =	ssyncset.done $0x0  }
0x50: {  	[sflag:s25] =	ssyncadd.s32 $0xFFFFFF80  }
0x51: {  	_ =	swait.ge [sflag:s25], $0x80  }
0x52: {  	[sflag:s25] =	ssyncset.done $0x0  }
0x53: {  	[sflag:s25] =	ssyncadd.s32 $0xFFFFFF80  }
0x54: {  	_ =	swait.ge [sflag:s25], $0x80  }
0x55: {  	[sflag:s25] =	ssyncset.done $0x0  }
0x56: {  	[sflag:s25] =	ssyncadd.s32 $0xFFFFFF80  }
0x57: {  	_ =	swait.ge [sflag:s25], $0x80  }
0x58: {  	[sflag:s25] =	ssyncset.done $0x0  }
0x59: {  	[sflag:s25] =	ssyncadd.s32 $0xFFFFFF80  }
0x5a: {  	_ =	swait.ge [sflag:s25], $0x80  }
0x5b: {  	[sflag:s25] =	ssyncset.done $0x0  }
0x5c: {  	[sflag:s25] =	ssyncadd.s32 $0xFFFFFF80  }
0x5d: {  	_ =	swait.ge [sflag:s25], $0x80  }
0x5e: {  	[sflag:s25] =	ssyncset.done $0x0  }
0x5f: {  	[sflag:s25] =	ssyncadd.s32 $0xFFFFFF80  }
0x60: {  	_ =	swait.ge [sflag:s25], $0x80  }
0x61: {  	[sflag:s25] =	ssyncset.done $0x0  }
0x62: {  	[sflag:s25] =	ssyncadd.s32 $0xFFFFFF80  }
0x63: {  	_ =	swait.ge [sflag:s25], $0x80  }
0x64: {  	[sflag:s25] =	ssyncset.done $0x0  }
0x65: {  	[sflag:s25] =	ssyncadd.s32 $0xFFFFFF80  }
0x66: {  	_ =	swait.ge [sflag:s25], $0x80  }
0x67: {  	[sflag:s25] =	ssyncset.done $0x0  }
0x68: {  	[sflag:s25] =	ssyncadd.s32 $0xFFFFFF80  }
0x69: {  	_ =	swait.ge [sflag:s25], $0x80  }
0x6a: {  	[sflag:s25] =	ssyncset.done $0x0  }
0x6b: {  	[sflag:s25] =	ssyncadd.s32 $0xFFFFFF80  }
0x6c: {  	_ =	swait.ge [sflag:s25], $0x80  }
0x6d: {  	[sflag:s25] =	ssyncset.done $0x0  }
0x6e: {  	[sflag:s25] =	ssyncadd.s32 $0xFFFFFF80  }
0x6f: {  	_ =	swait.ge [sflag:s25], $0x80  }
0x70: {  	[sflag:s25] =	ssyncset.done $0x0  }
0x71: {  	[sflag:s25] =	ssyncadd.s32 $0xFFFFFF80  }
0x72: {  	_ =	swait.ge [sflag:s25], $0x80  }
0x73: {  	[sflag:s25] =	ssyncset.done $0x0  }
0x74: {  	[sflag:s25] =	ssyncadd.s32 $0xFFFFFF80  }
0x75: {  	_ =	swait.ge [sflag:s25], $0x80  }
0x76: {  	s0 =	smul.u32 $0x14000, s31;
	[sflag:s25] =	ssyncset.done $0x0  }
0x77: {  	[sflag:s25] =	ssyncadd.s32 $0xFFFFFF80  }
0x78: {  	s0 =	sadd.s32 s15, s0;
	_ =	swait.ge [sflag:s25], $0x80  }
0x79: {  	s8 =	sshll.u32 s3, $0x6;
	s0 =	sor.u32 s30, s0;
	[sflag:s25] =	ssyncset.done $0x0  }
0x7a: {  	s16 =	sshrl.u32 s10, $0x3;
	s0 =	sshrl.u32 s0, $0x3;
	[sflag:s25] =	ssyncadd.s32 $0xFFFFFF80  }
0x7b: {  	s8 =	sor.u32 $0x1C02, s8;
	s0 =	sadd.s32 s9, s0;
	[bflag:$0x0] =	sbarrier.arrive $0xFFFF  }
0x7c: {  	[hbm:s0@s20], [sflag:s8] =	dma.strided [spmem:s16@s26], $0x50, s25, $0x10   }
0x7d: {  	s29 =	sadd.s32 $0x1, s29;
	_ =	swait.ge [sflag:s18], $0x50  }
0x7e: {  	p1 =	sne.s32 s29, $0x6;
	[sflag:s18] =	ssyncset.done $0x0  }
.Ltmp3:
0x7f: {  	[sflag:s18] =	ssyncadd.s32 $0xFFFFFFB0;
	(pc) =	sbr.rel @!p1 .LBB2_5-.Ltmp3, $4  }
0x80: {  	[spmem:s10] =	stream.linear.scatter [tilespmem:s19], [sflag:$0x2], $0x280, $0x38;
	[tilespmem:$0x11D00] =	vst v63  }
0x81: {  	_ =	swait.ge [sflag:s18], $0x280  }
0x82: {  	[sflag:s18] =	ssyncset.done $0x0  }
0x83: {  	[sflag:s18] =	ssyncadd.s32 $0xFFFFFD80  }
.LBB2_2:
0x84: {  	s8 =	sadd.s32 s11, s29  }
0x85: {  	s31 =	sshrl.u32 s8, $0x3  }
0x86: {  	s0 =	sshll.u32 s8, $0x7;
	s17 =	smul.u32 $0x13C00, s31  }
0x87: {  	s30 =	sand.u32 $0x380, s0  }
0x88: {  	s16 =	smul.u32 $0x272000, s31;
	s0 =	sor.u32 s30, s17  }
0x89: {  	s0 =	sshrl.u32 s0, $0x3  }
0x8a: {  	s16 =	sadd.s32 s12, s16;
	s28 =	sadd.s32 s1, s0;
	s0 =	simm.s32 $0x0  }
0x8b: {  	[tilespmem:s0], [sflag:$0x2] =	stream.strided.gather [hbm4b:s28+s20], $0x2780, s21, s20, $0x38;
	[tilespmem:$0x11D00] =	vst v63  }
0x8c: {  	s16 =	sor.u32 s30, s16;
	_ =	swait.ge [sflag:s18], $0x2780  }
0x8d: {  	s16 =	sshrl.u32 s16, $0x3;
	[sflag:s18] =	ssyncset.done $0x0  }
0x8e: {  	s28 =	sadd.s32 s5, s16;
	[sflag:s18] =	ssyncadd.s32 $0xFFFFD880  }
0x8f: {  	[tilespmem:s22], [sflag:$0x2] =	stream.strided.gather [hbm4b:s28+s20], $0x5000, s21, s20, $0x38;
	[tilespmem:$0x11D00] =	vst v63  }
0x90: {  	_ =	swait.ge [sflag:s18], $0x5000  }
0x91: {  	[sflag:s18] =	ssyncset.done $0x0  }
0x92: {  	s8 =	smul.u32 $0x4E400, s8;
	s16 =	sadd.s32 s6, s16;
	[sflag:s18] =	ssyncadd.s32 $0xFFFFB000  }
0x93: {  	[tilespmem:s23], [sflag:$0x2] =	stream.strided.gather [hbm4b:s16+s20], $0x5000, s21, s20, $0x38;
	[tilespmem:$0x11D00] =	vst v63  }
0x94: {  	s8 =	sadd.s32 s13, s8;
	_ =	swait.ge [sflag:s18], $0x5000  }
0x95: {  	s8 =	sshrl.u32 s8, $0x3;
	[sflag:s18] =	ssyncset.done $0x0  }
0x96: {  	s8 =	sadd.s32 s7, s8;
	[sflag:s18] =	ssyncadd.s32 $0xFFFFB000  }
0x97: {  	[tilespmem:s24], [sflag:$0x2] =	stream.linear.gather [hbm4b:s8+s0], $0x5000, $0x38;
	[tilespmem:$0x11D00] =	vst v63  }
.Ltmp4:
0x98: {  	_ =	swait.ge [sflag:s18], $0x5000;
	(pc) =	sbr.rel @p0 .LBB2_4-.Ltmp4, $3  }
0x99: {  	[sflag:s18] =	ssyncset.done $0x0  }
0x9a: {  	[sflag:s18] =	ssyncadd.s32 $0xFFFFB000  }
0x9b: {  	[bflag:$0x0] =	sbarrier.arrive $0xFFFF;
	_ =	sdelay $0x1  }
.LBB2_3:
0x9c: {  	s17 =	sshll.u32 s0, $0xA  }
0x9d: {  	v0 =	vld [tilespmem:s17+$0x2780];
	_ =	sdelay $0x5  }
0x9e: {  	v1 =	vld [tilespmem:s17+$0x7780]  }
0x9f: {  	v2 =	vld [tilespmem:s17+$0x2790]  }
0xa0: {  	v0 =	vld.idx.msk [tilespmem:v0+s4+$0x0], $0xffff;
	_ =	sdelay $0x4  }
0xa1: {  	v0 =	vmul.f32 v1, v0  }
0xa2: {  	v59 =	vld [tilespmem:s17+$0x7790]  }
0xa3: {  	v60 =	vld [tilespmem:s17+$0x27A0];
	[tilespmem:s17+$0x7780] =	vst v0  }
0xa4: {  	v0 =	vld.idx.msk [tilespmem:v2+s4+$0x0], $0xffff;
	_ =	sdelay $0x4  }
0xa5: {  	v0 =	vmul.f32 v59, v0  }
0xa6: {  	v61 =	vld [tilespmem:s17+$0x77A0]  }
0xa7: {  	v62 =	vld [tilespmem:s17+$0x27B0];
	[tilespmem:s17+$0x7790] =	vst v0  }
0xa8: {  	v0 =	vld.idx.msk [tilespmem:v60+s4+$0x0], $0xffff;
	_ =	sdelay $0x4  }
0xa9: {  	v0 =	vmul.f32 v61, v0  }
0xaa: {  	v63 =	vld [tilespmem:s17+$0x77B0]  }
0xab: {  	v4 =	vld [tilespmem:s17+$0x27C0];
	[tilespmem:s17+$0x77A0] =	vst v0  }
0xac: {  	v0 =	vld.idx.msk [tilespmem:v62+s4+$0x0], $0xffff;
	_ =	sdelay $0x4  }
0xad: {  	v0 =	vmul.f32 v63, v0  }
0xae: {  	v5 =	vld [tilespmem:s17+$0x77C0]  }
0xaf: {  	v6 =	vld [tilespmem:s17+$0x27D0];
	[tilespmem:s17+$0x77B0] =	vst v0  }
0xb0: {  	v0 =	vld.idx.msk [tilespmem:v4+s4+$0x0], $0xffff;
	_ =	sdelay $0x4  }
0xb1: {  	v0 =	vmul.f32 v5, v0  }
0xb2: {  	v7 =	vld [tilespmem:s17+$0x77D0]  }
0xb3: {  	v8 =	vld [tilespmem:s17+$0x27E0];
	[tilespmem:s17+$0x77C0] =	vst v0  }
0xb4: {  	v0 =	vld.idx.msk [tilespmem:v6+s4+$0x0], $0xffff;
	_ =	sdelay $0x4  }
0xb5: {  	v0 =	vmul.f32 v7, v0  }
0xb6: {  	v9 =	vld [tilespmem:s17+$0x77E0]  }
0xb7: {  	v10 =	vld [tilespmem:s17+$0x27F0];
	[tilespmem:s17+$0x77D0] =	vst v0  }
0xb8: {  	v0 =	vld.idx.msk [tilespmem:v8+s4+$0x0], $0xffff;
	_ =	sdelay $0x4  }
0xb9: {  	v0 =	vmul.f32 v9, v0;
	_ =	sdelay $0x1  }
0xba: {  	v11 =	vld [tilespmem:s17+$0x77F0];
	[tilespmem:s17+$0x77E0] =	vst v0  }
0xbb: {  	v0 =	vld.idx.msk [tilespmem:v10+s4+$0x0], $0xffff;
	_ =	sdelay $0x4  }
0xbc: {  	s8 =	sshll.u32 s0, $0xC;
	v0 =	vmul.f32 v11, v0  }
0xbd: {  	s8 =	sshra.s32 s8, $0x2  }
0xbe: {  	s16 =	sadd.s32 $0x7780, s17;
	s28 =	sadd.s32 $0xC780, s8;
	[tilespmem:s17+$0x77F0] =	vst v0  }
0xbf: {  	[spmem:s2] =	stream.indirect.scatter.add.f32 [tilespmem:s16], [sflag:$0x1], $0x1, s28, s20, $0xb8;
	[tilespmem:$0x11D00] =	vst v63  }
0xc0: {  	v12 =	vld [tilespmem:s17+$0x2800];
	_ =	sdelay $0x5  }
0xc1: {  	v13 =	vld [tilespmem:s17+$0x7800]  }
0xc2: {  	v14 =	vld [tilespmem:s17+$0x2810]  }
0xc3: {  	v0 =	vld.idx.msk [tilespmem:v12+s4+$0x0], $0xffff;
	_ =	sdelay $0x4  }
0xc4: {  	v0 =	vmul.f32 v13, v0  }
0xc5: {  	v15 =	vld [tilespmem:s17+$0x7810]  }
0xc6: {  	v16 =	vld [tilespmem:s17+$0x2820];
	[tilespmem:s17+$0x7800] =	vst v0  }
0xc7: {  	v0 =	vld.idx.msk [tilespmem:v14+s4+$0x0], $0xffff;
	_ =	sdelay $0x4  }
0xc8: {  	v0 =	vmul.f32 v15, v0  }
0xc9: {  	v17 =	vld [tilespmem:s17+$0x7820]  }
0xca: {  	v18 =	vld [tilespmem:s17+$0x2830];
	[tilespmem:s17+$0x7810] =	vst v0  }
0xcb: {  	v0 =	vld.idx.msk [tilespmem:v16+s4+$0x0], $0xffff;
	_ =	sdelay $0x4  }
0xcc: {  	v0 =	vmul.f32 v17, v0  }
0xcd: {  	v19 =	vld [tilespmem:s17+$0x7830]  }
0xce: {  	v20 =	vld [tilespmem:s17+$0x2840];
	[tilespmem:s17+$0x7820] =	vst v0  }
0xcf: {  	v0 =	vld.idx.msk [tilespmem:v18+s4+$0x0], $0xffff;
	_ =	sdelay $0x4  }
0xd0: {  	v0 =	vmul.f32 v19, v0  }
0xd1: {  	v21 =	vld [tilespmem:s17+$0x7840]  }
0xd2: {  	v22 =	vld [tilespmem:s17+$0x2850];
	[tilespmem:s17+$0x7830] =	vst v0  }
0xd3: {  	v0 =	vld.idx.msk [tilespmem:v20+s4+$0x0], $0xffff;
	_ =	sdelay $0x4  }
0xd4: {  	v0 =	vmul.f32 v21, v0  }
0xd5: {  	v23 =	vld [tilespmem:s17+$0x7850]  }
0xd6: {  	v24 =	vld [tilespmem:s17+$0x2860];
	[tilespmem:s17+$0x7840] =	vst v0  }
0xd7: {  	v0 =	vld.idx.msk [tilespmem:v22+s4+$0x0], $0xffff;
	_ =	sdelay $0x4  }
0xd8: {  	v0 =	vmul.f32 v23, v0  }
0xd9: {  	v25 =	vld [tilespmem:s17+$0x7860]  }
0xda: {  	v26 =	vld [tilespmem:s17+$0x2870];
	[tilespmem:s17+$0x7850] =	vst v0  }
0xdb: {  	v0 =	vld.idx.msk [tilespmem:v24+s4+$0x0], $0xffff;
	_ =	sdelay $0x4  }
0xdc: {  	v0 =	vmul.f32 v25, v0;
	_ =	sdelay $0x1  }
0xdd: {  	v27 =	vld [tilespmem:s17+$0x7870];
	[tilespmem:s17+$0x7860] =	vst v0  }
0xde: {  	v0 =	vld.idx.msk [tilespmem:v26+s4+$0x0], $0xffff;
	_ =	sdelay $0x4  }
0xdf: {  	v0 =	vmul.f32 v27, v0;
	_ =	sdelay $0x1  }
0xe0: {  	s16 =	sadd.s32 $0x7800, s17;
	s28 =	sadd.s32 $0xC800, s8;
	[tilespmem:s17+$0x7870] =	vst v0  }
0xe1: {  	[spmem:s2] =	stream.indirect.scatter.add.f32 [tilespmem:s16], [sflag:$0x1], $0x1, s28, s20, $0xb8;
	[tilespmem:$0x11D00] =	vst v63  }
0xe2: {  	v28 =	vld [tilespmem:s17+$0x2880];
	_ =	sdelay $0x5  }
0xe3: {  	v29 =	vld [tilespmem:s17+$0x7880]  }
0xe4: {  	v30 =	vld [tilespmem:s17+$0x2890]  }
0xe5: {  	v0 =	vld.idx.msk [tilespmem:v28+s4+$0x0], $0xffff;
	_ =	sdelay $0x4  }
0xe6: {  	v0 =	vmul.f32 v29, v0  }
0xe7: {  	v31 =	vld [tilespmem:s17+$0x7890]  }
0xe8: {  	v32 =	vld [tilespmem:s17+$0x28A0];
	[tilespmem:s17+$0x7880] =	vst v0  }
0xe9: {  	v0 =	vld.idx.msk [tilespmem:v30+s4+$0x0], $0xffff;
	_ =	sdelay $0x4  }
0xea: {  	v0 =	vmul.f32 v31, v0  }
0xeb: {  	v33 =	vld [tilespmem:s17+$0x78A0]  }
0xec: {  	v34 =	vld [tilespmem:s17+$0x28B0];
	[tilespmem:s17+$0x7890] =	vst v0  }
0xed: {  	v0 =	vld.idx.msk [tilespmem:v32+s4+$0x0], $0xffff;
	_ =	sdelay $0x4  }
0xee: {  	v0 =	vmul.f32 v33, v0  }
0xef: {  	v35 =	vld [tilespmem:s17+$0x78B0]  }
0xf0: {  	v36 =	vld [tilespmem:s17+$0x28C0];
	[tilespmem:s17+$0x78A0] =	vst v0  }
0xf1: {  	v0 =	vld.idx.msk [tilespmem:v34+s4+$0x0], $0xffff;
	_ =	sdelay $0x4  }
0xf2: {  	v0 =	vmul.f32 v35, v0  }
0xf3: {  	v37 =	vld [tilespmem:s17+$0x78C0]  }
0xf4: {  	v38 =	vld [tilespmem:s17+$0x28D0];
	[tilespmem:s17+$0x78B0] =	vst v0  }
0xf5: {  	v0 =	vld.idx.msk [tilespmem:v36+s4+$0x0], $0xffff;
	_ =	sdelay $0x4  }
0xf6: {  	v0 =	vmul.f32 v37, v0  }
0xf7: {  	v39 =	vld [tilespmem:s17+$0x78D0]  }
0xf8: {  	v40 =	vld [tilespmem:s17+$0x28E0];
	[tilespmem:s17+$0x78C0] =	vst v0  }
0xf9: {  	v0 =	vld.idx.msk [tilespmem:v38+s4+$0x0], $0xffff;
	_ =	sdelay $0x4  }
0xfa: {  	v0 =	vmul.f32 v39, v0  }
0xfb: {  	v41 =	vld [tilespmem:s17+$0x78E0]  }
0xfc: {  	v42 =	vld [tilespmem:s17+$0x28F0];
	[tilespmem:s17+$0x78D0] =	vst v0  }
0xfd: {  	v0 =	vld.idx.msk [tilespmem:v40+s4+$0x0], $0xffff;
	_ =	sdelay $0x4  }
0xfe: {  	v0 =	vmul.f32 v41, v0;
	_ =	sdelay $0x1  }
0xff: {  	v43 =	vld [tilespmem:s17+$0x78F0];
	[tilespmem:s17+$0x78E0] =	vst v0  }
0x100: {  	v0 =	vld.idx.msk [tilespmem:v42+s4+$0x0], $0xffff;
	_ =	sdelay $0x4  }
0x101: {  	v0 =	vmul.f32 v43, v0;
	_ =	sdelay $0x1  }
0x102: {  	s16 =	sadd.s32 $0x7880, s17;
	s28 =	sadd.s32 $0xC880, s8;
	[tilespmem:s17+$0x78F0] =	vst v0  }
0x103: {  	[spmem:s2] =	stream.indirect.scatter.add.f32 [tilespmem:s16], [sflag:$0x1], $0x1, s28, s20, $0xb8;
	[tilespmem:$0x11D00] =	vst v63  }
0x104: {  	v44 =	vld [tilespmem:s17+$0x2900];
	_ =	sdelay $0x5  }
0x105: {  	v45 =	vld [tilespmem:s17+$0x7900]  }
0x106: {  	v46 =	vld [tilespmem:s17+$0x2910]  }
0x107: {  	v0 =	vld.idx.msk [tilespmem:v44+s4+$0x0], $0xffff;
	_ =	sdelay $0x4  }
0x108: {  	v0 =	vmul.f32 v45, v0  }
0x109: {  	v47 =	vld [tilespmem:s17+$0x7910]  }
0x10a: {  	v48 =	vld [tilespmem:s17+$0x2920];
	[tilespmem:s17+$0x7900] =	vst v0  }
0x10b: {  	v0 =	vld.idx.msk [tilespmem:v46+s4+$0x0], $0xffff;
	_ =	sdelay $0x4  }
0x10c: {  	v0 =	vmul.f32 v47, v0  }
0x10d: {  	v49 =	vld [tilespmem:s17+$0x7920]  }
0x10e: {  	v50 =	vld [tilespmem:s17+$0x2930];
	[tilespmem:s17+$0x7910] =	vst v0  }
0x10f: {  	v0 =	vld.idx.msk [tilespmem:v48+s4+$0x0], $0xffff;
	_ =	sdelay $0x4  }
0x110: {  	v0 =	vmul.f32 v49, v0  }
0x111: {  	v51 =	vld [tilespmem:s17+$0x7930]  }
0x112: {  	v52 =	vld [tilespmem:s17+$0x2940];
	[tilespmem:s17+$0x7920] =	vst v0  }
0x113: {  	v0 =	vld.idx.msk [tilespmem:v50+s4+$0x0], $0xffff;
	_ =	sdelay $0x4  }
0x114: {  	v0 =	vmul.f32 v51, v0  }
0x115: {  	v53 =	vld [tilespmem:s17+$0x7940]  }
0x116: {  	v54 =	vld [tilespmem:s17+$0x2950];
	[tilespmem:s17+$0x7930] =	vst v0  }
0x117: {  	v0 =	vld.idx.msk [tilespmem:v52+s4+$0x0], $0xffff;
	_ =	sdelay $0x4  }
0x118: {  	v0 =	vmul.f32 v53, v0  }
0x119: {  	v55 =	vld [tilespmem:s17+$0x7950]  }
0x11a: {  	v56 =	vld [tilespmem:s17+$0x2960];
	[tilespmem:s17+$0x7940] =	vst v0  }
0x11b: {  	v0 =	vld.idx.msk [tilespmem:v54+s4+$0x0], $0xffff;
	_ =	sdelay $0x4  }
0x11c: {  	v0 =	vmul.f32 v55, v0  }
0x11d: {  	v57 =	vld [tilespmem:s17+$0x7960]  }
0x11e: {  	v58 =	vld [tilespmem:s17+$0x2970];
	[tilespmem:s17+$0x7950] =	vst v0  }
0x11f: {  	v0 =	vld.idx.msk [tilespmem:v56+s4+$0x0], $0xffff;
	_ =	sdelay $0x4  }
0x120: {  	v0 =	vmul.f32 v57, v0;
	_ =	sdelay $0x1  }
0x121: {  	v59 =	vld [tilespmem:s17+$0x7970];
	[tilespmem:s17+$0x7960] =	vst v0  }
0x122: {  	v0 =	vld.idx.msk [tilespmem:v58+s4+$0x0], $0xffff;
	_ =	sdelay $0x4  }
0x123: {  	v0 =	vmul.f32 v59, v0;
	_ =	sdelay $0x1  }
0x124: {  	s16 =	sadd.s32 $0x7900, s17;
	s28 =	sadd.s32 $0xC900, s8;
	[tilespmem:s17+$0x7970] =	vst v0  }
0x125: {  	[spmem:s2] =	stream.indirect.scatter.add.f32 [tilespmem:s16], [sflag:$0x1], $0x1, s28, s20, $0xb8;
	[tilespmem:$0x11D00] =	vst v63  }
0x126: {  	v60 =	vld [tilespmem:s17+$0x2980];
	_ =	sdelay $0x5  }
0x127: {  	v61 =	vld [tilespmem:s17+$0x7980]  }
0x128: {  	v62 =	vld [tilespmem:s17+$0x2990]  }
0x129: {  	v0 =	vld.idx.msk [tilespmem:v60+s4+$0x0], $0xffff;
	_ =	sdelay $0x4  }
0x12a: {  	v0 =	vmul.f32 v61, v0  }
0x12b: {  	v63 =	vld [tilespmem:s17+$0x7990]  }
0x12c: {  	v4 =	vld [tilespmem:s17+$0x29A0];
	[tilespmem:s17+$0x7980] =	vst v0  }
0x12d: {  	v0 =	vld.idx.msk [tilespmem:v62+s4+$0x0], $0xffff;
	_ =	sdelay $0x4  }
0x12e: {  	v0 =	vmul.f32 v63, v0  }
0x12f: {  	v5 =	vld [tilespmem:s17+$0x79A0]  }
0x130: {  	v6 =	vld [tilespmem:s17+$0x29B0];
	[tilespmem:s17+$0x7990] =	vst v0  }
0x131: {  	v0 =	vld.idx.msk [tilespmem:v4+s4+$0x0], $0xffff;
	_ =	sdelay $0x4  }
0x132: {  	v0 =	vmul.f32 v5, v0  }
0x133: {  	v7 =	vld [tilespmem:s17+$0x79B0]  }
0x134: {  	v8 =	vld [tilespmem:s17+$0x29C0];
	[tilespmem:s17+$0x79A0] =	vst v0  }
0x135: {  	v0 =	vld.idx.msk [tilespmem:v6+s4+$0x0], $0xffff;
	_ =	sdelay $0x4  }
0x136: {  	v0 =	vmul.f32 v7, v0  }
0x137: {  	v9 =	vld [tilespmem:s17+$0x79C0]  }
0x138: {  	v10 =	vld [tilespmem:s17+$0x29D0];
	[tilespmem:s17+$0x79B0] =	vst v0  }
0x139: {  	v0 =	vld.idx.msk [tilespmem:v8+s4+$0x0], $0xffff;
	_ =	sdelay $0x4  }
0x13a: {  	v0 =	vmul.f32 v9, v0  }
0x13b: {  	v11 =	vld [tilespmem:s17+$0x79D0]  }
0x13c: {  	v12 =	vld [tilespmem:s17+$0x29E0];
	[tilespmem:s17+$0x79C0] =	vst v0  }
0x13d: {  	v0 =	vld.idx.msk [tilespmem:v10+s4+$0x0], $0xffff;
	_ =	sdelay $0x4  }
0x13e: {  	v0 =	vmul.f32 v11, v0  }
0x13f: {  	v13 =	vld [tilespmem:s17+$0x79E0]  }
0x140: {  	v14 =	vld [tilespmem:s17+$0x29F0];
	[tilespmem:s17+$0x79D0] =	vst v0  }
0x141: {  	v0 =	vld.idx.msk [tilespmem:v12+s4+$0x0], $0xffff;
	_ =	sdelay $0x4  }
0x142: {  	v0 =	vmul.f32 v13, v0;
	_ =	sdelay $0x1  }
0x143: {  	v15 =	vld [tilespmem:s17+$0x79F0];
	[tilespmem:s17+$0x79E0] =	vst v0  }
0x144: {  	v0 =	vld.idx.msk [tilespmem:v14+s4+$0x0], $0xffff;
	_ =	sdelay $0x4  }
0x145: {  	v0 =	vmul.f32 v15, v0;
	_ =	sdelay $0x1  }
0x146: {  	s16 =	sadd.s32 $0x7980, s17;
	s28 =	sadd.s32 $0xC980, s8;
	[tilespmem:s17+$0x79F0] =	vst v0  }
0x147: {  	[spmem:s2] =	stream.indirect.scatter.add.f32 [tilespmem:s16], [sflag:$0x1], $0x1, s28, s20, $0xb8;
	[tilespmem:$0x11D00] =	vst v63  }
0x148: {  	v16 =	vld [tilespmem:s17+$0x2A00];
	_ =	sdelay $0x5  }
0x149: {  	v17 =	vld [tilespmem:s17+$0x7A00]  }
0x14a: {  	v18 =	vld [tilespmem:s17+$0x2A10]  }
0x14b: {  	v0 =	vld.idx.msk [tilespmem:v16+s4+$0x0], $0xffff;
	_ =	sdelay $0x4  }
0x14c: {  	v0 =	vmul.f32 v17, v0  }
0x14d: {  	v19 =	vld [tilespmem:s17+$0x7A10]  }
0x14e: {  	v20 =	vld [tilespmem:s17+$0x2A20];
	[tilespmem:s17+$0x7A00] =	vst v0  }
0x14f: {  	v0 =	vld.idx.msk [tilespmem:v18+s4+$0x0], $0xffff;
	_ =	sdelay $0x4  }
0x150: {  	v0 =	vmul.f32 v19, v0  }
0x151: {  	v21 =	vld [tilespmem:s17+$0x7A20]  }
0x152: {  	v22 =	vld [tilespmem:s17+$0x2A30];
	[tilespmem:s17+$0x7A10] =	vst v0  }
0x153: {  	v0 =	vld.idx.msk [tilespmem:v20+s4+$0x0], $0xffff;
	_ =	sdelay $0x4  }
0x154: {  	v0 =	vmul.f32 v21, v0  }
0x155: {  	v23 =	vld [tilespmem:s17+$0x7A30]  }
0x156: {  	v24 =	vld [tilespmem:s17+$0x2A40];
	[tilespmem:s17+$0x7A20] =	vst v0  }
0x157: {  	v0 =	vld.idx.msk [tilespmem:v22+s4+$0x0], $0xffff;
	_ =	sdelay $0x4  }
0x158: {  	v0 =	vmul.f32 v23, v0  }
0x159: {  	v25 =	vld [tilespmem:s17+$0x7A40]  }
0x15a: {  	v26 =	vld [tilespmem:s17+$0x2A50];
	[tilespmem:s17+$0x7A30] =	vst v0  }
0x15b: {  	v0 =	vld.idx.msk [tilespmem:v24+s4+$0x0], $0xffff;
	_ =	sdelay $0x4  }
0x15c: {  	v0 =	vmul.f32 v25, v0  }
0x15d: {  	v27 =	vld [tilespmem:s17+$0x7A50]  }
0x15e: {  	v28 =	vld [tilespmem:s17+$0x2A60];
	[tilespmem:s17+$0x7A40] =	vst v0  }
0x15f: {  	v0 =	vld.idx.msk [tilespmem:v26+s4+$0x0], $0xffff;
	_ =	sdelay $0x4  }
0x160: {  	v0 =	vmul.f32 v27, v0  }
0x161: {  	v29 =	vld [tilespmem:s17+$0x7A60]  }
0x162: {  	v30 =	vld [tilespmem:s17+$0x2A70];
	[tilespmem:s17+$0x7A50] =	vst v0  }
0x163: {  	v0 =	vld.idx.msk [tilespmem:v28+s4+$0x0], $0xffff;
	_ =	sdelay $0x4  }
0x164: {  	v0 =	vmul.f32 v29, v0;
	_ =	sdelay $0x1  }
0x165: {  	v31 =	vld [tilespmem:s17+$0x7A70];
	[tilespmem:s17+$0x7A60] =	vst v0  }
0x166: {  	v0 =	vld.idx.msk [tilespmem:v30+s4+$0x0], $0xffff;
	_ =	sdelay $0x4  }
0x167: {  	v0 =	vmul.f32 v31, v0;
	_ =	sdelay $0x1  }
0x168: {  	s16 =	sadd.s32 $0x7A00, s17;
	s28 =	sadd.s32 $0xCA00, s8;
	[tilespmem:s17+$0x7A70] =	vst v0  }
0x169: {  	[spmem:s2] =	stream.indirect.scatter.add.f32 [tilespmem:s16], [sflag:$0x1], $0x1, s28, s20, $0xb8;
	[tilespmem:$0x11D00] =	vst v63  }
0x16a: {  	v32 =	vld [tilespmem:s17+$0x2A80];
	_ =	sdelay $0x5  }
0x16b: {  	v33 =	vld [tilespmem:s17+$0x7A80]  }
0x16c: {  	v34 =	vld [tilespmem:s17+$0x2A90]  }
0x16d: {  	v0 =	vld.idx.msk [tilespmem:v32+s4+$0x0], $0xffff;
	_ =	sdelay $0x4  }
0x16e: {  	v0 =	vmul.f32 v33, v0  }
0x16f: {  	v35 =	vld [tilespmem:s17+$0x7A90]  }
0x170: {  	v36 =	vld [tilespmem:s17+$0x2AA0];
	[tilespmem:s17+$0x7A80] =	vst v0  }
0x171: {  	v0 =	vld.idx.msk [tilespmem:v34+s4+$0x0], $0xffff;
	_ =	sdelay $0x4  }
0x172: {  	v0 =	vmul.f32 v35, v0  }
0x173: {  	v37 =	vld [tilespmem:s17+$0x7AA0]  }
0x174: {  	v38 =	vld [tilespmem:s17+$0x2AB0];
	[tilespmem:s17+$0x7A90] =	vst v0  }
0x175: {  	v0 =	vld.idx.msk [tilespmem:v36+s4+$0x0], $0xffff;
	_ =	sdelay $0x4  }
0x176: {  	v0 =	vmul.f32 v37, v0  }
0x177: {  	v39 =	vld [tilespmem:s17+$0x7AB0]  }
0x178: {  	v40 =	vld [tilespmem:s17+$0x2AC0];
	[tilespmem:s17+$0x7AA0] =	vst v0  }
0x179: {  	v0 =	vld.idx.msk [tilespmem:v38+s4+$0x0], $0xffff;
	_ =	sdelay $0x4  }
0x17a: {  	v0 =	vmul.f32 v39, v0  }
0x17b: {  	v41 =	vld [tilespmem:s17+$0x7AC0]  }
0x17c: {  	v42 =	vld [tilespmem:s17+$0x2AD0];
	[tilespmem:s17+$0x7AB0] =	vst v0  }
0x17d: {  	v0 =	vld.idx.msk [tilespmem:v40+s4+$0x0], $0xffff;
	_ =	sdelay $0x4  }
0x17e: {  	v0 =	vmul.f32 v41, v0  }
0x17f: {  	v43 =	vld [tilespmem:s17+$0x7AD0]  }
0x180: {  	v44 =	vld [tilespmem:s17+$0x2AE0];
	[tilespmem:s17+$0x7AC0] =	vst v0  }
0x181: {  	v0 =	vld.idx.msk [tilespmem:v42+s4+$0x0], $0xffff;
	_ =	sdelay $0x4  }
0x182: {  	v0 =	vmul.f32 v43, v0  }
0x183: {  	v45 =	vld [tilespmem:s17+$0x7AE0]  }
0x184: {  	v46 =	vld [tilespmem:s17+$0x2AF0];
	[tilespmem:s17+$0x7AD0] =	vst v0  }
0x185: {  	v0 =	vld.idx.msk [tilespmem:v44+s4+$0x0], $0xffff;
	_ =	sdelay $0x4  }
0x186: {  	v0 =	vmul.f32 v45, v0;
	_ =	sdelay $0x1  }
0x187: {  	v47 =	vld [tilespmem:s17+$0x7AF0];
	[tilespmem:s17+$0x7AE0] =	vst v0  }
0x188: {  	v0 =	vld.idx.msk [tilespmem:v46+s4+$0x0], $0xffff;
	_ =	sdelay $0x4  }
0x189: {  	v0 =	vmul.f32 v47, v0;
	_ =	sdelay $0x1  }
0x18a: {  	s16 =	sadd.s32 $0x7A80, s17;
	s28 =	sadd.s32 $0xCA80, s8;
	[tilespmem:s17+$0x7AF0] =	vst v0  }
0x18b: {  	[spmem:s2] =	stream.indirect.scatter.add.f32 [tilespmem:s16], [sflag:$0x1], $0x1, s28, s20, $0xb8;
	[tilespmem:$0x11D00] =	vst v63  }
0x18c: {  	v48 =	vld [tilespmem:s17+$0x2B00];
	_ =	sdelay $0x5  }
0x18d: {  	v49 =	vld [tilespmem:s17+$0x7B00]  }
0x18e: {  	v50 =	vld [tilespmem:s17+$0x2B10]  }
0x18f: {  	v0 =	vld.idx.msk [tilespmem:v48+s4+$0x0], $0xffff;
	_ =	sdelay $0x4  }
0x190: {  	v0 =	vmul.f32 v49, v0  }
0x191: {  	v51 =	vld [tilespmem:s17+$0x7B10]  }
0x192: {  	v52 =	vld [tilespmem:s17+$0x2B20];
	[tilespmem:s17+$0x7B00] =	vst v0  }
0x193: {  	v0 =	vld.idx.msk [tilespmem:v50+s4+$0x0], $0xffff;
	_ =	sdelay $0x4  }
0x194: {  	v0 =	vmul.f32 v51, v0  }
0x195: {  	v53 =	vld [tilespmem:s17+$0x7B20]  }
0x196: {  	v54 =	vld [tilespmem:s17+$0x2B30];
	[tilespmem:s17+$0x7B10] =	vst v0  }
0x197: {  	v0 =	vld.idx.msk [tilespmem:v52+s4+$0x0], $0xffff;
	_ =	sdelay $0x4  }
0x198: {  	v0 =	vmul.f32 v53, v0  }
0x199: {  	v55 =	vld [tilespmem:s17+$0x7B30]  }
0x19a: {  	v56 =	vld [tilespmem:s17+$0x2B40];
	[tilespmem:s17+$0x7B20] =	vst v0  }
0x19b: {  	v0 =	vld.idx.msk [tilespmem:v54+s4+$0x0], $0xffff;
	_ =	sdelay $0x4  }
0x19c: {  	v0 =	vmul.f32 v55, v0  }
0x19d: {  	v57 =	vld [tilespmem:s17+$0x7B40]  }
0x19e: {  	v58 =	vld [tilespmem:s17+$0x2B50];
	[tilespmem:s17+$0x7B30] =	vst v0  }
0x19f: {  	v0 =	vld.idx.msk [tilespmem:v56+s4+$0x0], $0xffff;
	_ =	sdelay $0x4  }
0x1a0: {  	v0 =	vmul.f32 v57, v0  }
0x1a1: {  	v59 =	vld [tilespmem:s17+$0x7B50]  }
0x1a2: {  	v60 =	vld [tilespmem:s17+$0x2B60];
	[tilespmem:s17+$0x7B40] =	vst v0  }
0x1a3: {  	v0 =	vld.idx.msk [tilespmem:v58+s4+$0x0], $0xffff;
	_ =	sdelay $0x4  }
0x1a4: {  	v0 =	vmul.f32 v59, v0  }
0x1a5: {  	v61 =	vld [tilespmem:s17+$0x7B60]  }
0x1a6: {  	v62 =	vld [tilespmem:s17+$0x2B70];
	[tilespmem:s17+$0x7B50] =	vst v0  }
0x1a7: {  	v0 =	vld.idx.msk [tilespmem:v60+s4+$0x0], $0xffff;
	_ =	sdelay $0x4  }
0x1a8: {  	v0 =	vmul.f32 v61, v0;
	_ =	sdelay $0x1  }
0x1a9: {  	v63 =	vld [tilespmem:s17+$0x7B70];
	[tilespmem:s17+$0x7B60] =	vst v0  }
0x1aa: {  	v0 =	vld.idx.msk [tilespmem:v62+s4+$0x0], $0xffff;
	_ =	sdelay $0x4  }
0x1ab: {  	v0 =	vmul.f32 v63, v0;
	_ =	sdelay $0x1  }
0x1ac: {  	p1 =	slt.u32 s0, $0x2;
	s8 =	sadd.s32 $0xCB00, s8;
	s28 =	sadd.s32 $0x7B00, s17;
	[tilespmem:s17+$0x7B70] =	vst v0  }
0x1ad: {  	[spmem:s2] =	stream.indirect.scatter.add.f32 [tilespmem:s28], [sflag:$0x1], $0x1, s8, s20, $0xb8;
	[tilespmem:$0x11D00] =	vst v63  }
0x1ae: {  	s8 =	simm.s32 @!p1 $0x1  }
0x1af: {  	_ =	swait.ge @!p1 [sflag:s8], $0x80  }
0x1b0: {  	[sflag:s8] =	ssyncset.done @!p1 $0x0  }
0x1b1: {  	[sflag:s8] =	ssyncadd.s32 @!p1 $0xFFFFFF80  }
0x1b2: {  	_ =	swait.ge @!p1 [sflag:s8], $0x80  }
0x1b3: {  	[sflag:s8] =	ssyncset.done @!p1 $0x0  }
0x1b4: {  	[sflag:s8] =	ssyncadd.s32 @!p1 $0xFFFFFF80  }
0x1b5: {  	_ =	swait.ge @!p1 [sflag:s8], $0x80  }
0x1b6: {  	[sflag:s8] =	ssyncset.done @!p1 $0x0  }
0x1b7: {  	[sflag:s8] =	ssyncadd.s32 @!p1 $0xFFFFFF80  }
0x1b8: {  	_ =	swait.ge @!p1 [sflag:s8], $0x80  }
0x1b9: {  	[sflag:s8] =	ssyncset.done @!p1 $0x0  }
0x1ba: {  	[sflag:s8] =	ssyncadd.s32 @!p1 $0xFFFFFF80  }
0x1bb: {  	_ =	swait.ge @!p1 [sflag:s8], $0x80  }
0x1bc: {  	[sflag:s8] =	ssyncset.done @!p1 $0x0  }
0x1bd: {  	[sflag:s8] =	ssyncadd.s32 @!p1 $0xFFFFFF80  }
0x1be: {  	_ =	swait.ge @!p1 [sflag:s8], $0x80  }
0x1bf: {  	[sflag:s8] =	ssyncset.done @!p1 $0x0  }
0x1c0: {  	s0 =	sadd.s32 $0x1, s0;
	[sflag:s8] =	ssyncadd.s32 @!p1 $0xFFFFFF80  }
0x1c1: {  	p2 =	sne.s32 s0, s14;
	_ =	swait.ge @!p1 [sflag:s8], $0x80  }
.Ltmp5:
0x1c2: {  	[sflag:s8] =	ssyncset.done @!p1 $0x0;
	(pc) =	sbr.rel @p2 .LBB2_3-.Ltmp5, $4  }
0x1c3: {  	[sflag:s8] =	ssyncadd.s32 @!p1 $0xFFFFFF80  }
0x1c4: {  	_ =	swait.ge @!p1 [sflag:s8], $0x80  }
0x1c5: {  	[sflag:s8] =	ssyncset.done @!p1 $0x0  }
0x1c6: {  	[sflag:s8] =	ssyncadd.s32 @!p1 $0xFFFFFF80  }
.Ltmp6:
0x1c7: {  	_ = 	snop;
	(pc) =	sbr.rel .LBB2_4-.Ltmp6, $1  }
0x1c8: {  	_ =	sdelay $0x3  }
.LBB2_6:
0x1c9: {  	_ =	sfence.sel $0x180000  }
0x1ca: {  	[bflag:$0x0] =	sbarrier.arrive $0xFFFF  }
0x1cb: {  	_ =	strace $0x90000047  }
0x1cc: {  	[bflag:$0x2] =	sbarrier.arrive $0xFFFF  }
0x1cd: {  	p0 =	sne.s32 s3, $0x0;
	s0 =	rddreg [dreg:$0x3]  }
0x1ce: {  	s0 =	sadd.s32 @!p0 $0x100000, s0  }
0x1cf: {  	[sflag:s0] =	ssyncadd.tile.s32 @!p0 $0x1;
	_ =	shalt  }
.Lfunc_end2:
_tile_overlayer_lowered:
.L_overlay_start_2:
0x1d0: {  	(tag) =	ssettag $0x2  }
0x1d1: {  	s0 =	rddreg [dreg:$0x0];
	s2 =	stileid.u32  }
0x1d2: {  	s1 =	rddreg [dreg:$0x1];
	p0 =	sne.s32 s2, $0x0  }
0x1d3: {  	s3 =	rddreg [dreg:$0x2];
	[bflag:$0x3] =	sbarrier.arrive $0xFFFF;
	s2 =	simm.s32 @!p0 $0x1C02  }
0x1d4: {  	[timem:s3], [sflag:s2] =	dma.local @!p0 [hbm:s0], s1  }
0x1d5: {  	s0 =	simm.s32 @!p0 $0x2  }
0x1d6: {  	_ =	swait.ge @!p0 [sflag:s0], s1  }
0x1d7: {  	s1 =	ssub.s32 @!p0 $0x0, s1;
	[sflag:s0] =	ssyncset.done @!p0 $0x0  }
0x1d8: {  	[sflag:s0] =	ssyncadd.s32 @!p0 s1  }
0x1d9: {  	[bflag:$0x3] =	sbarrier.arrive $0xFFFF  }
0x1da: {  	_ =	shalt  }

</sc_bundles>
